<compile_context>
chip_gen: v7x
topology: tpu7x:2x2x1
jax: 0.10.2.dev20260603
libtpu: 0.0.44.dev20260713+nightly
codegen_flags: <defaults>
</compile_context>

<pallas_src>
import functools

import jax
import jax.numpy as jnp
from jax import lax
from jax.experimental import pallas as pl
from jax.experimental.pallas import tpu as pltpu
from jax.experimental.pallas import tpu_sc as plsc

F32 = jnp.float32
_N = 2048
_E = 32768
_A = 1000
_LOCK = _N + _E
_FEAT = 4 * _N + _LOCK

_HI = lax.Precision.HIGHEST

_NC = 2
_NS = 16
_NW = _NC * _NS
_EPW = _E // _NW
_CH = 128
_NCH = _EPW // _CH

_TW = 64
_HW = 16
_PK = 8
_ZW = _PK * _TW
_HPW = _PK * _HW
_NR = _N // _PK


def _tables_body(x_ref, w_ref, t_ref):
    x = x_ref[...]
    wa = w_ref[:_N, :]
    wb = w_ref[_N:, :]
    t_ref[:, :_TW] = jnp.dot(x, wa - wb, preferred_element_type=F32,
                             precision=_HI)
    t_ref[:, _TW:] = jnp.dot(x, wb, preferred_element_type=F32, precision=_HI)


def _edge_tables(x, w1p):
    mb = 256
    return pl.pallas_call(
        _tables_body,
        grid=(_N // mb,),
        in_specs=[
            pl.BlockSpec((mb, _N), lambda i: (i, 0)),
            pl.BlockSpec((2 * _N, _TW), lambda i: (0, 0)),
        ],
        out_specs=pl.BlockSpec((mb, 2 * _TW), lambda i: (i, 0)),
        out_shape=jax.ShapeDtypeStruct((_N, 2 * _TW), F32),
    )(x, w1p)


def _gather_body(tab, didx, sidx, out, shared, idx_v, bufd, bufs, zbuf,
                 semd, sems):
    wid = lax.axis_index("s") * _NC + lax.axis_index("c")
    sid = lax.axis_index("s")

    @pl.when(sid == 0)
    def _():
        pltpu.sync_copy(tab, shared)

    pltpu.sync_copy(didx.at[pl.ds(wid * _NCH, _NCH)], idx_v.at[0])
    pltpu.sync_copy(sidx.at[pl.ds(wid * _NCH, _NCH)], idx_v.at[1])
    plsc.subcore_barrier()

    def start(r, p):
        return (
            pltpu.async_copy(shared.at[idx_v.at[0, r]], bufd.at[p], semd),
            pltpu.async_copy(shared.at[idx_v.at[1, r]], bufs.at[p], sems),
        )

    cps = start(0, 0)
    for r in range(_NCH):
        p = r & 1
        cps[0].wait()
        cps[1].wait()
        if r + 1 < _NCH:
            cps = start(r + 1, 1 - p)

        def compute(e, carry):
            er = e >> 3
            ec = (e & 7) * _TW
            for c in range(4):
                a = bufd[p, e, pl.ds(c * 16, 16)]
                b = bufs[p, e, pl.ds(_TW + c * 16, 16)]
                zbuf[er, pl.ds(ec + c * 16, 16)] = a + b
            return carry

        lax.fori_loop(0, _CH, compute, 0)
        pltpu.sync_copy(
            zbuf, out.at[pl.ds((wid * _NCH + r) * (_CH // _PK), _CH // _PK)]
        )


_gather_rows = functools.partial(
    pl.kernel,
    out_type=jax.ShapeDtypeStruct((_E // _PK, _ZW), F32),
    mesh=plsc.VectorSubcoreMesh(core_axis_name="c", subcore_axis_name="s"),
    scratch_types=[
        pltpu.VMEM_SHARED((_N, 2 * _TW), F32),
        pltpu.VMEM((2, _NCH, _CH), jnp.int32),
        pltpu.VMEM((2, _CH, 2 * _TW), F32),
        pltpu.VMEM((2, _CH, 2 * _TW), F32),
        pltpu.VMEM((_CH // _PK, _ZW), F32),
        pltpu.SemaphoreType.DMA,
        pltpu.SemaphoreType.DMA,
    ],
)(_gather_body)


def _mlp_body(z_ref, b1_ref, w2_ref, b2_ref, w3_ref, b3_ref, h_ref):
    z1 = z_ref[...] + b1_ref[...]
    z1 = z1 * jax.nn.sigmoid(z1)
    z2 = jnp.dot(z1, w2_ref[...], preferred_element_type=F32, precision=_HI)
    z2 = z2 + b2_ref[...]
    z2 = z2 * jax.nn.sigmoid(z2)
    z3 = jnp.dot(z2, w3_ref[...], preferred_element_type=F32, precision=_HI)
    z3 = z3 + b3_ref[...]
    h_ref[...] = z3 * jax.nn.sigmoid(z3)


def _edge_mlp(rows_z, b1t, bd2, b2t, bd3, b3t):
    be = 512
    const = lambda i: (0, 0)
    return pl.pallas_call(
        _mlp_body,
        grid=(_E // _PK // be,),
        in_specs=[
            pl.BlockSpec((be, _ZW), lambda i: (i, 0)),
            pl.BlockSpec((1, _ZW), const),
            pl.BlockSpec((_ZW, _HPW), const),
            pl.BlockSpec((1, _HPW), const),
            pl.BlockSpec((_HPW, _HPW), const),
            pl.BlockSpec((1, _HPW), const),
        ],
        out_specs=pl.BlockSpec((be, _HPW), lambda i: (i, 0)),
        out_shape=jax.ShapeDtypeStruct((_E // _PK, _HPW), F32),
    )(rows_z, b1t, bd2, b2t, bd3, b3t)


def _segmax_body(h_hbm, d_hbm, init_hbm, parts, hbuf, dbuf, acc):
    wid = lax.axis_index("s") * _NC + lax.axis_index("c")
    rpw = _EPW // _PK
    pltpu.sync_copy(init_hbm, acc)
    pltpu.sync_copy(h_hbm.at[pl.ds(wid * rpw, rpw)], hbuf)
    pltpu.sync_copy(d_hbm.at[pl.ds(wid * _NCH, _NCH)], dbuf)

    def body(g, carry):
        row = g >> 3
        col = (g & 7) * 16
        dvec = dbuf[row, pl.ds(col, 16)]
        for j in range(16):
            d = dvec[j]
            dr = d >> 3
            dc = (d & 7) * _HW
            hv = hbuf[2 * g + (j >> 3), pl.ds((j & 7) * _HW, _HW)]
            cur = acc[dr, pl.ds(dc, _HW)]
            acc[dr, pl.ds(dc, _HW)] = jnp.maximum(cur, hv)
        return carry

    lax.fori_loop(0, _EPW // 16, body, 0)
    pltpu.sync_copy(acc, parts.at[wid])


_segmax = functools.partial(
    pl.kernel,
    out_type=jax.ShapeDtypeStruct((_NW, _NR, _HPW), F32),
    mesh=plsc.VectorSubcoreMesh(core_axis_name="c", subcore_axis_name="s"),
    scratch_types=[
        pltpu.VMEM((_EPW // _PK, _HPW), F32),
        pltpu.VMEM((_NCH, _CH), jnp.int32),
        pltpu.VMEM((_NR, _HPW), F32),
    ],
)(_segmax_body)


def _maxred_body(p_ref, q_ref):
    m = p_ref[0]
    for i in range(1, _NW):
        m = jnp.maximum(m, p_ref[i])
    m = jnp.where(jnp.isfinite(m), m, 0.0)
    q_ref[...] = jnp.concatenate(
        [m[:, j * _HW:j * _HW + 4] for j in range(_PK)], axis=1
    )


def _max_reduce(parts):
    return pl.pallas_call(
        _maxred_body,
        in_specs=[pl.BlockSpec((_NW, _NR, _HPW), lambda: (0, 0, 0))],
        out_specs=pl.BlockSpec((_NR, 4 * _PK), lambda: (0, 0)),
        out_shape=jax.ShapeDtypeStruct((_NR, 4 * _PK), F32),
    )(parts)


_KB = 2048
_NKB = _FEAT // _KB


def _heads_body(f_ref, wp_ref, bp_ref, pol_ref, accp):
    k = pl.program_id(0)
    pp = jnp.dot(f_ref[...], wp_ref[...], preferred_element_type=F32)

    @pl.when(k == 0)
    def _():
        accp[...] = pp

    @pl.when(k > 0)
    def _():
        accp[...] += pp

    @pl.when(k == _NKB - 1)
    def _():
        logits = accp[...] + bp_ref[...]
        m = jnp.max(logits, axis=-1, keepdims=True)
        ez = jnp.exp(logits - m)
        pol_ref[...] = ez / jnp.sum(ez, axis=-1, keepdims=True)


def _heads(feat, wp, bp):
    const = lambda k: (0, 0)
    return pl.pallas_call(
        _heads_body,
        grid=(_NKB,),
        in_specs=[
            pl.BlockSpec((1, _KB), lambda k: (0, k)),
            pl.BlockSpec((_KB, _A), lambda k: (k, 0)),
            pl.BlockSpec((1, _A), const),
        ],
        out_specs=pl.BlockSpec((1, _A), const),
        out_shape=jax.ShapeDtypeStruct((1, _A), F32),
        scratch_shapes=[
            pltpu.VMEM((1, _A), F32),
        ],
    )(feat, wp, bp)


def kernel(qubit_interactions, locked_edges, edges, W1, b1, W2, b2, W3, b3,
           Wv1, bv1, Wv2, bv2, Wv3, bv3, Wp, bp):
    x = qubit_interactions
    w1p = jnp.zeros((2 * _N, _TW), F32).at[:, :50].set(W1)
    tab = _edge_tables(x, w1p)

    dst2d = edges[1].reshape(_E // _CH, _CH)
    src2d = edges[0].reshape(_E // _CH, _CH)
    rows_z = _gather_rows(tab, dst2d, src2d)

    b1p = jnp.zeros((1, _TW), F32).at[0, :50].set(b1)
    w2p = jnp.zeros((_TW, _HW), F32).at[:50, :10].set(W2)
    b2p = jnp.zeros((1, _HW), F32).at[0, :10].set(b2)
    w3p = jnp.zeros((_HW, _HW), F32).at[:10, :4].set(W3)
    b3p = jnp.zeros((1, _HW), F32).at[0, :4].set(b3)
    eye8 = jnp.eye(_PK, dtype=F32)
    b1t = jnp.tile(b1p, (1, _PK))
    bd2 = jnp.kron(eye8, w2p)
    b2t = jnp.tile(b2p, (1, _PK))
    bd3 = jnp.kron(eye8, w3p)
    b3t = jnp.tile(b3p, (1, _PK))
    h = _edge_mlp(rows_z, b1t, bd2, b2t, bd3, b3t)

    ninit = jnp.full((_NR, _HPW), -jnp.inf, F32)
    parts = _segmax(h, dst2d, ninit)
    q2d = _max_reduce(parts)

    feat = jnp.concatenate([q2d.reshape(-1), locked_edges])
    pol = _heads(feat.reshape(1, _FEAT), Wp, bp.reshape(1, _A))
    hv = feat @ Wv1 + bv1
    hv = hv * jax.nn.sigmoid(hv)
    hv = hv @ Wv2 + bv2
    hv = hv * jax.nn.sigmoid(hv)
    val = hv @ Wv3 + bv3
    return (val, pol.reshape(_A))

# --- scband reference (transcript-rebuilt; emitter-appended) ---
"""Pipeline reference for scband-mcts-gnn-25915832664323 (READ-ONLY COPY).

The authoritative reference and input builder live on the scoring server;
editing this copy changes nothing except your own understanding.
"""

import jax, jax.numpy as jnp
import numpy as np

N = 2048
E = 32768
A = 1000
LOCK = N + E  # locked_edges length (num_nodes + num_edges)
FEAT = 4 * N + LOCK  # 43008


def silu(x):
    return x * jax.nn.sigmoid(x)


def setup_inputs(seed: int = 0) -> dict:
    key = jax.random.key(seed)
    ks = jax.random.split(key, 20)
    inp = {}
    inp['qubit_interactions'] = jax.random.normal(ks[0], (N, N), dtype=jnp.float32)
    inp['locked_edges'] = jax.random.normal(ks[1], (LOCK,), dtype=jnp.float32)
    inp['edges'] = jax.random.randint(ks[2], (2, E), 0, N, dtype=jnp.int32)
    # EdgeConv MLP: Linear(2N,50) SiLU Linear(50,10) SiLU Linear(10,4) SiLU
    inp['W1'] = jax.random.normal(ks[3], (2 * N, 50), dtype=jnp.float32) * 0.02
    inp['b1'] = jnp.zeros((50,), dtype=jnp.float32)
    inp['W2'] = jax.random.normal(ks[4], (50, 10), dtype=jnp.float32) * 0.1
    inp['b2'] = jnp.zeros((10,), dtype=jnp.float32)
    inp['W3'] = jax.random.normal(ks[5], (10, 4), dtype=jnp.float32) * 0.1
    inp['b3'] = jnp.zeros((4,), dtype=jnp.float32)
    # value net: Linear(FEAT,64) SiLU Linear(64,16) SiLU Linear(16,1)
    inp['Wv1'] = jax.random.normal(ks[6], (FEAT, 64), dtype=jnp.float32) * 0.01
    inp['bv1'] = jnp.zeros((64,), dtype=jnp.float32)
    inp['Wv2'] = jax.random.normal(ks[7], (64, 16), dtype=jnp.float32) * 0.1
    inp['bv2'] = jnp.zeros((16,), dtype=jnp.float32)
    inp['Wv3'] = jax.random.normal(ks[8], (16, 1), dtype=jnp.float32) * 0.1
    inp['bv3'] = jnp.zeros((1,), dtype=jnp.float32)
    # policy net: Linear(FEAT, A) + Softmax
    inp['Wp'] = jax.random.normal(ks[9], (FEAT, A), dtype=jnp.float32) * 0.01
    inp['bp'] = jnp.zeros((A,), dtype=jnp.float32)
    return inp


def _edge_conv(x, edges, W1, b1, W2, b2, W3, b3):
    src = edges[0]
    dst = edges[1]
    x_i = jnp.take(x, dst, axis=0)
    x_j = jnp.take(x, src, axis=0)
    h = jnp.concatenate([x_i, x_j - x_i], axis=-1)
    h = silu(h @ W1 + b1)
    h = silu(h @ W2 + b2)
    h = silu(h @ W3 + b3)
    out = jax.ops.segment_max(h, dst, num_segments=N)
    # nodes with no incoming edges -> fill 0 (PyG max-aggr convention)
    out = jnp.where(jnp.isfinite(out), out, 0.0)
    return out


def reference(qubit_interactions, locked_edges, edges, W1, b1, W2, b2, W3, b3, Wv1, bv1, Wv2, bv2, Wv3, bv3, Wp, bp):
    q = _edge_conv(qubit_interactions, edges, W1, b1, W2, b2, W3, b3).reshape(-1)
    feat = jnp.concatenate([q, locked_edges])
    h = silu(feat @ Wv1 + bv1)
    h = silu(h @ Wv2 + bv2)
    value = h @ Wv3 + bv3  # shape [1]
    policy = jax.nn.softmax(feat @ Wp + bp, axis=-1)
    return (value, policy)

if __name__ == "__main__":
    import jax
    _d = setup_inputs()
    print(jax.jit(kernel)(*tuple(_d.values())))

</pallas_src>

<mosaic_0001>
#map = affine_map<(d0, d1) -> (0, 0)>
module attributes {stable_mosaic.version = 14 : i64} {
  func.func @_gather_body(%arg0: i32, %arg1: i32, %arg2: memref<2048x128xf32, #tpu.memory_space<hbm>>, %arg3: memref<256x128xi32, #tpu.memory_space<hbm>>, %arg4: memref<256x128xi32, #tpu.memory_space<hbm>>, %arg5: memref<4096x512xf32, #tpu.memory_space<hbm>>, %arg6: memref<2048x128xf32, #tpu.memory_space<vmem_shared>>, %arg7: memref<2x8x128xi32, #tpu.memory_space<vmem>>, %arg8: memref<2x128x128xf32, #tpu.memory_space<vmem>>, %arg9: memref<2x128x128xf32, #tpu.memory_space<vmem>>, %arg10: memref<16x512xf32, #tpu.memory_space<vmem>>, %arg11: memref<!tpu.dma_semaphore, #tpu.memory_space<semaphore_mem>>, %arg12: memref<!tpu.dma_semaphore, #tpu.memory_space<semaphore_mem>>) attributes {dimension_semantics = [#tpu.dimension_semantics<core_parallel>, #tpu.dimension_semantics<subcore_parallel>], iteration_bounds = array<i64: 2, 16>, scalar_prefetch = 0 : i64, scratch_operands = 7 : i64, tpu.core_type = #tpu.core_type<sc_vector_subcore>, window_params = [{transform_indices = #map}, {transform_indices = #map}, {transform_indices = #map}, {transform_indices = #map}]} {
    %mul3A = arith.constant 2 : i32
    %mul3A_0 = arith.muli %arg1, %mul3A : i32
    %add3A = arith.addi %mul3A_0, %arg0 : i32
    %eq3A = arith.constant 0 : i32
    %eq3A_1 = arith.cmpi eq, %arg1, %eq3A : i32
    %convert_element_type3A = arith.extui %eq3A_1 : i1 to i32
    %cond3A = arith.constant 0 : i32
    %cond3A_2 = arith.cmpi ne, %convert_element_type3A, %cond3A : i32
    scf.if %cond3A_2 {
      "tpu.region"() ({
        %run_scoped3A_517 = tpu.sem_alloc : memref<!tpu.dma_semaphore, #tpu.memory_space<semaphore_mem>>
        tpu.enqueue_dma source(%arg2 : memref<2048x128xf32, #tpu.memory_space<hbm>>) target(%arg6 : memref<2048x128xf32, #tpu.memory_space<vmem_shared>>) target_semaphore(%run_scoped3A_517 : memref<!tpu.dma_semaphore, #tpu.memory_space<semaphore_mem>>)
        tpu.wait_dma2 semaphore(%run_scoped3A_517 : memref<!tpu.dma_semaphore, #tpu.memory_space<semaphore_mem>>) src(%arg2 : memref<2048x128xf32, #tpu.memory_space<hbm>>) dst(%arg6 : memref<2048x128xf32, #tpu.memory_space<vmem_shared>>)
        tpu.yield
      }) : () -> ()
    } else {
    }
    %mul3A_3 = arith.constant 8 : i32
    %mul3A_4 = arith.muli %add3A, %mul3A_3 : i32
    %run_scoped3A = arith.constant 0 : i32
    "tpu.region"() ({
      %run_scoped3A_517 = tpu.sem_alloc : memref<!tpu.dma_semaphore, #tpu.memory_space<semaphore_mem>>
      %dma_start3A_518 = arith.constant 0 : i32
      %dma_start3A_519 = arith.constant 0 : i32
      %dma_start3A_520 = tpu.memref_slice %arg7[%run_scoped3A, %dma_start3A_518, %dma_start3A_519] : memref<2x8x128xi32, #tpu.memory_space<vmem>> -> memref<1x8x128xi32, #tpu.memory_space<vmem>>
      %dma_start3A_521 = tpu.memref_squeeze %dma_start3A_520 : memref<1x8x128xi32, #tpu.memory_space<vmem>> -> memref<8x128xi32, #tpu.memory_space<vmem>>
      %dma_start3A_522 = arith.constant 0 : i32
      %dma_start3A_523 = tpu.memref_slice %arg3[%mul3A_4, %dma_start3A_522] : memref<256x128xi32, #tpu.memory_space<hbm>> -> memref<8x128xi32, #tpu.memory_space<hbm>>
      %dma_start3A_524 = arith.constant 0 : i32
      %dma_start3A_525 = arith.constant 0 : i32
      %dma_start3A_526 = tpu.memref_slice %arg7[%run_scoped3A, %dma_start3A_524, %dma_start3A_525] : memref<2x8x128xi32, #tpu.memory_space<vmem>> -> memref<1x8x128xi32, #tpu.memory_space<vmem>>
      %dma_start3A_527 = tpu.memref_squeeze %dma_start3A_526 : memref<1x8x128xi32, #tpu.memory_space<vmem>> -> memref<8x128xi32, #tpu.memory_space<vmem>>
      %dma_start3A_528 = arith.constant 0 : i32
      %dma_start3A_529 = tpu.memref_slice %arg3[%mul3A_4, %dma_start3A_528] : memref<256x128xi32, #tpu.memory_space<hbm>> -> memref<8x128xi32, #tpu.memory_space<hbm>>
      tpu.enqueue_dma source(%dma_start3A_529 : memref<8x128xi32, #tpu.memory_space<hbm>>) target(%dma_start3A_527 : memref<8x128xi32, #tpu.memory_space<vmem>>) target_semaphore(%run_scoped3A_517 : memref<!tpu.dma_semaphore, #tpu.memory_space<semaphore_mem>>)
      %dma_wait3A_530 = arith.constant 0 : i32
      %dma_wait3A_531 = arith.constant 0 : i32
      %dma_wait3A_532 = tpu.memref_slice %arg7[%run_scoped3A, %dma_wait3A_530, %dma_wait3A_531] : memref<2x8x128xi32, #tpu.memory_space<vmem>> -> memref<1x8x128xi32, #tpu.memory_space<vmem>>
      %dma_wait3A_533 = tpu.memref_squeeze %dma_wait3A_532 : memref<1x8x128xi32, #tpu.memory_space<vmem>> -> memref<8x128xi32, #tpu.memory_space<vmem>>
      %dma_wait3A_534 = arith.constant 0 : i32
      %dma_wait3A_535 = tpu.memref_slice %arg3[%mul3A_4, %dma_wait3A_534] : memref<256x128xi32, #tpu.memory_space<hbm>> -> memref<8x128xi32, #tpu.memory_space<hbm>>
      %dma_wait3A_536 = arith.constant 0 : i32
      %dma_wait3A_537 = arith.constant 0 : i32
      %dma_wait3A_538 = tpu.memref_slice %arg7[%run_scoped3A, %dma_wait3A_536, %dma_wait3A_537] : memref<2x8x128xi32, #tpu.memory_space<vmem>> -> memref<1x8x128xi32, #tpu.memory_space<vmem>>
      %dma_wait3A_539 = tpu.memref_squeeze %dma_wait3A_538 : memref<1x8x128xi32, #tpu.memory_space<vmem>> -> memref<8x128xi32, #tpu.memory_space<vmem>>
      %dma_wait3A_540 = arith.constant 0 : i32
      %dma_wait3A_541 = tpu.memref_slice %arg3[%mul3A_4, %dma_wait3A_540] : memref<256x128xi32, #tpu.memory_space<hbm>> -> memref<8x128xi32, #tpu.memory_space<hbm>>
      tpu.wait_dma2 semaphore(%run_scoped3A_517 : memref<!tpu.dma_semaphore, #tpu.memory_space<semaphore_mem>>) src(%dma_wait3A_541 : memref<8x128xi32, #tpu.memory_space<hbm>>) dst(%dma_wait3A_539 : memref<8x128xi32, #tpu.memory_space<vmem>>)
      tpu.yield
    }) : () -> ()
    %mul3A_5 = arith.constant 8 : i32
    %mul3A_6 = arith.muli %add3A, %mul3A_5 : i32
    %run_scoped3A_7 = arith.constant 1 : i32
    "tpu.region"() ({
      %run_scoped3A_517 = tpu.sem_alloc : memref<!tpu.dma_semaphore, #tpu.memory_space<semaphore_mem>>
      %dma_start3A_518 = arith.constant 0 : i32
      %dma_start3A_519 = arith.constant 0 : i32
      %dma_start3A_520 = tpu.memref_slice %arg7[%run_scoped3A_7, %dma_start3A_518, %dma_start3A_519] : memref<2x8x128xi32, #tpu.memory_space<vmem>> -> memref<1x8x128xi32, #tpu.memory_space<vmem>>
      %dma_start3A_521 = tpu.memref_squeeze %dma_start3A_520 : memref<1x8x128xi32, #tpu.memory_space<vmem>> -> memref<8x128xi32, #tpu.memory_space<vmem>>
      %dma_start3A_522 = arith.constant 0 : i32
      %dma_start3A_523 = tpu.memref_slice %arg4[%mul3A_6, %dma_start3A_522] : memref<256x128xi32, #tpu.memory_space<hbm>> -> memref<8x128xi32, #tpu.memory_space<hbm>>
      %dma_start3A_524 = arith.constant 0 : i32
      %dma_start3A_525 = arith.constant 0 : i32
      %dma_start3A_526 = tpu.memref_slice %arg7[%run_scoped3A_7, %dma_start3A_524, %dma_start3A_525] : memref<2x8x128xi32, #tpu.memory_space<vmem>> -> memref<1x8x128xi32, #tpu.memory_space<vmem>>
      %dma_start3A_527 = tpu.memref_squeeze %dma_start3A_526 : memref<1x8x128xi32, #tpu.memory_space<vmem>> -> memref<8x128xi32, #tpu.memory_space<vmem>>
      %dma_start3A_528 = arith.constant 0 : i32
      %dma_start3A_529 = tpu.memref_slice %arg4[%mul3A_6, %dma_start3A_528] : memref<256x128xi32, #tpu.memory_space<hbm>> -> memref<8x128xi32, #tpu.memory_space<hbm>>
      tpu.enqueue_dma source(%dma_start3A_529 : memref<8x128xi32, #tpu.memory_space<hbm>>) target(%dma_start3A_527 : memref<8x128xi32, #tpu.memory_space<vmem>>) target_semaphore(%run_scoped3A_517 : memref<!tpu.dma_semaphore, #tpu.memory_space<semaphore_mem>>)
      %dma_wait3A_530 = arith.constant 0 : i32
      %dma_wait3A_531 = arith.constant 0 : i32
      %dma_wait3A_532 = tpu.memref_slice %arg7[%run_scoped3A_7, %dma_wait3A_530, %dma_wait3A_531] : memref<2x8x128xi32, #tpu.memory_space<vmem>> -> memref<1x8x128xi32, #tpu.memory_space<vmem>>
      %dma_wait3A_533 = tpu.memref_squeeze %dma_wait3A_532 : memref<1x8x128xi32, #tpu.memory_space<vmem>> -> memref<8x128xi32, #tpu.memory_space<vmem>>
      %dma_wait3A_534 = arith.constant 0 : i32
      %dma_wait3A_535 = tpu.memref_slice %arg4[%mul3A_6, %dma_wait3A_534] : memref<256x128xi32, #tpu.memory_space<hbm>> -> memref<8x128xi32, #tpu.memory_space<hbm>>
      %dma_wait3A_536 = arith.constant 0 : i32
      %dma_wait3A_537 = arith.constant 0 : i32
      %dma_wait3A_538 = tpu.memref_slice %arg7[%run_scoped3A_7, %dma_wait3A_536, %dma_wait3A_537] : memref<2x8x128xi32, #tpu.memory_space<vmem>> -> memref<1x8x128xi32, #tpu.memory_space<vmem>>
      %dma_wait3A_539 = tpu.memref_squeeze %dma_wait3A_538 : memref<1x8x128xi32, #tpu.memory_space<vmem>> -> memref<8x128xi32, #tpu.memory_space<vmem>>
      %dma_wait3A_540 = arith.constant 0 : i32
      %dma_wait3A_541 = tpu.memref_slice %arg4[%mul3A_6, %dma_wait3A_540] : memref<256x128xi32, #tpu.memory_space<hbm>> -> memref<8x128xi32, #tpu.memory_space<hbm>>
      tpu.wait_dma2 semaphore(%run_scoped3A_517 : memref<!tpu.dma_semaphore, #tpu.memory_space<semaphore_mem>>) src(%dma_wait3A_541 : memref<8x128xi32, #tpu.memory_space<hbm>>) dst(%dma_wait3A_539 : memref<8x128xi32, #tpu.memory_space<vmem>>)
      tpu.yield
    }) : () -> ()
    %barrier3A = arith.constant 0 : index
    tpu.barrier barrier_id(%barrier3A)
    %dma_start3A = arith.constant 0 : i32
    %dma_start3A_8 = arith.constant 0 : i32
    %dma_start3A_9 = arith.constant 0 : i32
    %dma_start3A_10 = arith.constant 0 : i32
    %dma_start3A_11 = arith.constant 0 : i32
    %dma_start3A_12 = tpu.memref_slice %arg8[%dma_start3A_9, %dma_start3A_10, %dma_start3A_11] : memref<2x128x128xf32, #tpu.memory_space<vmem>> -> memref<1x128x128xf32, #tpu.memory_space<vmem>>
    %dma_start3A_13 = tpu.memref_squeeze %dma_start3A_12 : memref<1x128x128xf32, #tpu.memory_space<vmem>> -> memref<128x128xf32, #tpu.memory_space<vmem>>
    %dma_start3A_14 = arith.constant 0 : i32
    %dma_start3A_15 = tpu.memref_slice %arg7[%dma_start3A, %dma_start3A_8, %dma_start3A_14] : memref<2x8x128xi32, #tpu.memory_space<vmem>> -> memref<1x1x128xi32, #tpu.memory_space<vmem>>
    %dma_start3A_16 = tpu.memref_squeeze %dma_start3A_15 : memref<1x1x128xi32, #tpu.memory_space<vmem>> -> memref<128xi32, #tpu.memory_space<vmem>>
    %dma_start3A_17 = arith.constant 0 : i32
    %dma_start3A_18 = arith.constant 0 : i32
    %dma_start3A_19 = tpu.memref_slice %arg6[%dma_start3A_17, %dma_start3A_18] : memref<2048x128xf32, #tpu.memory_space<vmem_shared>> -> memref<2048x128xf32, #tpu.memory_space<vmem_shared>>
    tpu.enqueue_indirect_dma source(%dma_start3A_19 : memref<2048x128xf32, #tpu.memory_space<vmem_shared>>) target(%dma_start3A_13 : memref<128x128xf32, #tpu.memory_space<vmem>>) offsets(%dma_start3A_16 : memref<128xi32, #tpu.memory_space<vmem>>) semaphore(%arg11 : memref<!tpu.dma_semaphore, #tpu.memory_space<semaphore_mem>>)
    %dma_start3A_20 = arith.constant 1 : i32
    %dma_start3A_21 = arith.constant 0 : i32
    %dma_start3A_22 = arith.constant 0 : i32
    %dma_start3A_23 = arith.constant 0 : i32
    %dma_start3A_24 = arith.constant 0 : i32
    %dma_start3A_25 = tpu.memref_slice %arg9[%dma_start3A_22, %dma_start3A_23, %dma_start3A_24] : memref<2x128x128xf32, #tpu.memory_space<vmem>> -> memref<1x128x128xf32, #tpu.memory_space<vmem>>
    %dma_start3A_26 = tpu.memref_squeeze %dma_start3A_25 : memref<1x128x128xf32, #tpu.memory_space<vmem>> -> memref<128x128xf32, #tpu.memory_space<vmem>>
    %dma_start3A_27 = arith.constant 0 : i32
    %dma_start3A_28 = tpu.memref_slice %arg7[%dma_start3A_20, %dma_start3A_21, %dma_start3A_27] : memref<2x8x128xi32, #tpu.memory_space<vmem>> -> memref<1x1x128xi32, #tpu.memory_space<vmem>>
    %dma_start3A_29 = tpu.memref_squeeze %dma_start3A_28 : memref<1x1x128xi32, #tpu.memory_space<vmem>> -> memref<128xi32, #tpu.memory_space<vmem>>
    %dma_start3A_30 = arith.constant 0 : i32
    %dma_start3A_31 = arith.constant 0 : i32
    %dma_start3A_32 = tpu.memref_slice %arg6[%dma_start3A_30, %dma_start3A_31] : memref<2048x128xf32, #tpu.memory_space<vmem_shared>> -> memref<2048x128xf32, #tpu.memory_space<vmem_shared>>
    tpu.enqueue_indirect_dma source(%dma_start3A_32 : memref<2048x128xf32, #tpu.memory_space<vmem_shared>>) target(%dma_start3A_26 : memref<128x128xf32, #tpu.memory_space<vmem>>) offsets(%dma_start3A_29 : memref<128xi32, #tpu.memory_space<vmem>>) semaphore(%arg12 : memref<!tpu.dma_semaphore, #tpu.memory_space<semaphore_mem>>)
    %dma_wait3A = arith.constant 0 : i32
    %dma_wait3A_33 = arith.constant 0 : i32
    %dma_wait3A_34 = arith.constant 0 : i32
    %dma_wait3A_35 = arith.constant 0 : i32
    %dma_wait3A_36 = arith.constant 0 : i32
    %dma_wait3A_37 = tpu.memref_slice %arg8[%dma_wait3A_34, %dma_wait3A_35, %dma_wait3A_36] : memref<2x128x128xf32, #tpu.memory_space<vmem>> -> memref<1x128x128xf32, #tpu.memory_space<vmem>>
    %dma_wait3A_38 = tpu.memref_squeeze %dma_wait3A_37 : memref<1x128x128xf32, #tpu.memory_space<vmem>> -> memref<128x128xf32, #tpu.memory_space<vmem>>
    %dma_wait3A_39 = arith.constant 0 : i32
    %dma_wait3A_40 = tpu.memref_slice %arg7[%dma_wait3A, %dma_wait3A_33, %dma_wait3A_39] : memref<2x8x128xi32, #tpu.memory_space<vmem>> -> memref<1x1x128xi32, #tpu.memory_space<vmem>>
    %dma_wait3A_41 = tpu.memref_squeeze %dma_wait3A_40 : memref<1x1x128xi32, #tpu.memory_space<vmem>> -> memref<128xi32, #tpu.memory_space<vmem>>
    %dma_wait3A_42 = arith.constant 0 : i32
    %dma_wait3A_43 = arith.constant 0 : i32
    %dma_wait3A_44 = tpu.memref_slice %arg6[%dma_wait3A_42, %dma_wait3A_43] : memref<2048x128xf32, #tpu.memory_space<vmem_shared>> -> memref<2048x128xf32, #tpu.memory_space<vmem_shared>>
    tpu.wait_indirect_dma semaphore(%arg11 : memref<!tpu.dma_semaphore, #tpu.memory_space<semaphore_mem>>) src(%dma_wait3A_44 : memref<2048x128xf32, #tpu.memory_space<vmem_shared>>) dst(%dma_wait3A_38 : memref<128x128xf32, #tpu.memory_space<vmem>>)
    %dma_wait3A_45 = arith.constant 1 : i32
    %dma_wait3A_46 = arith.constant 0 : i32
    %dma_wait3A_47 = arith.constant 0 : i32
    %dma_wait3A_48 = arith.constant 0 : i32
    %dma_wait3A_49 = arith.constant 0 : i32
    %dma_wait3A_50 = tpu.memref_slice %arg9[%dma_wait3A_47, %dma_wait3A_48, %dma_wait3A_49] : memref<2x128x128xf32, #tpu.memory_space<vmem>> -> memref<1x128x128xf32, #tpu.memory_space<vmem>>
    %dma_wait3A_51 = tpu.memref_squeeze %dma_wait3A_50 : memref<1x128x128xf32, #tpu.memory_space<vmem>> -> memref<128x128xf32, #tpu.memory_space<vmem>>
    %dma_wait3A_52 = arith.constant 0 : i32
    %dma_wait3A_53 = tpu.memref_slice %arg7[%dma_wait3A_45, %dma_wait3A_46, %dma_wait3A_52] : memref<2x8x128xi32, #tpu.memory_space<vmem>> -> memref<1x1x128xi32, #tpu.memory_space<vmem>>
    %dma_wait3A_54 = tpu.memref_squeeze %dma_wait3A_53 : memref<1x1x128xi32, #tpu.memory_space<vmem>> -> memref<128xi32, #tpu.memory_space<vmem>>
    %dma_wait3A_55 = arith.constant 0 : i32
    %dma_wait3A_56 = arith.constant 0 : i32
    %dma_wait3A_57 = tpu.memref_slice %arg6[%dma_wait3A_55, %dma_wait3A_56] : memref<2048x128xf32, #tpu.memory_space<vmem_shared>> -> memref<2048x128xf32, #tpu.memory_space<vmem_shared>>
    tpu.wait_indirect_dma semaphore(%arg12 : memref<!tpu.dma_semaphore, #tpu.memory_space<semaphore_mem>>) src(%dma_wait3A_57 : memref<2048x128xf32, #tpu.memory_space<vmem_shared>>) dst(%dma_wait3A_51 : memref<128x128xf32, #tpu.memory_space<vmem>>)
    %dma_start3A_58 = arith.constant 0 : i32
    %dma_start3A_59 = arith.constant 1 : i32
    %dma_start3A_60 = arith.constant 1 : i32
    %dma_start3A_61 = arith.constant 0 : i32
    %dma_start3A_62 = arith.constant 0 : i32
    %dma_start3A_63 = tpu.memref_slice %arg8[%dma_start3A_60, %dma_start3A_61, %dma_start3A_62] : memref<2x128x128xf32, #tpu.memory_space<vmem>> -> memref<1x128x128xf32, #tpu.memory_space<vmem>>
    %dma_start3A_64 = tpu.memref_squeeze %dma_start3A_63 : memref<1x128x128xf32, #tpu.memory_space<vmem>> -> memref<128x128xf32, #tpu.memory_space<vmem>>
    %dma_start3A_65 = arith.constant 0 : i32
    %dma_start3A_66 = tpu.memref_slice %arg7[%dma_start3A_58, %dma_start3A_59, %dma_start3A_65] : memref<2x8x128xi32, #tpu.memory_space<vmem>> -> memref<1x1x128xi32, #tpu.memory_space<vmem>>
    %dma_start3A_67 = tpu.memref_squeeze %dma_start3A_66 : memref<1x1x128xi32, #tpu.memory_space<vmem>> -> memref<128xi32, #tpu.memory_space<vmem>>
    %dma_start3A_68 = arith.constant 0 : i32
    %dma_start3A_69 = arith.constant 0 : i32
    %dma_start3A_70 = tpu.memref_slice %arg6[%dma_start3A_68, %dma_start3A_69] : memref<2048x128xf32, #tpu.memory_space<vmem_shared>> -> memref<2048x128xf32, #tpu.memory_space<vmem_shared>>
    tpu.enqueue_indirect_dma source(%dma_start3A_70 : memref<2048x128xf32, #tpu.memory_space<vmem_shared>>) target(%dma_start3A_64 : memref<128x128xf32, #tpu.memory_space<vmem>>) offsets(%dma_start3A_67 : memref<128xi32, #tpu.memory_space<vmem>>) semaphore(%arg11 : memref<!tpu.dma_semaphore, #tpu.memory_space<semaphore_mem>>)
    %dma_start3A_71 = arith.constant 1 : i32
    %dma_start3A_72 = arith.constant 1 : i32
    %dma_start3A_73 = arith.constant 1 : i32
    %dma_start3A_74 = arith.constant 0 : i32
    %dma_start3A_75 = arith.constant 0 : i32
    %dma_start3A_76 = tpu.memref_slice %arg9[%dma_start3A_73, %dma_start3A_74, %dma_start3A_75] : memref<2x128x128xf32, #tpu.memory_space<vmem>> -> memref<1x128x128xf32, #tpu.memory_space<vmem>>
    %dma_start3A_77 = tpu.memref_squeeze %dma_start3A_76 : memref<1x128x128xf32, #tpu.memory_space<vmem>> -> memref<128x128xf32, #tpu.memory_space<vmem>>
    %dma_start3A_78 = arith.constant 0 : i32
    %dma_start3A_79 = tpu.memref_slice %arg7[%dma_start3A_71, %dma_start3A_72, %dma_start3A_78] : memref<2x8x128xi32, #tpu.memory_space<vmem>> -> memref<1x1x128xi32, #tpu.memory_space<vmem>>
    %dma_start3A_80 = tpu.memref_squeeze %dma_start3A_79 : memref<1x1x128xi32, #tpu.memory_space<vmem>> -> memref<128xi32, #tpu.memory_space<vmem>>
    %dma_start3A_81 = arith.constant 0 : i32
    %dma_start3A_82 = arith.constant 0 : i32
    %dma_start3A_83 = tpu.memref_slice %arg6[%dma_start3A_81, %dma_start3A_82] : memref<2048x128xf32, #tpu.memory_space<vmem_shared>> -> memref<2048x128xf32, #tpu.memory_space<vmem_shared>>
    tpu.enqueue_indirect_dma source(%dma_start3A_83 : memref<2048x128xf32, #tpu.memory_space<vmem_shared>>) target(%dma_start3A_77 : memref<128x128xf32, #tpu.memory_space<vmem>>) offsets(%dma_start3A_80 : memref<128xi32, #tpu.memory_space<vmem>>) semaphore(%arg12 : memref<!tpu.dma_semaphore, #tpu.memory_space<semaphore_mem>>)
    %scan3A = arith.constant 0 : i32
    %scan3A_84 = arith.constant 0 : i32
    %scan3A_85 = arith.constant 128 : i32
    %scan3A_86 = arith.addi %scan3A_84, %scan3A_85 : i32
    %scan3A_87 = arith.constant 1 : i32
    scf.for %scan3A_517 = %scan3A_84 to %scan3A_86 step %scan3A_87  : i32 {
      %shift_right_arithmetic3A = arith.constant 3 : i32
      %shift_right_arithmetic3A_518 = arith.shrsi %scan3A_517, %shift_right_arithmetic3A : i32
      %and3A = arith.constant 7 : i32
      %and3A_519 = arith.andi %scan3A_517, %and3A : i32
      %mul3A_520 = arith.constant 64 : i32
      %mul3A_521 = arith.muli %and3A_519, %mul3A_520 : i32
      %get3A = arith.constant 0 : i32
      %get3A_522 = arith.index_cast %get3A : i32 to index
      %get3A_523 = arith.index_cast %scan3A_517 : i32 to index
      %get3A_524 = arith.constant 0 : index
      %get3A_525 = tpu.vector_load %arg8[%get3A_522, %get3A_523, %get3A_524] {strides = array<i32>} : memref<2x128x128xf32, #tpu.memory_space<vmem>>, vector<1x1x16xf32>,
      %get3A_526 = vector.shape_cast %get3A_525 : vector<1x1x16xf32> to vector<16xf32>
      %get3A_527 = arith.constant 0 : i32
      %get3A_528 = arith.index_cast %get3A_527 : i32 to index
      %get3A_529 = arith.index_cast %scan3A_517 : i32 to index
      %get3A_530 = arith.constant 64 : index
      %get3A_531 = tpu.vector_load %arg9[%get3A_528, %get3A_529, %get3A_530] {strides = array<i32>} : memref<2x128x128xf32, #tpu.memory_space<vmem>>, vector<1x1x16xf32>,
      %get3A_532 = vector.shape_cast %get3A_531 : vector<1x1x16xf32> to vector<16xf32>
      %add3A_533 = arith.addf %get3A_526, %get3A_532 : vector<16xf32>
      %add3A_534 = arith.constant 0 : i32
      %add3A_535 = arith.addi %mul3A_521, %add3A_534 : i32
      %swap3A = arith.index_cast %shift_right_arithmetic3A_518 : i32 to index
      %swap3A_536 = arith.index_cast %add3A_535 : i32 to index
      %swap3A_537 = tpu.vector_load %arg10[%swap3A, %swap3A_536] {strides = array<i32>} : memref<16x512xf32, #tpu.memory_space<vmem>>, vector<1x16xf32>,
      %swap3A_538 = vector.shape_cast %swap3A_537 : vector<1x16xf32> to vector<16xf32>
      %swap3A_539 = vector.shape_cast %add3A_533 : vector<16xf32> to vector<1x16xf32>
      tpu.vector_store %arg10[%swap3A, %swap3A_536], %swap3A_539 {strides = array<i32>} : memref<16x512xf32, #tpu.memory_space<vmem>>, vector<1x16xf32>,
      %get3A_540 = arith.constant 0 : i32
      %get3A_541 = arith.index_cast %get3A_540 : i32 to index
      %get3A_542 = arith.index_cast %scan3A_517 : i32 to index
      %get3A_543 = arith.constant 16 : index
      %get3A_544 = tpu.vector_load %arg8[%get3A_541, %get3A_542, %get3A_543] {strides = array<i32>} : memref<2x128x128xf32, #tpu.memory_space<vmem>>, vector<1x1x16xf32>,
      %get3A_545 = vector.shape_cast %get3A_544 : vector<1x1x16xf32> to vector<16xf32>
      %get3A_546 = arith.constant 0 : i32
      %get3A_547 = arith.index_cast %get3A_546 : i32 to index
      %get3A_548 = arith.index_cast %scan3A_517 : i32 to index
      %get3A_549 = arith.constant 80 : index
      %get3A_550 = tpu.vector_load %arg9[%get3A_547, %get3A_548, %get3A_549] {strides = array<i32>} : memref<2x128x128xf32, #tpu.memory_space<vmem>>, vector<1x1x16xf32>,
      %get3A_551 = vector.shape_cast %get3A_550 : vector<1x1x16xf32> to vector<16xf32>
      %add3A_552 = arith.addf %get3A_545, %get3A_551 : vector<16xf32>
      %add3A_553 = arith.constant 16 : i32
      %add3A_554 = arith.addi %mul3A_521, %add3A_553 : i32
      %swap3A_555 = arith.index_cast %shift_right_arithmetic3A_518 : i32 to index
      %swap3A_556 = arith.index_cast %add3A_554 : i32 to index
      %swap3A_557 = tpu.vector_load %arg10[%swap3A_555, %swap3A_556] {strides = array<i32>} : memref<16x512xf32, #tpu.memory_space<vmem>>, vector<1x16xf32>,
      %swap3A_558 = vector.shape_cast %swap3A_557 : vector<1x16xf32> to vector<16xf32>
      %swap3A_559 = vector.shape_cast %add3A_552 : vector<16xf32> to vector<1x16xf32>
      tpu.vector_store %arg10[%swap3A_555, %swap3A_556], %swap3A_559 {strides = array<i32>} : memref<16x512xf32, #tpu.memory_space<vmem>>, vector<1x16xf32>,
      %get3A_560 = arith.constant 0 : i32
      %get3A_561 = arith.index_cast %get3A_560 : i32 to index
      %get3A_562 = arith.index_cast %scan3A_517 : i32 to index
      %get3A_563 = arith.constant 32 : index
      %get3A_564 = tpu.vector_load %arg8[%get3A_561, %get3A_562, %get3A_563] {strides = array<i32>} : memref<2x128x128xf32, #tpu.memory_space<vmem>>, vector<1x1x16xf32>,
      %get3A_565 = vector.shape_cast %get3A_564 : vector<1x1x16xf32> to vector<16xf32>
      %get3A_566 = arith.constant 0 : i32
      %get3A_567 = arith.index_cast %get3A_566 : i32 to index
      %get3A_568 = arith.index_cast %scan3A_517 : i32 to index
      %get3A_569 = arith.constant 96 : index
      %get3A_570 = tpu.vector_load %arg9[%get3A_567, %get3A_568, %get3A_569] {strides = array<i32>} : memref<2x128x128xf32, #tpu.memory_space<vmem>>, vector<1x1x16xf32>,
      %get3A_571 = vector.shape_cast %get3A_570 : vector<1x1x16xf32> to vector<16xf32>
      %add3A_572 = arith.addf %get3A_565, %get3A_571 : vector<16xf32>
      %add3A_573 = arith.constant 32 : i32
      %add3A_574 = arith.addi %mul3A_521, %add3A_573 : i32
      %swap3A_575 = arith.index_cast %shift_right_arithmetic3A_518 : i32 to index
      %swap3A_576 = arith.index_cast %add3A_574 : i32 to index
      %swap3A_577 = tpu.vector_load %arg10[%swap3A_575, %swap3A_576] {strides = array<i32>} : memref<16x512xf32, #tpu.memory_space<vmem>>, vector<1x16xf32>,
      %swap3A_578 = vector.shape_cast %swap3A_577 : vector<1x16xf32> to vector<16xf32>
      %swap3A_579 = vector.shape_cast %add3A_572 : vector<16xf32> to vector<1x16xf32>
      tpu.vector_store %arg10[%swap3A_575, %swap3A_576], %swap3A_579 {strides = array<i32>} : memref<16x512xf32, #tpu.memory_space<vmem>>, vector<1x16xf32>,
      %get3A_580 = arith.constant 0 : i32
      %get3A_581 = arith.index_cast %get3A_580 : i32 to index
      %get3A_582 = arith.index_cast %scan3A_517 : i32 to index
      %get3A_583 = arith.constant 48 : index
      %get3A_584 = tpu.vector_load %arg8[%get3A_581, %get3A_582, %get3A_583] {strides = array<i32>} : memref<2x128x128xf32, #tpu.memory_space<vmem>>, vector<1x1x16xf32>,
      %get3A_585 = vector.shape_cast %get3A_584 : vector<1x1x16xf32> to vector<16xf32>
      %get3A_586 = arith.constant 0 : i32
      %get3A_587 = arith.index_cast %get3A_586 : i32 to index
      %get3A_588 = arith.index_cast %scan3A_517 : i32 to index
      %get3A_589 = arith.constant 112 : index
      %get3A_590 = tpu.vector_load %arg9[%get3A_587, %get3A_588, %get3A_589] {strides = array<i32>} : memref<2x128x128xf32, #tpu.memory_space<vmem>>, vector<1x1x16xf32>,
      %get3A_591 = vector.shape_cast %get3A_590 : vector<1x1x16xf32> to vector<16xf32>
      %add3A_592 = arith.addf %get3A_585, %get3A_591 : vector<16xf32>
      %add3A_593 = arith.constant 48 : i32
      %add3A_594 = arith.addi %mul3A_521, %add3A_593 : i32
      %swap3A_595 = arith.index_cast %shift_right_arithmetic3A_518 : i32 to index
      %swap3A_596 = arith.index_cast %add3A_594 : i32 to index
      %swap3A_597 = tpu.vector_load %arg10[%swap3A_595, %swap3A_596] {strides = array<i32>} : memref<16x512xf32, #tpu.memory_space<vmem>>, vector<1x16xf32>,
      %swap3A_598 = vector.shape_cast %swap3A_597 : vector<1x16xf32> to vector<16xf32>
      %swap3A_599 = vector.shape_cast %add3A_592 : vector<16xf32> to vector<1x16xf32>
      tpu.vector_store %arg10[%swap3A_595, %swap3A_596], %swap3A_599 {strides = array<i32>} : memref<16x512xf32, #tpu.memory_space<vmem>>, vector<1x16xf32>,
    }
    %scan3A_88 = arith.constant 128 : i32
    %mul3A_89 = arith.constant 8 : i32
    %mul3A_90 = arith.muli %add3A, %mul3A_89 : i32
    %add3A_91 = arith.constant 0 : i32
    %add3A_92 = arith.addi %mul3A_90, %add3A_91 : i32
    %mul3A_93 = arith.constant 16 : i32
    %mul3A_94 = arith.muli %add3A_92, %mul3A_93 : i32
    "tpu.region"() ({
      %run_scoped3A_517 = tpu.sem_alloc : memref<!tpu.dma_semaphore, #tpu.memory_space<semaphore_mem>>
      %dma_start3A_518 = arith.constant 0 : i32
      %dma_start3A_519 = tpu.memref_slice %arg5[%mul3A_94, %dma_start3A_518] : memref<4096x512xf32, #tpu.memory_space<hbm>> -> memref<16x512xf32, #tpu.memory_space<hbm>>
      %dma_start3A_520 = arith.constant 0 : i32
      %dma_start3A_521 = tpu.memref_slice %arg5[%mul3A_94, %dma_start3A_520] : memref<4096x512xf32, #tpu.memory_space<hbm>> -> memref<16x512xf32, #tpu.memory_space<hbm>>
      tpu.enqueue_dma source(%arg10 : memref<16x512xf32, #tpu.memory_space<vmem>>) target(%dma_start3A_521 : memref<16x512xf32, #tpu.memory_space<hbm>>) target_semaphore(%run_scoped3A_517 : memref<!tpu.dma_semaphore, #tpu.memory_space<semaphore_mem>>)
      %dma_wait3A_522 = arith.constant 0 : i32
      %dma_wait3A_523 = tpu.memref_slice %arg5[%mul3A_94, %dma_wait3A_522] : memref<4096x512xf32, #tpu.memory_space<hbm>> -> memref<16x512xf32, #tpu.memory_space<hbm>>
      %dma_wait3A_524 = arith.constant 0 : i32
      %dma_wait3A_525 = tpu.memref_slice %arg5[%mul3A_94, %dma_wait3A_524] : memref<4096x512xf32, #tpu.memory_space<hbm>> -> memref<16x512xf32, #tpu.memory_space<hbm>>
      tpu.wait_dma2 semaphore(%run_scoped3A_517 : memref<!tpu.dma_semaphore, #tpu.memory_space<semaphore_mem>>) src(%arg10 : memref<16x512xf32, #tpu.memory_space<vmem>>) dst(%dma_wait3A_525 : memref<16x512xf32, #tpu.memory_space<hbm>>)
      tpu.yield
    }) : () -> ()
    %dma_wait3A_95 = arith.constant 0 : i32
    %dma_wait3A_96 = arith.constant 1 : i32
    %dma_wait3A_97 = arith.constant 1 : i32
    %dma_wait3A_98 = arith.constant 0 : i32
    %dma_wait3A_99 = arith.constant 0 : i32
    %dma_wait3A_100 = tpu.memref_slice %arg8[%dma_wait3A_97, %dma_wait3A_98, %dma_wait3A_99] : memref<2x128x128xf32, #tpu.memory_space<vmem>> -> memref<1x128x128xf32, #tpu.memory_space<vmem>>
    %dma_wait3A_101 = tpu.memref_squeeze %dma_wait3A_100 : memref<1x128x128xf32, #tpu.memory_space<vmem>> -> memref<128x128xf32, #tpu.memory_space<vmem>>
    %dma_wait3A_102 = arith.constant 0 : i32
    %dma_wait3A_103 = tpu.memref_slice %arg7[%dma_wait3A_95, %dma_wait3A_96, %dma_wait3A_102] : memref<2x8x128xi32, #tpu.memory_space<vmem>> -> memref<1x1x128xi32, #tpu.memory_space<vmem>>
    %dma_wait3A_104 = tpu.memref_squeeze %dma_wait3A_103 : memref<1x1x128xi32, #tpu.memory_space<vmem>> -> memref<128xi32, #tpu.memory_space<vmem>>
    %dma_wait3A_105 = arith.constant 0 : i32
    %dma_wait3A_106 = arith.constant 0 : i32
    %dma_wait3A_107 = tpu.memref_slice %arg6[%dma_wait3A_105, %dma_wait3A_106] : memref<2048x128xf32, #tpu.memory_space<vmem_shared>> -> memref<2048x128xf32, #tpu.memory_space<vmem_shared>>
    tpu.wait_indirect_dma semaphore(%arg11 : memref<!tpu.dma_semaphore, #tpu.memory_space<semaphore_mem>>) src(%dma_wait3A_107 : memref<2048x128xf32, #tpu.memory_space<vmem_shared>>) dst(%dma_wait3A_101 : memref<128x128xf32, #tpu.memory_space<vmem>>)
    %dma_wait3A_108 = arith.constant 1 : i32
    %dma_wait3A_109 = arith.constant 1 : i32
    %dma_wait3A_110 = arith.constant 1 : i32
    %dma_wait3A_111 = arith.constant 0 : i32
    %dma_wait3A_112 = arith.constant 0 : i32
    %dma_wait3A_113 = tpu.memref_slice %arg9[%dma_wait3A_110, %dma_wait3A_111, %dma_wait3A_112] : memref<2x128x128xf32, #tpu.memory_space<vmem>> -> memref<1x128x128xf32, #tpu.memory_space<vmem>>
    %dma_wait3A_114 = tpu.memref_squeeze %dma_wait3A_113 : memref<1x128x128xf32, #tpu.memory_space<vmem>> -> memref<128x128xf32, #tpu.memory_space<vmem>>
    %dma_wait3A_115 = arith.constant 0 : i32
    %dma_wait3A_116 = tpu.memref_slice %arg7[%dma_wait3A_108, %dma_wait3A_109, %dma_wait3A_115] : memref<2x8x128xi32, #tpu.memory_space<vmem>> -> memref<1x1x128xi32, #tpu.memory_space<vmem>>
    %dma_wait3A_117 = tpu.memref_squeeze %dma_wait3A_116 : memref<1x1x128xi32, #tpu.memory_space<vmem>> -> memref<128xi32, #tpu.memory_space<vmem>>
    %dma_wait3A_118 = arith.constant 0 : i32
    %dma_wait3A_119 = arith.constant 0 : i32
    %dma_wait3A_120 = tpu.memref_slice %arg6[%dma_wait3A_118, %dma_wait3A_119] : memref<2048x128xf32, #tpu.memory_space<vmem_shared>> -> memref<2048x128xf32, #tpu.memory_space<vmem_shared>>
    tpu.wait_indirect_dma semaphore(%arg12 : memref<!tpu.dma_semaphore, #tpu.memory_space<semaphore_mem>>) src(%dma_wait3A_120 : memref<2048x128xf32, #tpu.memory_space<vmem_shared>>) dst(%dma_wait3A_114 : memref<128x128xf32, #tpu.memory_space<vmem>>)
    %dma_start3A_121 = arith.constant 0 : i32
    %dma_start3A_122 = arith.constant 2 : i32
    %dma_start3A_123 = arith.constant 0 : i32
    %dma_start3A_124 = arith.constant 0 : i32
    %dma_start3A_125 = arith.constant 0 : i32
    %dma_start3A_126 = tpu.memref_slice %arg8[%dma_start3A_123, %dma_start3A_124, %dma_start3A_125] : memref<2x128x128xf32, #tpu.memory_space<vmem>> -> memref<1x128x128xf32, #tpu.memory_space<vmem>>
    %dma_start3A_127 = tpu.memref_squeeze %dma_start3A_126 : memref<1x128x128xf32, #tpu.memory_space<vmem>> -> memref<128x128xf32, #tpu.memory_space<vmem>>
    %dma_start3A_128 = arith.constant 0 : i32
    %dma_start3A_129 = tpu.memref_slice %arg7[%dma_start3A_121, %dma_start3A_122, %dma_start3A_128] : memref<2x8x128xi32, #tpu.memory_space<vmem>> -> memref<1x1x128xi32, #tpu.memory_space<vmem>>
    %dma_start3A_130 = tpu.memref_squeeze %dma_start3A_129 : memref<1x1x128xi32, #tpu.memory_space<vmem>> -> memref<128xi32, #tpu.memory_space<vmem>>
    %dma_start3A_131 = arith.constant 0 : i32
    %dma_start3A_132 = arith.constant 0 : i32
    %dma_start3A_133 = tpu.memref_slice %arg6[%dma_start3A_131, %dma_start3A_132] : memref<2048x128xf32, #tpu.memory_space<vmem_shared>> -> memref<2048x128xf32, #tpu.memory_space<vmem_shared>>
    tpu.enqueue_indirect_dma source(%dma_start3A_133 : memref<2048x128xf32, #tpu.memory_space<vmem_shared>>) target(%dma_start3A_127 : memref<128x128xf32, #tpu.memory_space<vmem>>) offsets(%dma_start3A_130 : memref<128xi32, #tpu.memory_space<vmem>>) semaphore(%arg11 : memref<!tpu.dma_semaphore, #tpu.memory_space<semaphore_mem>>)
    %dma_start3A_134 = arith.constant 1 : i32
    %dma_start3A_135 = arith.constant 2 : i32
    %dma_start3A_136 = arith.constant 0 : i32
    %dma_start3A_137 = arith.constant 0 : i32
    %dma_start3A_138 = arith.constant 0 : i32
    %dma_start3A_139 = tpu.memref_slice %arg9[%dma_start3A_136, %dma_start3A_137, %dma_start3A_138] : memref<2x128x128xf32, #tpu.memory_space<vmem>> -> memref<1x128x128xf32, #tpu.memory_space<vmem>>
    %dma_start3A_140 = tpu.memref_squeeze %dma_start3A_139 : memref<1x128x128xf32, #tpu.memory_space<vmem>> -> memref<128x128xf32, #tpu.memory_space<vmem>>
    %dma_start3A_141 = arith.constant 0 : i32
    %dma_start3A_142 = tpu.memref_slice %arg7[%dma_start3A_134, %dma_start3A_135, %dma_start3A_141] : memref<2x8x128xi32, #tpu.memory_space<vmem>> -> memref<1x1x128xi32, #tpu.memory_space<vmem>>
    %dma_start3A_143 = tpu.memref_squeeze %dma_start3A_142 : memref<1x1x128xi32, #tpu.memory_space<vmem>> -> memref<128xi32, #tpu.memory_space<vmem>>
    %dma_start3A_144 = arith.constant 0 : i32
    %dma_start3A_145 = arith.constant 0 : i32
    %dma_start3A_146 = tpu.memref_slice %arg6[%dma_start3A_144, %dma_start3A_145] : memref<2048x128xf32, #tpu.memory_space<vmem_shared>> -> memref<2048x128xf32, #tpu.memory_space<vmem_shared>>
    tpu.enqueue_indirect_dma source(%dma_start3A_146 : memref<2048x128xf32, #tpu.memory_space<vmem_shared>>) target(%dma_start3A_140 : memref<128x128xf32, #tpu.memory_space<vmem>>) offsets(%dma_start3A_143 : memref<128xi32, #tpu.memory_space<vmem>>) semaphore(%arg12 : memref<!tpu.dma_semaphore, #tpu.memory_space<semaphore_mem>>)
    %scan3A_147 = arith.constant 0 : i32
    %scan3A_148 = arith.constant 0 : i32
    %scan3A_149 = arith.constant 128 : i32
    %scan3A_150 = arith.addi %scan3A_148, %scan3A_149 : i32
    %scan3A_151 = arith.constant 1 : i32
    scf.for %scan3A_517 = %scan3A_148 to %scan3A_150 step %scan3A_151  : i32 {
      %shift_right_arithmetic3A = arith.constant 3 : i32
      %shift_right_arithmetic3A_518 = arith.shrsi %scan3A_517, %shift_right_arithmetic3A : i32
      %and3A = arith.constant 7 : i32
      %and3A_519 = arith.andi %scan3A_517, %and3A : i32
      %mul3A_520 = arith.constant 64 : i32
      %mul3A_521 = arith.muli %and3A_519, %mul3A_520 : i32
      %get3A = arith.constant 1 : i32
      %get3A_522 = arith.index_cast %get3A : i32 to index
      %get3A_523 = arith.index_cast %scan3A_517 : i32 to index
      %get3A_524 = arith.constant 0 : index
      %get3A_525 = tpu.vector_load %arg8[%get3A_522, %get3A_523, %get3A_524] {strides = array<i32>} : memref<2x128x128xf32, #tpu.memory_space<vmem>>, vector<1x1x16xf32>,
      %get3A_526 = vector.shape_cast %get3A_525 : vector<1x1x16xf32> to vector<16xf32>
      %get3A_527 = arith.constant 1 : i32
      %get3A_528 = arith.index_cast %get3A_527 : i32 to index
      %get3A_529 = arith.index_cast %scan3A_517 : i32 to index
      %get3A_530 = arith.constant 64 : index
      %get3A_531 = tpu.vector_load %arg9[%get3A_528, %get3A_529, %get3A_530] {strides = array<i32>} : memref<2x128x128xf32, #tpu.memory_space<vmem>>, vector<1x1x16xf32>,
      %get3A_532 = vector.shape_cast %get3A_531 : vector<1x1x16xf32> to vector<16xf32>
      %add3A_533 = arith.addf %get3A_526, %get3A_532 : vector<16xf32>
      %add3A_534 = arith.constant 0 : i32
      %add3A_535 = arith.addi %mul3A_521, %add3A_534 : i32
      %swap3A = arith.index_cast %shift_right_arithmetic3A_518 : i32 to index
      %swap3A_536 = arith.index_cast %add3A_535 : i32 to index
      %swap3A_537 = tpu.vector_load %arg10[%swap3A, %swap3A_536] {strides = array<i32>} : memref<16x512xf32, #tpu.memory_space<vmem>>, vector<1x16xf32>,
      %swap3A_538 = vector.shape_cast %swap3A_537 : vector<1x16xf32> to vector<16xf32>
      %swap3A_539 = vector.shape_cast %add3A_533 : vector<16xf32> to vector<1x16xf32>
      tpu.vector_store %arg10[%swap3A, %swap3A_536], %swap3A_539 {strides = array<i32>} : memref<16x512xf32, #tpu.memory_space<vmem>>, vector<1x16xf32>,
      %get3A_540 = arith.constant 1 : i32
      %get3A_541 = arith.index_cast %get3A_540 : i32 to index
      %get3A_542 = arith.index_cast %scan3A_517 : i32 to index
      %get3A_543 = arith.constant 16 : index
      %get3A_544 = tpu.vector_load %arg8[%get3A_541, %get3A_542, %get3A_543] {strides = array<i32>} : memref<2x128x128xf32, #tpu.memory_space<vmem>>, vector<1x1x16xf32>,
      %get3A_545 = vector.shape_cast %get3A_544 : vector<1x1x16xf32> to vector<16xf32>
      %get3A_546 = arith.constant 1 : i32
      %get3A_547 = arith.index_cast %get3A_546 : i32 to index
      %get3A_548 = arith.index_cast %scan3A_517 : i32 to index
      %get3A_549 = arith.constant 80 : index
      %get3A_550 = tpu.vector_load %arg9[%get3A_547, %get3A_548, %get3A_549] {strides = array<i32>} : memref<2x128x128xf32, #tpu.memory_space<vmem>>, vector<1x1x16xf32>,
      %get3A_551 = vector.shape_cast %get3A_550 : vector<1x1x16xf32> to vector<16xf32>
      %add3A_552 = arith.addf %get3A_545, %get3A_551 : vector<16xf32>
      %add3A_553 = arith.constant 16 : i32
      %add3A_554 = arith.addi %mul3A_521, %add3A_553 : i32
      %swap3A_555 = arith.index_cast %shift_right_arithmetic3A_518 : i32 to index
      %swap3A_556 = arith.index_cast %add3A_554 : i32 to index
      %swap3A_557 = tpu.vector_load %arg10[%swap3A_555, %swap3A_556] {strides = array<i32>} : memref<16x512xf32, #tpu.memory_space<vmem>>, vector<1x16xf32>,
      %swap3A_558 = vector.shape_cast %swap3A_557 : vector<1x16xf32> to vector<16xf32>
      %swap3A_559 = vector.shape_cast %add3A_552 : vector<16xf32> to vector<1x16xf32>
      tpu.vector_store %arg10[%swap3A_555, %swap3A_556], %swap3A_559 {strides = array<i32>} : memref<16x512xf32, #tpu.memory_space<vmem>>, vector<1x16xf32>,
      %get3A_560 = arith.constant 1 : i32
      %get3A_561 = arith.index_cast %get3A_560 : i32 to index
      %get3A_562 = arith.index_cast %scan3A_517 : i32 to index
      %get3A_563 = arith.constant 32 : index
      %get3A_564 = tpu.vector_load %arg8[%get3A_561, %get3A_562, %get3A_563] {strides = array<i32>} : memref<2x128x128xf32, #tpu.memory_space<vmem>>, vector<1x1x16xf32>,
      %get3A_565 = vector.shape_cast %get3A_564 : vector<1x1x16xf32> to vector<16xf32>
      %get3A_566 = arith.constant 1 : i32
      %get3A_567 = arith.index_cast %get3A_566 : i32 to index
      %get3A_568 = arith.index_cast %scan3A_517 : i32 to index
      %get3A_569 = arith.constant 96 : index
      %get3A_570 = tpu.vector_load %arg9[%get3A_567, %get3A_568, %get3A_569] {strides = array<i32>} : memref<2x128x128xf32, #tpu.memory_space<vmem>>, vector<1x1x16xf32>,
      %get3A_571 = vector.shape_cast %get3A_570 : vector<1x1x16xf32> to vector<16xf32>
      %add3A_572 = arith.addf %get3A_565, %get3A_571 : vector<16xf32>
      %add3A_573 = arith.constant 32 : i32
      %add3A_574 = arith.addi %mul3A_521, %add3A_573 : i32
      %swap3A_575 = arith.index_cast %shift_right_arithmetic3A_518 : i32 to index
      %swap3A_576 = arith.index_cast %add3A_574 : i32 to index
      %swap3A_577 = tpu.vector_load %arg10[%swap3A_575, %swap3A_576] {strides = array<i32>} : memref<16x512xf32, #tpu.memory_space<vmem>>, vector<1x16xf32>,
      %swap3A_578 = vector.shape_cast %swap3A_577 : vector<1x16xf32> to vector<16xf32>
      %swap3A_579 = vector.shape_cast %add3A_572 : vector<16xf32> to vector<1x16xf32>
      tpu.vector_store %arg10[%swap3A_575, %swap3A_576], %swap3A_579 {strides = array<i32>} : memref<16x512xf32, #tpu.memory_space<vmem>>, vector<1x16xf32>,
      %get3A_580 = arith.constant 1 : i32
      %get3A_581 = arith.index_cast %get3A_580 : i32 to index
      %get3A_582 = arith.index_cast %scan3A_517 : i32 to index
      %get3A_583 = arith.constant 48 : index
      %get3A_584 = tpu.vector_load %arg8[%get3A_581, %get3A_582, %get3A_583] {strides = array<i32>} : memref<2x128x128xf32, #tpu.memory_space<vmem>>, vector<1x1x16xf32>,
      %get3A_585 = vector.shape_cast %get3A_584 : vector<1x1x16xf32> to vector<16xf32>
      %get3A_586 = arith.constant 1 : i32
      %get3A_587 = arith.index_cast %get3A_586 : i32 to index
      %get3A_588 = arith.index_cast %scan3A_517 : i32 to index
      %get3A_589 = arith.constant 112 : index
      %get3A_590 = tpu.vector_load %arg9[%get3A_587, %get3A_588, %get3A_589] {strides = array<i32>} : memref<2x128x128xf32, #tpu.memory_space<vmem>>, vector<1x1x16xf32>,
      %get3A_591 = vector.shape_cast %get3A_590 : vector<1x1x16xf32> to vector<16xf32>
      %add3A_592 = arith.addf %get3A_585, %get3A_591 : vector<16xf32>
      %add3A_593 = arith.constant 48 : i32
      %add3A_594 = arith.addi %mul3A_521, %add3A_593 : i32
      %swap3A_595 = arith.index_cast %shift_right_arithmetic3A_518 : i32 to index
      %swap3A_596 = arith.index_cast %add3A_594 : i32 to index
      %swap3A_597 = tpu.vector_load %arg10[%swap3A_595, %swap3A_596] {strides = array<i32>} : memref<16x512xf32, #tpu.memory_space<vmem>>, vector<1x16xf32>,
      %swap3A_598 = vector.shape_cast %swap3A_597 : vector<1x16xf32> to vector<16xf32>
      %swap3A_599 = vector.shape_cast %add3A_592 : vector<16xf32> to vector<1x16xf32>
      tpu.vector_store %arg10[%swap3A_595, %swap3A_596], %swap3A_599 {strides = array<i32>} : memref<16x512xf32, #tpu.memory_space<vmem>>, vector<1x16xf32>,
    }
    %scan3A_152 = arith.constant 128 : i32
    %mul3A_153 = arith.constant 8 : i32
    %mul3A_154 = arith.muli %add3A, %mul3A_153 : i32
    %add3A_155 = arith.constant 1 : i32
    %add3A_156 = arith.addi %mul3A_154, %add3A_155 : i32
    %mul3A_157 = arith.constant 16 : i32
    %mul3A_158 = arith.muli %add3A_156, %mul3A_157 : i32
    "tpu.region"() ({
      %run_scoped3A_517 = tpu.sem_alloc : memref<!tpu.dma_semaphore, #tpu.memory_space<semaphore_mem>>
      %dma_start3A_518 = arith.constant 0 : i32
      %dma_start3A_519 = tpu.memref_slice %arg5[%mul3A_158, %dma_start3A_518] : memref<4096x512xf32, #tpu.memory_space<hbm>> -> memref<16x512xf32, #tpu.memory_space<hbm>>
      %dma_start3A_520 = arith.constant 0 : i32
      %dma_start3A_521 = tpu.memref_slice %arg5[%mul3A_158, %dma_start3A_520] : memref<4096x512xf32, #tpu.memory_space<hbm>> -> memref<16x512xf32, #tpu.memory_space<hbm>>
      tpu.enqueue_dma source(%arg10 : memref<16x512xf32, #tpu.memory_space<vmem>>) target(%dma_start3A_521 : memref<16x512xf32, #tpu.memory_space<hbm>>) target_semaphore(%run_scoped3A_517 : memref<!tpu.dma_semaphore, #tpu.memory_space<semaphore_mem>>)
      %dma_wait3A_522 = arith.constant 0 : i32
      %dma_wait3A_523 = tpu.memref_slice %arg5[%mul3A_158, %dma_wait3A_522] : memref<4096x512xf32, #tpu.memory_space<hbm>> -> memref<16x512xf32, #tpu.memory_space<hbm>>
      %dma_wait3A_524 = arith.constant 0 : i32
      %dma_wait3A_525 = tpu.memref_slice %arg5[%mul3A_158, %dma_wait3A_524] : memref<4096x512xf32, #tpu.memory_space<hbm>> -> memref<16x512xf32, #tpu.memory_space<hbm>>
      tpu.wait_dma2 semaphore(%run_scoped3A_517 : memref<!tpu.dma_semaphore, #tpu.memory_space<semaphore_mem>>) src(%arg10 : memref<16x512xf32, #tpu.memory_space<vmem>>) dst(%dma_wait3A_525 : memref<16x512xf32, #tpu.memory_space<hbm>>)
      tpu.yield
    }) : () -> ()
    %dma_wait3A_159 = arith.constant 0 : i32
    %dma_wait3A_160 = arith.constant 2 : i32
    %dma_wait3A_161 = arith.constant 0 : i32
    %dma_wait3A_162 = arith.constant 0 : i32
    %dma_wait3A_163 = arith.constant 0 : i32
    %dma_wait3A_164 = tpu.memref_slice %arg8[%dma_wait3A_161, %dma_wait3A_162, %dma_wait3A_163] : memref<2x128x128xf32, #tpu.memory_space<vmem>> -> memref<1x128x128xf32, #tpu.memory_space<vmem>>
    %dma_wait3A_165 = tpu.memref_squeeze %dma_wait3A_164 : memref<1x128x128xf32, #tpu.memory_space<vmem>> -> memref<128x128xf32, #tpu.memory_space<vmem>>
    %dma_wait3A_166 = arith.constant 0 : i32
    %dma_wait3A_167 = tpu.memref_slice %arg7[%dma_wait3A_159, %dma_wait3A_160, %dma_wait3A_166] : memref<2x8x128xi32, #tpu.memory_space<vmem>> -> memref<1x1x128xi32, #tpu.memory_space<vmem>>
    %dma_wait3A_168 = tpu.memref_squeeze %dma_wait3A_167 : memref<1x1x128xi32, #tpu.memory_space<vmem>> -> memref<128xi32, #tpu.memory_space<vmem>>
    %dma_wait3A_169 = arith.constant 0 : i32
    %dma_wait3A_170 = arith.constant 0 : i32
    %dma_wait3A_171 = tpu.memref_slice %arg6[%dma_wait3A_169, %dma_wait3A_170] : memref<2048x128xf32, #tpu.memory_space<vmem_shared>> -> memref<2048x128xf32, #tpu.memory_space<vmem_shared>>
    tpu.wait_indirect_dma semaphore(%arg11 : memref<!tpu.dma_semaphore, #tpu.memory_space<semaphore_mem>>) src(%dma_wait3A_171 : memref<2048x128xf32, #tpu.memory_space<vmem_shared>>) dst(%dma_wait3A_165 : memref<128x128xf32, #tpu.memory_space<vmem>>)
    %dma_wait3A_172 = arith.constant 1 : i32
    %dma_wait3A_173 = arith.constant 2 : i32
    %dma_wait3A_174 = arith.constant 0 : i32
    %dma_wait3A_175 = arith.constant 0 : i32
    %dma_wait3A_176 = arith.constant 0 : i32
    %dma_wait3A_177 = tpu.memref_slice %arg9[%dma_wait3A_174, %dma_wait3A_175, %dma_wait3A_176] : memref<2x128x128xf32, #tpu.memory_space<vmem>> -> memref<1x128x128xf32, #tpu.memory_space<vmem>>
    %dma_wait3A_178 = tpu.memref_squeeze %dma_wait3A_177 : memref<1x128x128xf32, #tpu.memory_space<vmem>> -> memref<128x128xf32, #tpu.memory_space<vmem>>
    %dma_wait3A_179 = arith.constant 0 : i32
    %dma_wait3A_180 = tpu.memref_slice %arg7[%dma_wait3A_172, %dma_wait3A_173, %dma_wait3A_179] : memref<2x8x128xi32, #tpu.memory_space<vmem>> -> memref<1x1x128xi32, #tpu.memory_space<vmem>>
    %dma_wait3A_181 = tpu.memref_squeeze %dma_wait3A_180 : memref<1x1x128xi32, #tpu.memory_space<vmem>> -> memref<128xi32, #tpu.memory_space<vmem>>
    %dma_wait3A_182 = arith.constant 0 : i32
    %dma_wait3A_183 = arith.constant 0 : i32
    %dma_wait3A_184 = tpu.memref_slice %arg6[%dma_wait3A_182, %dma_wait3A_183] : memref<2048x128xf32, #tpu.memory_space<vmem_shared>> -> memref<2048x128xf32, #tpu.memory_space<vmem_shared>>
    tpu.wait_indirect_dma semaphore(%arg12 : memref<!tpu.dma_semaphore, #tpu.memory_space<semaphore_mem>>) src(%dma_wait3A_184 : memref<2048x128xf32, #tpu.memory_space<vmem_shared>>) dst(%dma_wait3A_178 : memref<128x128xf32, #tpu.memory_space<vmem>>)
    %dma_start3A_185 = arith.constant 0 : i32
    %dma_start3A_186 = arith.constant 3 : i32
    %dma_start3A_187 = arith.constant 1 : i32
    %dma_start3A_188 = arith.constant 0 : i32
    %dma_start3A_189 = arith.constant 0 : i32
    %dma_start3A_190 = tpu.memref_slice %arg8[%dma_start3A_187, %dma_start3A_188, %dma_start3A_189] : memref<2x128x128xf32, #tpu.memory_space<vmem>> -> memref<1x128x128xf32, #tpu.memory_space<vmem>>
    %dma_start3A_191 = tpu.memref_squeeze %dma_start3A_190 : memref<1x128x128xf32, #tpu.memory_space<vmem>> -> memref<128x128xf32, #tpu.memory_space<vmem>>
    %dma_start3A_192 = arith.constant 0 : i32
    %dma_start3A_193 = tpu.memref_slice %arg7[%dma_start3A_185, %dma_start3A_186, %dma_start3A_192] : memref<2x8x128xi32, #tpu.memory_space<vmem>> -> memref<1x1x128xi32, #tpu.memory_space<vmem>>
    %dma_start3A_194 = tpu.memref_squeeze %dma_start3A_193 : memref<1x1x128xi32, #tpu.memory_space<vmem>> -> memref<128xi32, #tpu.memory_space<vmem>>
    %dma_start3A_195 = arith.constant 0 : i32
    %dma_start3A_196 = arith.constant 0 : i32
    %dma_start3A_197 = tpu.memref_slice %arg6[%dma_start3A_195, %dma_start3A_196] : memref<2048x128xf32, #tpu.memory_space<vmem_shared>> -> memref<2048x128xf32, #tpu.memory_space<vmem_shared>>
    tpu.enqueue_indirect_dma source(%dma_start3A_197 : memref<2048x128xf32, #tpu.memory_space<vmem_shared>>) target(%dma_start3A_191 : memref<128x128xf32, #tpu.memory_space<vmem>>) offsets(%dma_start3A_194 : memref<128xi32, #tpu.memory_space<vmem>>) semaphore(%arg11 : memref<!tpu.dma_semaphore, #tpu.memory_space<semaphore_mem>>)
    %dma_start3A_198 = arith.constant 1 : i32
    %dma_start3A_199 = arith.constant 3 : i32
    %dma_start3A_200 = arith.constant 1 : i32
    %dma_start3A_201 = arith.constant 0 : i32
    %dma_start3A_202 = arith.constant 0 : i32
    %dma_start3A_203 = tpu.memref_slice %arg9[%dma_start3A_200, %dma_start3A_201, %dma_start3A_202] : memref<2x128x128xf32, #tpu.memory_space<vmem>> -> memref<1x128x128xf32, #tpu.memory_space<vmem>>
    %dma_start3A_204 = tpu.memref_squeeze %dma_start3A_203 : memref<1x128x128xf32, #tpu.memory_space<vmem>> -> memref<128x128xf32, #tpu.memory_space<vmem>>
    %dma_start3A_205 = arith.constant 0 : i32
    %dma_start3A_206 = tpu.memref_slice %arg7[%dma_start3A_198, %dma_start3A_199, %dma_start3A_205] : memref<2x8x128xi32, #tpu.memory_space<vmem>> -> memref<1x1x128xi32, #tpu.memory_space<vmem>>
    %dma_start3A_207 = tpu.memref_squeeze %dma_start3A_206 : memref<1x1x128xi32, #tpu.memory_space<vmem>> -> memref<128xi32, #tpu.memory_space<vmem>>
    %dma_start3A_208 = arith.constant 0 : i32
    %dma_start3A_209 = arith.constant 0 : i32
    %dma_start3A_210 = tpu.memref_slice %arg6[%dma_start3A_208, %dma_start3A_209] : memref<2048x128xf32, #tpu.memory_space<vmem_shared>> -> memref<2048x128xf32, #tpu.memory_space<vmem_shared>>
    tpu.enqueue_indirect_dma source(%dma_start3A_210 : memref<2048x128xf32, #tpu.memory_space<vmem_shared>>) target(%dma_start3A_204 : memref<128x128xf32, #tpu.memory_space<vmem>>) offsets(%dma_start3A_207 : memref<128xi32, #tpu.memory_space<vmem>>) semaphore(%arg12 : memref<!tpu.dma_semaphore, #tpu.memory_space<semaphore_mem>>)
    %scan3A_211 = arith.constant 0 : i32
    %scan3A_212 = arith.constant 0 : i32
    %scan3A_213 = arith.constant 128 : i32
    %scan3A_214 = arith.addi %scan3A_212, %scan3A_213 : i32
    %scan3A_215 = arith.constant 1 : i32
    scf.for %scan3A_517 = %scan3A_212 to %scan3A_214 step %scan3A_215  : i32 {
      %shift_right_arithmetic3A = arith.constant 3 : i32
      %shift_right_arithmetic3A_518 = arith.shrsi %scan3A_517, %shift_right_arithmetic3A : i32
      %and3A = arith.constant 7 : i32
      %and3A_519 = arith.andi %scan3A_517, %and3A : i32
      %mul3A_520 = arith.constant 64 : i32
      %mul3A_521 = arith.muli %and3A_519, %mul3A_520 : i32
      %get3A = arith.constant 0 : i32
      %get3A_522 = arith.index_cast %get3A : i32 to index
      %get3A_523 = arith.index_cast %scan3A_517 : i32 to index
      %get3A_524 = arith.constant 0 : index
      %get3A_525 = tpu.vector_load %arg8[%get3A_522, %get3A_523, %get3A_524] {strides = array<i32>} : memref<2x128x128xf32, #tpu.memory_space<vmem>>, vector<1x1x16xf32>,
      %get3A_526 = vector.shape_cast %get3A_525 : vector<1x1x16xf32> to vector<16xf32>
      %get3A_527 = arith.constant 0 : i32
      %get3A_528 = arith.index_cast %get3A_527 : i32 to index
      %get3A_529 = arith.index_cast %scan3A_517 : i32 to index
      %get3A_530 = arith.constant 64 : index
      %get3A_531 = tpu.vector_load %arg9[%get3A_528, %get3A_529, %get3A_530] {strides = array<i32>} : memref<2x128x128xf32, #tpu.memory_space<vmem>>, vector<1x1x16xf32>,
      %get3A_532 = vector.shape_cast %get3A_531 : vector<1x1x16xf32> to vector<16xf32>
      %add3A_533 = arith.addf %get3A_526, %get3A_532 : vector<16xf32>
      %add3A_534 = arith.constant 0 : i32
      %add3A_535 = arith.addi %mul3A_521, %add3A_534 : i32
      %swap3A = arith.index_cast %shift_right_arithmetic3A_518 : i32 to index
      %swap3A_536 = arith.index_cast %add3A_535 : i32 to index
      %swap3A_537 = tpu.vector_load %arg10[%swap3A, %swap3A_536] {strides = array<i32>} : memref<16x512xf32, #tpu.memory_space<vmem>>, vector<1x16xf32>,
      %swap3A_538 = vector.shape_cast %swap3A_537 : vector<1x16xf32> to vector<16xf32>
      %swap3A_539 = vector.shape_cast %add3A_533 : vector<16xf32> to vector<1x16xf32>
      tpu.vector_store %arg10[%swap3A, %swap3A_536], %swap3A_539 {strides = array<i32>} : memref<16x512xf32, #tpu.memory_space<vmem>>, vector<1x16xf32>,
      %get3A_540 = arith.constant 0 : i32
      %get3A_541 = arith.index_cast %get3A_540 : i32 to index
      %get3A_542 = arith.index_cast %scan3A_517 : i32 to index
      %get3A_543 = arith.constant 16 : index
      %get3A_544 = tpu.vector_load %arg8[%get3A_541, %get3A_542, %get3A_543] {strides = array<i32>} : memref<2x128x128xf32, #tpu.memory_space<vmem>>, vector<1x1x16xf32>,
      %get3A_545 = vector.shape_cast %get3A_544 : vector<1x1x16xf32> to vector<16xf32>
      %get3A_546 = arith.constant 0 : i32
      %get3A_547 = arith.index_cast %get3A_546 : i32 to index
      %get3A_548 = arith.index_cast %scan3A_517 : i32 to index
      %get3A_549 = arith.constant 80 : index
      %get3A_550 = tpu.vector_load %arg9[%get3A_547, %get3A_548, %get3A_549] {strides = array<i32>} : memref<2x128x128xf32, #tpu.memory_space<vmem>>, vector<1x1x16xf32>,
      %get3A_551 = vector.shape_cast %get3A_550 : vector<1x1x16xf32> to vector<16xf32>
      %add3A_552 = arith.addf %get3A_545, %get3A_551 : vector<16xf32>
      %add3A_553 = arith.constant 16 : i32
      %add3A_554 = arith.addi %mul3A_521, %add3A_553 : i32
      %swap3A_555 = arith.index_cast %shift_right_arithmetic3A_518 : i32 to index
      %swap3A_556 = arith.index_cast %add3A_554 : i32 to index
      %swap3A_557 = tpu.vector_load %arg10[%swap3A_555, %swap3A_556] {strides = array<i32>} : memref<16x512xf32, #tpu.memory_space<vmem>>, vector<1x16xf32>,
      %swap3A_558 = vector.shape_cast %swap3A_557 : vector<1x16xf32> to vector<16xf32>
      %swap3A_559 = vector.shape_cast %add3A_552 : vector<16xf32> to vector<1x16xf32>
      tpu.vector_store %arg10[%swap3A_555, %swap3A_556], %swap3A_559 {strides = array<i32>} : memref<16x512xf32, #tpu.memory_space<vmem>>, vector<1x16xf32>,
      %get3A_560 = arith.constant 0 : i32
      %get3A_561 = arith.index_cast %get3A_560 : i32 to index
      %get3A_562 = arith.index_cast %scan3A_517 : i32 to index
      %get3A_563 = arith.constant 32 : index
      %get3A_564 = tpu.vector_load %arg8[%get3A_561, %get3A_562, %get3A_563] {strides = array<i32>} : memref<2x128x128xf32, #tpu.memory_space<vmem>>, vector<1x1x16xf32>,
      %get3A_565 = vector.shape_cast %get3A_564 : vector<1x1x16xf32> to vector<16xf32>
      %get3A_566 = arith.constant 0 : i32
      %get3A_567 = arith.index_cast %get3A_566 : i32 to index
      %get3A_568 = arith.index_cast %scan3A_517 : i32 to index
      %get3A_569 = arith.constant 96 : index
      %get3A_570 = tpu.vector_load %arg9[%get3A_567, %get3A_568, %get3A_569] {strides = array<i32>} : memref<2x128x128xf32, #tpu.memory_space<vmem>>, vector<1x1x16xf32>,
      %get3A_571 = vector.shape_cast %get3A_570 : vector<1x1x16xf32> to vector<16xf32>
      %add3A_572 = arith.addf %get3A_565, %get3A_571 : vector<16xf32>
      %add3A_573 = arith.constant 32 : i32
      %add3A_574 = arith.addi %mul3A_521, %add3A_573 : i32
      %swap3A_575 = arith.index_cast %shift_right_arithmetic3A_518 : i32 to index
      %swap3A_576 = arith.index_cast %add3A_574 : i32 to index
      %swap3A_577 = tpu.vector_load %arg10[%swap3A_575, %swap3A_576] {strides = array<i32>} : memref<16x512xf32, #tpu.memory_space<vmem>>, vector<1x16xf32>,
      %swap3A_578 = vector.shape_cast %swap3A_577 : vector<1x16xf32> to vector<16xf32>
      %swap3A_579 = vector.shape_cast %add3A_572 : vector<16xf32> to vector<1x16xf32>
      tpu.vector_store %arg10[%swap3A_575, %swap3A_576], %swap3A_579 {strides = array<i32>} : memref<16x512xf32, #tpu.memory_space<vmem>>, vector<1x16xf32>,
      %get3A_580 = arith.constant 0 : i32
      %get3A_581 = arith.index_cast %get3A_580 : i32 to index
      %get3A_582 = arith.index_cast %scan3A_517 : i32 to index
      %get3A_583 = arith.constant 48 : index
      %get3A_584 = tpu.vector_load %arg8[%get3A_581, %get3A_582, %get3A_583] {strides = array<i32>} : memref<2x128x128xf32, #tpu.memory_space<vmem>>, vector<1x1x16xf32>,
      %get3A_585 = vector.shape_cast %get3A_584 : vector<1x1x16xf32> to vector<16xf32>
      %get3A_586 = arith.constant 0 : i32
      %get3A_587 = arith.index_cast %get3A_586 : i32 to index
      %get3A_588 = arith.index_cast %scan3A_517 : i32 to index
      %get3A_589 = arith.constant 112 : index
      %get3A_590 = tpu.vector_load %arg9[%get3A_587, %get3A_588, %get3A_589] {strides = array<i32>} : memref<2x128x128xf32, #tpu.memory_space<vmem>>, vector<1x1x16xf32>,
      %get3A_591 = vector.shape_cast %get3A_590 : vector<1x1x16xf32> to vector<16xf32>
      %add3A_592 = arith.addf %get3A_585, %get3A_591 : vector<16xf32>
      %add3A_593 = arith.constant 48 : i32
      %add3A_594 = arith.addi %mul3A_521, %add3A_593 : i32
      %swap3A_595 = arith.index_cast %shift_right_arithmetic3A_518 : i32 to index
      %swap3A_596 = arith.index_cast %add3A_594 : i32 to index
      %swap3A_597 = tpu.vector_load %arg10[%swap3A_595, %swap3A_596] {strides = array<i32>} : memref<16x512xf32, #tpu.memory_space<vmem>>, vector<1x16xf32>,
      %swap3A_598 = vector.shape_cast %swap3A_597 : vector<1x16xf32> to vector<16xf32>
      %swap3A_599 = vector.shape_cast %add3A_592 : vector<16xf32> to vector<1x16xf32>
      tpu.vector_store %arg10[%swap3A_595, %swap3A_596], %swap3A_599 {strides = array<i32>} : memref<16x512xf32, #tpu.memory_space<vmem>>, vector<1x16xf32>,
    }
    %scan3A_216 = arith.constant 128 : i32
    %mul3A_217 = arith.constant 8 : i32
    %mul3A_218 = arith.muli %add3A, %mul3A_217 : i32
    %add3A_219 = arith.constant 2 : i32
    %add3A_220 = arith.addi %mul3A_218, %add3A_219 : i32
    %mul3A_221 = arith.constant 16 : i32
    %mul3A_222 = arith.muli %add3A_220, %mul3A_221 : i32
    "tpu.region"() ({
      %run_scoped3A_517 = tpu.sem_alloc : memref<!tpu.dma_semaphore, #tpu.memory_space<semaphore_mem>>
      %dma_start3A_518 = arith.constant 0 : i32
      %dma_start3A_519 = tpu.memref_slice %arg5[%mul3A_222, %dma_start3A_518] : memref<4096x512xf32, #tpu.memory_space<hbm>> -> memref<16x512xf32, #tpu.memory_space<hbm>>
      %dma_start3A_520 = arith.constant 0 : i32
      %dma_start3A_521 = tpu.memref_slice %arg5[%mul3A_222, %dma_start3A_520] : memref<4096x512xf32, #tpu.memory_space<hbm>> -> memref<16x512xf32, #tpu.memory_space<hbm>>
      tpu.enqueue_dma source(%arg10 : memref<16x512xf32, #tpu.memory_space<vmem>>) target(%dma_start3A_521 : memref<16x512xf32, #tpu.memory_space<hbm>>) target_semaphore(%run_scoped3A_517 : memref<!tpu.dma_semaphore, #tpu.memory_space<semaphore_mem>>)
      %dma_wait3A_522 = arith.constant 0 : i32
      %dma_wait3A_523 = tpu.memref_slice %arg5[%mul3A_222, %dma_wait3A_522] : memref<4096x512xf32, #tpu.memory_space<hbm>> -> memref<16x512xf32, #tpu.memory_space<hbm>>
      %dma_wait3A_524 = arith.constant 0 : i32
      %dma_wait3A_525 = tpu.memref_slice %arg5[%mul3A_222, %dma_wait3A_524] : memref<4096x512xf32, #tpu.memory_space<hbm>> -> memref<16x512xf32, #tpu.memory_space<hbm>>
      tpu.wait_dma2 semaphore(%run_scoped3A_517 : memref<!tpu.dma_semaphore, #tpu.memory_space<semaphore_mem>>) src(%arg10 : memref<16x512xf32, #tpu.memory_space<vmem>>) dst(%dma_wait3A_525 : memref<16x512xf32, #tpu.memory_space<hbm>>)
      tpu.yield
    }) : () -> ()
    %dma_wait3A_223 = arith.constant 0 : i32
    %dma_wait3A_224 = arith.constant 3 : i32
    %dma_wait3A_225 = arith.constant 1 : i32
    %dma_wait3A_226 = arith.constant 0 : i32
    %dma_wait3A_227 = arith.constant 0 : i32
    %dma_wait3A_228 = tpu.memref_slice %arg8[%dma_wait3A_225, %dma_wait3A_226, %dma_wait3A_227] : memref<2x128x128xf32, #tpu.memory_space<vmem>> -> memref<1x128x128xf32, #tpu.memory_space<vmem>>
    %dma_wait3A_229 = tpu.memref_squeeze %dma_wait3A_228 : memref<1x128x128xf32, #tpu.memory_space<vmem>> -> memref<128x128xf32, #tpu.memory_space<vmem>>
    %dma_wait3A_230 = arith.constant 0 : i32
    %dma_wait3A_231 = tpu.memref_slice %arg7[%dma_wait3A_223, %dma_wait3A_224, %dma_wait3A_230] : memref<2x8x128xi32, #tpu.memory_space<vmem>> -> memref<1x1x128xi32, #tpu.memory_space<vmem>>
    %dma_wait3A_232 = tpu.memref_squeeze %dma_wait3A_231 : memref<1x1x128xi32, #tpu.memory_space<vmem>> -> memref<128xi32, #tpu.memory_space<vmem>>
    %dma_wait3A_233 = arith.constant 0 : i32
    %dma_wait3A_234 = arith.constant 0 : i32
    %dma_wait3A_235 = tpu.memref_slice %arg6[%dma_wait3A_233, %dma_wait3A_234] : memref<2048x128xf32, #tpu.memory_space<vmem_shared>> -> memref<2048x128xf32, #tpu.memory_space<vmem_shared>>
    tpu.wait_indirect_dma semaphore(%arg11 : memref<!tpu.dma_semaphore, #tpu.memory_space<semaphore_mem>>) src(%dma_wait3A_235 : memref<2048x128xf32, #tpu.memory_space<vmem_shared>>) dst(%dma_wait3A_229 : memref<128x128xf32, #tpu.memory_space<vmem>>)
    %dma_wait3A_236 = arith.constant 1 : i32
    %dma_wait3A_237 = arith.constant 3 : i32
    %dma_wait3A_238 = arith.constant 1 : i32
    %dma_wait3A_239 = arith.constant 0 : i32
    %dma_wait3A_240 = arith.constant 0 : i32
    %dma_wait3A_241 = tpu.memref_slice %arg9[%dma_wait3A_238, %dma_wait3A_239, %dma_wait3A_240] : memref<2x128x128xf32, #tpu.memory_space<vmem>> -> memref<1x128x128xf32, #tpu.memory_space<vmem>>
    %dma_wait3A_242 = tpu.memref_squeeze %dma_wait3A_241 : memref<1x128x128xf32, #tpu.memory_space<vmem>> -> memref<128x128xf32, #tpu.memory_space<vmem>>
    %dma_wait3A_243 = arith.constant 0 : i32
    %dma_wait3A_244 = tpu.memref_slice %arg7[%dma_wait3A_236, %dma_wait3A_237, %dma_wait3A_243] : memref<2x8x128xi32, #tpu.memory_space<vmem>> -> memref<1x1x128xi32, #tpu.memory_space<vmem>>
    %dma_wait3A_245 = tpu.memref_squeeze %dma_wait3A_244 : memref<1x1x128xi32, #tpu.memory_space<vmem>> -> memref<128xi32, #tpu.memory_space<vmem>>
    %dma_wait3A_246 = arith.constant 0 : i32
    %dma_wait3A_247 = arith.constant 0 : i32
    %dma_wait3A_248 = tpu.memref_slice %arg6[%dma_wait3A_246, %dma_wait3A_247] : memref<2048x128xf32, #tpu.memory_space<vmem_shared>> -> memref<2048x128xf32, #tpu.memory_space<vmem_shared>>
    tpu.wait_indirect_dma semaphore(%arg12 : memref<!tpu.dma_semaphore, #tpu.memory_space<semaphore_mem>>) src(%dma_wait3A_248 : memref<2048x128xf32, #tpu.memory_space<vmem_shared>>) dst(%dma_wait3A_242 : memref<128x128xf32, #tpu.memory_space<vmem>>)
    %dma_start3A_249 = arith.constant 0 : i32
    %dma_start3A_250 = arith.constant 4 : i32
    %dma_start3A_251 = arith.constant 0 : i32
    %dma_start3A_252 = arith.constant 0 : i32
    %dma_start3A_253 = arith.constant 0 : i32
    %dma_start3A_254 = tpu.memref_slice %arg8[%dma_start3A_251, %dma_start3A_252, %dma_start3A_253] : memref<2x128x128xf32, #tpu.memory_space<vmem>> -> memref<1x128x128xf32, #tpu.memory_space<vmem>>
    %dma_start3A_255 = tpu.memref_squeeze %dma_start3A_254 : memref<1x128x128xf32, #tpu.memory_space<vmem>> -> memref<128x128xf32, #tpu.memory_space<vmem>>
    %dma_start3A_256 = arith.constant 0 : i32
    %dma_start3A_257 = tpu.memref_slice %arg7[%dma_start3A_249, %dma_start3A_250, %dma_start3A_256] : memref<2x8x128xi32, #tpu.memory_space<vmem>> -> memref<1x1x128xi32, #tpu.memory_space<vmem>>
    %dma_start3A_258 = tpu.memref_squeeze %dma_start3A_257 : memref<1x1x128xi32, #tpu.memory_space<vmem>> -> memref<128xi32, #tpu.memory_space<vmem>>
    %dma_start3A_259 = arith.constant 0 : i32
    %dma_start3A_260 = arith.constant 0 : i32
    %dma_start3A_261 = tpu.memref_slice %arg6[%dma_start3A_259, %dma_start3A_260] : memref<2048x128xf32, #tpu.memory_space<vmem_shared>> -> memref<2048x128xf32, #tpu.memory_space<vmem_shared>>
    tpu.enqueue_indirect_dma source(%dma_start3A_261 : memref<2048x128xf32, #tpu.memory_space<vmem_shared>>) target(%dma_start3A_255 : memref<128x128xf32, #tpu.memory_space<vmem>>) offsets(%dma_start3A_258 : memref<128xi32, #tpu.memory_space<vmem>>) semaphore(%arg11 : memref<!tpu.dma_semaphore, #tpu.memory_space<semaphore_mem>>)
    %dma_start3A_262 = arith.constant 1 : i32
    %dma_start3A_263 = arith.constant 4 : i32
    %dma_start3A_264 = arith.constant 0 : i32
    %dma_start3A_265 = arith.constant 0 : i32
    %dma_start3A_266 = arith.constant 0 : i32
    %dma_start3A_267 = tpu.memref_slice %arg9[%dma_start3A_264, %dma_start3A_265, %dma_start3A_266] : memref<2x128x128xf32, #tpu.memory_space<vmem>> -> memref<1x128x128xf32, #tpu.memory_space<vmem>>
    %dma_start3A_268 = tpu.memref_squeeze %dma_start3A_267 : memref<1x128x128xf32, #tpu.memory_space<vmem>> -> memref<128x128xf32, #tpu.memory_space<vmem>>
    %dma_start3A_269 = arith.constant 0 : i32
    %dma_start3A_270 = tpu.memref_slice %arg7[%dma_start3A_262, %dma_start3A_263, %dma_start3A_269] : memref<2x8x128xi32, #tpu.memory_space<vmem>> -> memref<1x1x128xi32, #tpu.memory_space<vmem>>
    %dma_start3A_271 = tpu.memref_squeeze %dma_start3A_270 : memref<1x1x128xi32, #tpu.memory_space<vmem>> -> memref<128xi32, #tpu.memory_space<vmem>>
    %dma_start3A_272 = arith.constant 0 : i32
    %dma_start3A_273 = arith.constant 0 : i32
    %dma_start3A_274 = tpu.memref_slice %arg6[%dma_start3A_272, %dma_start3A_273] : memref<2048x128xf32, #tpu.memory_space<vmem_shared>> -> memref<2048x128xf32, #tpu.memory_space<vmem_shared>>
    tpu.enqueue_indirect_dma source(%dma_start3A_274 : memref<2048x128xf32, #tpu.memory_space<vmem_shared>>) target(%dma_start3A_268 : memref<128x128xf32, #tpu.memory_space<vmem>>) offsets(%dma_start3A_271 : memref<128xi32, #tpu.memory_space<vmem>>) semaphore(%arg12 : memref<!tpu.dma_semaphore, #tpu.memory_space<semaphore_mem>>)
    %scan3A_275 = arith.constant 0 : i32
    %scan3A_276 = arith.constant 0 : i32
    %scan3A_277 = arith.constant 128 : i32
    %scan3A_278 = arith.addi %scan3A_276, %scan3A_277 : i32
    %scan3A_279 = arith.constant 1 : i32
    scf.for %scan3A_517 = %scan3A_276 to %scan3A_278 step %scan3A_279  : i32 {
      %shift_right_arithmetic3A = arith.constant 3 : i32
      %shift_right_arithmetic3A_518 = arith.shrsi %scan3A_517, %shift_right_arithmetic3A : i32
      %and3A = arith.constant 7 : i32
      %and3A_519 = arith.andi %scan3A_517, %and3A : i32
      %mul3A_520 = arith.constant 64 : i32
      %mul3A_521 = arith.muli %and3A_519, %mul3A_520 : i32
      %get3A = arith.constant 1 : i32
      %get3A_522 = arith.index_cast %get3A : i32 to index
      %get3A_523 = arith.index_cast %scan3A_517 : i32 to index
      %get3A_524 = arith.constant 0 : index
      %get3A_525 = tpu.vector_load %arg8[%get3A_522, %get3A_523, %get3A_524] {strides = array<i32>} : memref<2x128x128xf32, #tpu.memory_space<vmem>>, vector<1x1x16xf32>,
      %get3A_526 = vector.shape_cast %get3A_525 : vector<1x1x16xf32> to vector<16xf32>
      %get3A_527 = arith.constant 1 : i32
      %get3A_528 = arith.index_cast %get3A_527 : i32 to index
      %get3A_529 = arith.index_cast %scan3A_517 : i32 to index
      %get3A_530 = arith.constant 64 : index
      %get3A_531 = tpu.vector_load %arg9[%get3A_528, %get3A_529, %get3A_530] {strides = array<i32>} : memref<2x128x128xf32, #tpu.memory_space<vmem>>, vector<1x1x16xf32>,
      %get3A_532 = vector.shape_cast %get3A_531 : vector<1x1x16xf32> to vector<16xf32>
      %add3A_533 = arith.addf %get3A_526, %get3A_532 : vector<16xf32>
      %add3A_534 = arith.constant 0 : i32
      %add3A_535 = arith.addi %mul3A_521, %add3A_534 : i32
      %swap3A = arith.index_cast %shift_right_arithmetic3A_518 : i32 to index
      %swap3A_536 = arith.index_cast %add3A_535 : i32 to index
      %swap3A_537 = tpu.vector_load %arg10[%swap3A, %swap3A_536] {strides = array<i32>} : memref<16x512xf32, #tpu.memory_space<vmem>>, vector<1x16xf32>,
      %swap3A_538 = vector.shape_cast %swap3A_537 : vector<1x16xf32> to vector<16xf32>
      %swap3A_539 = vector.shape_cast %add3A_533 : vector<16xf32> to vector<1x16xf32>
      tpu.vector_store %arg10[%swap3A, %swap3A_536], %swap3A_539 {strides = array<i32>} : memref<16x512xf32, #tpu.memory_space<vmem>>, vector<1x16xf32>,
      %get3A_540 = arith.constant 1 : i32
      %get3A_541 = arith.index_cast %get3A_540 : i32 to index
      %get3A_542 = arith.index_cast %scan3A_517 : i32 to index
      %get3A_543 = arith.constant 16 : index
      %get3A_544 = tpu.vector_load %arg8[%get3A_541, %get3A_542, %get3A_543] {strides = array<i32>} : memref<2x128x128xf32, #tpu.memory_space<vmem>>, vector<1x1x16xf32>,
      %get3A_545 = vector.shape_cast %get3A_544 : vector<1x1x16xf32> to vector<16xf32>
      %get3A_546 = arith.constant 1 : i32
      %get3A_547 = arith.index_cast %get3A_546 : i32 to index
      %get3A_548 = arith.index_cast %scan3A_517 : i32 to index
      %get3A_549 = arith.constant 80 : index
      %get3A_550 = tpu.vector_load %arg9[%get3A_547, %get3A_548, %get3A_549] {strides = array<i32>} : memref<2x128x128xf32, #tpu.memory_space<vmem>>, vector<1x1x16xf32>,
      %get3A_551 = vector.shape_cast %get3A_550 : vector<1x1x16xf32> to vector<16xf32>
      %add3A_552 = arith.addf %get3A_545, %get3A_551 : vector<16xf32>
      %add3A_553 = arith.constant 16 : i32
      %add3A_554 = arith.addi %mul3A_521, %add3A_553 : i32
      %swap3A_555 = arith.index_cast %shift_right_arithmetic3A_518 : i32 to index
      %swap3A_556 = arith.index_cast %add3A_554 : i32 to index
      %swap3A_557 = tpu.vector_load %arg10[%swap3A_555, %swap3A_556] {strides = array<i32>} : memref<16x512xf32, #tpu.memory_space<vmem>>, vector<1x16xf32>,
      %swap3A_558 = vector.shape_cast %swap3A_557 : vector<1x16xf32> to vector<16xf32>
      %swap3A_559 = vector.shape_cast %add3A_552 : vector<16xf32> to vector<1x16xf32>
      tpu.vector_store %arg10[%swap3A_555, %swap3A_556], %swap3A_559 {strides = array<i32>} : memref<16x512xf32, #tpu.memory_space<vmem>>, vector<1x16xf32>,
      %get3A_560 = arith.constant 1 : i32
      %get3A_561 = arith.index_cast %get3A_560 : i32 to index
      %get3A_562 = arith.index_cast %scan3A_517 : i32 to index
      %get3A_563 = arith.constant 32 : index
      %get3A_564 = tpu.vector_load %arg8[%get3A_561, %get3A_562, %get3A_563] {strides = array<i32>} : memref<2x128x128xf32, #tpu.memory_space<vmem>>, vector<1x1x16xf32>,
      %get3A_565 = vector.shape_cast %get3A_564 : vector<1x1x16xf32> to vector<16xf32>
      %get3A_566 = arith.constant 1 : i32
      %get3A_567 = arith.index_cast %get3A_566 : i32 to index
      %get3A_568 = arith.index_cast %scan3A_517 : i32 to index
      %get3A_569 = arith.constant 96 : index
      %get3A_570 = tpu.vector_load %arg9[%get3A_567, %get3A_568, %get3A_569] {strides = array<i32>} : memref<2x128x128xf32, #tpu.memory_space<vmem>>, vector<1x1x16xf32>,
      %get3A_571 = vector.shape_cast %get3A_570 : vector<1x1x16xf32> to vector<16xf32>
      %add3A_572 = arith.addf %get3A_565, %get3A_571 : vector<16xf32>
      %add3A_573 = arith.constant 32 : i32
      %add3A_574 = arith.addi %mul3A_521, %add3A_573 : i32
      %swap3A_575 = arith.index_cast %shift_right_arithmetic3A_518 : i32 to index
      %swap3A_576 = arith.index_cast %add3A_574 : i32 to index
      %swap3A_577 = tpu.vector_load %arg10[%swap3A_575, %swap3A_576] {strides = array<i32>} : memref<16x512xf32, #tpu.memory_space<vmem>>, vector<1x16xf32>,
      %swap3A_578 = vector.shape_cast %swap3A_577 : vector<1x16xf32> to vector<16xf32>
      %swap3A_579 = vector.shape_cast %add3A_572 : vector<16xf32> to vector<1x16xf32>
      tpu.vector_store %arg10[%swap3A_575, %swap3A_576], %swap3A_579 {strides = array<i32>} : memref<16x512xf32, #tpu.memory_space<vmem>>, vector<1x16xf32>,
      %get3A_580 = arith.constant 1 : i32
      %get3A_581 = arith.index_cast %get3A_580 : i32 to index
      %get3A_582 = arith.index_cast %scan3A_517 : i32 to index
      %get3A_583 = arith.constant 48 : index
      %get3A_584 = tpu.vector_load %arg8[%get3A_581, %get3A_582, %get3A_583] {strides = array<i32>} : memref<2x128x128xf32, #tpu.memory_space<vmem>>, vector<1x1x16xf32>,
      %get3A_585 = vector.shape_cast %get3A_584 : vector<1x1x16xf32> to vector<16xf32>
      %get3A_586 = arith.constant 1 : i32
      %get3A_587 = arith.index_cast %get3A_586 : i32 to index
      %get3A_588 = arith.index_cast %scan3A_517 : i32 to index
      %get3A_589 = arith.constant 112 : index
      %get3A_590 = tpu.vector_load %arg9[%get3A_587, %get3A_588, %get3A_589] {strides = array<i32>} : memref<2x128x128xf32, #tpu.memory_space<vmem>>, vector<1x1x16xf32>,
      %get3A_591 = vector.shape_cast %get3A_590 : vector<1x1x16xf32> to vector<16xf32>
      %add3A_592 = arith.addf %get3A_585, %get3A_591 : vector<16xf32>
      %add3A_593 = arith.constant 48 : i32
      %add3A_594 = arith.addi %mul3A_521, %add3A_593 : i32
      %swap3A_595 = arith.index_cast %shift_right_arithmetic3A_518 : i32 to index
      %swap3A_596 = arith.index_cast %add3A_594 : i32 to index
      %swap3A_597 = tpu.vector_load %arg10[%swap3A_595, %swap3A_596] {strides = array<i32>} : memref<16x512xf32, #tpu.memory_space<vmem>>, vector<1x16xf32>,
      %swap3A_598 = vector.shape_cast %swap3A_597 : vector<1x16xf32> to vector<16xf32>
      %swap3A_599 = vector.shape_cast %add3A_592 : vector<16xf32> to vector<1x16xf32>
      tpu.vector_store %arg10[%swap3A_595, %swap3A_596], %swap3A_599 {strides = array<i32>} : memref<16x512xf32, #tpu.memory_space<vmem>>, vector<1x16xf32>,
    }
    %scan3A_280 = arith.constant 128 : i32
    %mul3A_281 = arith.constant 8 : i32
    %mul3A_282 = arith.muli %add3A, %mul3A_281 : i32
    %add3A_283 = arith.constant 3 : i32
    %add3A_284 = arith.addi %mul3A_282, %add3A_283 : i32
    %mul3A_285 = arith.constant 16 : i32
    %mul3A_286 = arith.muli %add3A_284, %mul3A_285 : i32
    "tpu.region"() ({
      %run_scoped3A_517 = tpu.sem_alloc : memref<!tpu.dma_semaphore, #tpu.memory_space<semaphore_mem>>
      %dma_start3A_518 = arith.constant 0 : i32
      %dma_start3A_519 = tpu.memref_slice %arg5[%mul3A_286, %dma_start3A_518] : memref<4096x512xf32, #tpu.memory_space<hbm>> -> memref<16x512xf32, #tpu.memory_space<hbm>>
      %dma_start3A_520 = arith.constant 0 : i32
      %dma_start3A_521 = tpu.memref_slice %arg5[%mul3A_286, %dma_start3A_520] : memref<4096x512xf32, #tpu.memory_space<hbm>> -> memref<16x512xf32, #tpu.memory_space<hbm>>
      tpu.enqueue_dma source(%arg10 : memref<16x512xf32, #tpu.memory_space<vmem>>) target(%dma_start3A_521 : memref<16x512xf32, #tpu.memory_space<hbm>>) target_semaphore(%run_scoped3A_517 : memref<!tpu.dma_semaphore, #tpu.memory_space<semaphore_mem>>)
      %dma_wait3A_522 = arith.constant 0 : i32
      %dma_wait3A_523 = tpu.memref_slice %arg5[%mul3A_286, %dma_wait3A_522] : memref<4096x512xf32, #tpu.memory_space<hbm>> -> memref<16x512xf32, #tpu.memory_space<hbm>>
      %dma_wait3A_524 = arith.constant 0 : i32
      %dma_wait3A_525 = tpu.memref_slice %arg5[%mul3A_286, %dma_wait3A_524] : memref<4096x512xf32, #tpu.memory_space<hbm>> -> memref<16x512xf32, #tpu.memory_space<hbm>>
      tpu.wait_dma2 semaphore(%run_scoped3A_517 : memref<!tpu.dma_semaphore, #tpu.memory_space<semaphore_mem>>) src(%arg10 : memref<16x512xf32, #tpu.memory_space<vmem>>) dst(%dma_wait3A_525 : memref<16x512xf32, #tpu.memory_space<hbm>>)
      tpu.yield
    }) : () -> ()
    %dma_wait3A_287 = arith.constant 0 : i32
    %dma_wait3A_288 = arith.constant 4 : i32
    %dma_wait3A_289 = arith.constant 0 : i32
    %dma_wait3A_290 = arith.constant 0 : i32
    %dma_wait3A_291 = arith.constant 0 : i32
    %dma_wait3A_292 = tpu.memref_slice %arg8[%dma_wait3A_289, %dma_wait3A_290, %dma_wait3A_291] : memref<2x128x128xf32, #tpu.memory_space<vmem>> -> memref<1x128x128xf32, #tpu.memory_space<vmem>>
    %dma_wait3A_293 = tpu.memref_squeeze %dma_wait3A_292 : memref<1x128x128xf32, #tpu.memory_space<vmem>> -> memref<128x128xf32, #tpu.memory_space<vmem>>
    %dma_wait3A_294 = arith.constant 0 : i32
    %dma_wait3A_295 = tpu.memref_slice %arg7[%dma_wait3A_287, %dma_wait3A_288, %dma_wait3A_294] : memref<2x8x128xi32, #tpu.memory_space<vmem>> -> memref<1x1x128xi32, #tpu.memory_space<vmem>>
    %dma_wait3A_296 = tpu.memref_squeeze %dma_wait3A_295 : memref<1x1x128xi32, #tpu.memory_space<vmem>> -> memref<128xi32, #tpu.memory_space<vmem>>
    %dma_wait3A_297 = arith.constant 0 : i32
    %dma_wait3A_298 = arith.constant 0 : i32
    %dma_wait3A_299 = tpu.memref_slice %arg6[%dma_wait3A_297, %dma_wait3A_298] : memref<2048x128xf32, #tpu.memory_space<vmem_shared>> -> memref<2048x128xf32, #tpu.memory_space<vmem_shared>>
    tpu.wait_indirect_dma semaphore(%arg11 : memref<!tpu.dma_semaphore, #tpu.memory_space<semaphore_mem>>) src(%dma_wait3A_299 : memref<2048x128xf32, #tpu.memory_space<vmem_shared>>) dst(%dma_wait3A_293 : memref<128x128xf32, #tpu.memory_space<vmem>>)
    %dma_wait3A_300 = arith.constant 1 : i32
    %dma_wait3A_301 = arith.constant 4 : i32
    %dma_wait3A_302 = arith.constant 0 : i32
    %dma_wait3A_303 = arith.constant 0 : i32
    %dma_wait3A_304 = arith.constant 0 : i32
    %dma_wait3A_305 = tpu.memref_slice %arg9[%dma_wait3A_302, %dma_wait3A_303, %dma_wait3A_304] : memref<2x128x128xf32, #tpu.memory_space<vmem>> -> memref<1x128x128xf32, #tpu.memory_space<vmem>>
    %dma_wait3A_306 = tpu.memref_squeeze %dma_wait3A_305 : memref<1x128x128xf32, #tpu.memory_space<vmem>> -> memref<128x128xf32, #tpu.memory_space<vmem>>
    %dma_wait3A_307 = arith.constant 0 : i32
    %dma_wait3A_308 = tpu.memref_slice %arg7[%dma_wait3A_300, %dma_wait3A_301, %dma_wait3A_307] : memref<2x8x128xi32, #tpu.memory_space<vmem>> -> memref<1x1x128xi32, #tpu.memory_space<vmem>>
    %dma_wait3A_309 = tpu.memref_squeeze %dma_wait3A_308 : memref<1x1x128xi32, #tpu.memory_space<vmem>> -> memref<128xi32, #tpu.memory_space<vmem>>
    %dma_wait3A_310 = arith.constant 0 : i32
    %dma_wait3A_311 = arith.constant 0 : i32
    %dma_wait3A_312 = tpu.memref_slice %arg6[%dma_wait3A_310, %dma_wait3A_311] : memref<2048x128xf32, #tpu.memory_space<vmem_shared>> -> memref<2048x128xf32, #tpu.memory_space<vmem_shared>>
    tpu.wait_indirect_dma semaphore(%arg12 : memref<!tpu.dma_semaphore, #tpu.memory_space<semaphore_mem>>) src(%dma_wait3A_312 : memref<2048x128xf32, #tpu.memory_space<vmem_shared>>) dst(%dma_wait3A_306 : memref<128x128xf32, #tpu.memory_space<vmem>>)
    %dma_start3A_313 = arith.constant 0 : i32
    %dma_start3A_314 = arith.constant 5 : i32
    %dma_start3A_315 = arith.constant 1 : i32
    %dma_start3A_316 = arith.constant 0 : i32
    %dma_start3A_317 = arith.constant 0 : i32
    %dma_start3A_318 = tpu.memref_slice %arg8[%dma_start3A_315, %dma_start3A_316, %dma_start3A_317] : memref<2x128x128xf32, #tpu.memory_space<vmem>> -> memref<1x128x128xf32, #tpu.memory_space<vmem>>
    %dma_start3A_319 = tpu.memref_squeeze %dma_start3A_318 : memref<1x128x128xf32, #tpu.memory_space<vmem>> -> memref<128x128xf32, #tpu.memory_space<vmem>>
    %dma_start3A_320 = arith.constant 0 : i32
    %dma_start3A_321 = tpu.memref_slice %arg7[%dma_start3A_313, %dma_start3A_314, %dma_start3A_320] : memref<2x8x128xi32, #tpu.memory_space<vmem>> -> memref<1x1x128xi32, #tpu.memory_space<vmem>>
    %dma_start3A_322 = tpu.memref_squeeze %dma_start3A_321 : memref<1x1x128xi32, #tpu.memory_space<vmem>> -> memref<128xi32, #tpu.memory_space<vmem>>
    %dma_start3A_323 = arith.constant 0 : i32
    %dma_start3A_324 = arith.constant 0 : i32
    %dma_start3A_325 = tpu.memref_slice %arg6[%dma_start3A_323, %dma_start3A_324] : memref<2048x128xf32, #tpu.memory_space<vmem_shared>> -> memref<2048x128xf32, #tpu.memory_space<vmem_shared>>
    tpu.enqueue_indirect_dma source(%dma_start3A_325 : memref<2048x128xf32, #tpu.memory_space<vmem_shared>>) target(%dma_start3A_319 : memref<128x128xf32, #tpu.memory_space<vmem>>) offsets(%dma_start3A_322 : memref<128xi32, #tpu.memory_space<vmem>>) semaphore(%arg11 : memref<!tpu.dma_semaphore, #tpu.memory_space<semaphore_mem>>)
    %dma_start3A_326 = arith.constant 1 : i32
    %dma_start3A_327 = arith.constant 5 : i32
    %dma_start3A_328 = arith.constant 1 : i32
    %dma_start3A_329 = arith.constant 0 : i32
    %dma_start3A_330 = arith.constant 0 : i32
    %dma_start3A_331 = tpu.memref_slice %arg9[%dma_start3A_328, %dma_start3A_329, %dma_start3A_330] : memref<2x128x128xf32, #tpu.memory_space<vmem>> -> memref<1x128x128xf32, #tpu.memory_space<vmem>>
    %dma_start3A_332 = tpu.memref_squeeze %dma_start3A_331 : memref<1x128x128xf32, #tpu.memory_space<vmem>> -> memref<128x128xf32, #tpu.memory_space<vmem>>
    %dma_start3A_333 = arith.constant 0 : i32
    %dma_start3A_334 = tpu.memref_slice %arg7[%dma_start3A_326, %dma_start3A_327, %dma_start3A_333] : memref<2x8x128xi32, #tpu.memory_space<vmem>> -> memref<1x1x128xi32, #tpu.memory_space<vmem>>
    %dma_start3A_335 = tpu.memref_squeeze %dma_start3A_334 : memref<1x1x128xi32, #tpu.memory_space<vmem>> -> memref<128xi32, #tpu.memory_space<vmem>>
    %dma_start3A_336 = arith.constant 0 : i32
    %dma_start3A_337 = arith.constant 0 : i32
    %dma_start3A_338 = tpu.memref_slice %arg6[%dma_start3A_336, %dma_start3A_337] : memref<2048x128xf32, #tpu.memory_space<vmem_shared>> -> memref<2048x128xf32, #tpu.memory_space<vmem_shared>>
    tpu.enqueue_indirect_dma source(%dma_start3A_338 : memref<2048x128xf32, #tpu.memory_space<vmem_shared>>) target(%dma_start3A_332 : memref<128x128xf32, #tpu.memory_space<vmem>>) offsets(%dma_start3A_335 : memref<128xi32, #tpu.memory_space<vmem>>) semaphore(%arg12 : memref<!tpu.dma_semaphore, #tpu.memory_space<semaphore_mem>>)
    %scan3A_339 = arith.constant 0 : i32
    %scan3A_340 = arith.constant 0 : i32
    %scan3A_341 = arith.constant 128 : i32
    %scan3A_342 = arith.addi %scan3A_340, %scan3A_341 : i32
    %scan3A_343 = arith.constant 1 : i32
    scf.for %scan3A_517 = %scan3A_340 to %scan3A_342 step %scan3A_343  : i32 {
      %shift_right_arithmetic3A = arith.constant 3 : i32
      %shift_right_arithmetic3A_518 = arith.shrsi %scan3A_517, %shift_right_arithmetic3A : i32
      %and3A = arith.constant 7 : i32
      %and3A_519 = arith.andi %scan3A_517, %and3A : i32
      %mul3A_520 = arith.constant 64 : i32
      %mul3A_521 = arith.muli %and3A_519, %mul3A_520 : i32
      %get3A = arith.constant 0 : i32
      %get3A_522 = arith.index_cast %get3A : i32 to index
      %get3A_523 = arith.index_cast %scan3A_517 : i32 to index
      %get3A_524 = arith.constant 0 : index
      %get3A_525 = tpu.vector_load %arg8[%get3A_522, %get3A_523, %get3A_524] {strides = array<i32>} : memref<2x128x128xf32, #tpu.memory_space<vmem>>, vector<1x1x16xf32>,
      %get3A_526 = vector.shape_cast %get3A_525 : vector<1x1x16xf32> to vector<16xf32>
      %get3A_527 = arith.constant 0 : i32
      %get3A_528 = arith.index_cast %get3A_527 : i32 to index
      %get3A_529 = arith.index_cast %scan3A_517 : i32 to index
      %get3A_530 = arith.constant 64 : index
      %get3A_531 = tpu.vector_load %arg9[%get3A_528, %get3A_529, %get3A_530] {strides = array<i32>} : memref<2x128x128xf32, #tpu.memory_space<vmem>>, vector<1x1x16xf32>,
      %get3A_532 = vector.shape_cast %get3A_531 : vector<1x1x16xf32> to vector<16xf32>
      %add3A_533 = arith.addf %get3A_526, %get3A_532 : vector<16xf32>
      %add3A_534 = arith.constant 0 : i32
      %add3A_535 = arith.addi %mul3A_521, %add3A_534 : i32
      %swap3A = arith.index_cast %shift_right_arithmetic3A_518 : i32 to index
      %swap3A_536 = arith.index_cast %add3A_535 : i32 to index
      %swap3A_537 = tpu.vector_load %arg10[%swap3A, %swap3A_536] {strides = array<i32>} : memref<16x512xf32, #tpu.memory_space<vmem>>, vector<1x16xf32>,
      %swap3A_538 = vector.shape_cast %swap3A_537 : vector<1x16xf32> to vector<16xf32>
      %swap3A_539 = vector.shape_cast %add3A_533 : vector<16xf32> to vector<1x16xf32>
      tpu.vector_store %arg10[%swap3A, %swap3A_536], %swap3A_539 {strides = array<i32>} : memref<16x512xf32, #tpu.memory_space<vmem>>, vector<1x16xf32>,
      %get3A_540 = arith.constant 0 : i32
      %get3A_541 = arith.index_cast %get3A_540 : i32 to index
      %get3A_542 = arith.index_cast %scan3A_517 : i32 to index
      %get3A_543 = arith.constant 16 : index
      %get3A_544 = tpu.vector_load %arg8[%get3A_541, %get3A_542, %get3A_543] {strides = array<i32>} : memref<2x128x128xf32, #tpu.memory_space<vmem>>, vector<1x1x16xf32>,
      %get3A_545 = vector.shape_cast %get3A_544 : vector<1x1x16xf32> to vector<16xf32>
      %get3A_546 = arith.constant 0 : i32
      %get3A_547 = arith.index_cast %get3A_546 : i32 to index
      %get3A_548 = arith.index_cast %scan3A_517 : i32 to index
      %get3A_549 = arith.constant 80 : index
      %get3A_550 = tpu.vector_load %arg9[%get3A_547, %get3A_548, %get3A_549] {strides = array<i32>} : memref<2x128x128xf32, #tpu.memory_space<vmem>>, vector<1x1x16xf32>,
      %get3A_551 = vector.shape_cast %get3A_550 : vector<1x1x16xf32> to vector<16xf32>
      %add3A_552 = arith.addf %get3A_545, %get3A_551 : vector<16xf32>
      %add3A_553 = arith.constant 16 : i32
      %add3A_554 = arith.addi %mul3A_521, %add3A_553 : i32
      %swap3A_555 = arith.index_cast %shift_right_arithmetic3A_518 : i32 to index
      %swap3A_556 = arith.index_cast %add3A_554 : i32 to index
      %swap3A_557 = tpu.vector_load %arg10[%swap3A_555, %swap3A_556] {strides = array<i32>} : memref<16x512xf32, #tpu.memory_space<vmem>>, vector<1x16xf32>,
      %swap3A_558 = vector.shape_cast %swap3A_557 : vector<1x16xf32> to vector<16xf32>
      %swap3A_559 = vector.shape_cast %add3A_552 : vector<16xf32> to vector<1x16xf32>
      tpu.vector_store %arg10[%swap3A_555, %swap3A_556], %swap3A_559 {strides = array<i32>} : memref<16x512xf32, #tpu.memory_space<vmem>>, vector<1x16xf32>,
      %get3A_560 = arith.constant 0 : i32
      %get3A_561 = arith.index_cast %get3A_560 : i32 to index
      %get3A_562 = arith.index_cast %scan3A_517 : i32 to index
      %get3A_563 = arith.constant 32 : index
      %get3A_564 = tpu.vector_load %arg8[%get3A_561, %get3A_562, %get3A_563] {strides = array<i32>} : memref<2x128x128xf32, #tpu.memory_space<vmem>>, vector<1x1x16xf32>,
      %get3A_565 = vector.shape_cast %get3A_564 : vector<1x1x16xf32> to vector<16xf32>
      %get3A_566 = arith.constant 0 : i32
      %get3A_567 = arith.index_cast %get3A_566 : i32 to index
      %get3A_568 = arith.index_cast %scan3A_517 : i32 to index
      %get3A_569 = arith.constant 96 : index
      %get3A_570 = tpu.vector_load %arg9[%get3A_567, %get3A_568, %get3A_569] {strides = array<i32>} : memref<2x128x128xf32, #tpu.memory_space<vmem>>, vector<1x1x16xf32>,
      %get3A_571 = vector.shape_cast %get3A_570 : vector<1x1x16xf32> to vector<16xf32>
      %add3A_572 = arith.addf %get3A_565, %get3A_571 : vector<16xf32>
      %add3A_573 = arith.constant 32 : i32
      %add3A_574 = arith.addi %mul3A_521, %add3A_573 : i32
      %swap3A_575 = arith.index_cast %shift_right_arithmetic3A_518 : i32 to index
      %swap3A_576 = arith.index_cast %add3A_574 : i32 to index
      %swap3A_577 = tpu.vector_load %arg10[%swap3A_575, %swap3A_576] {strides = array<i32>} : memref<16x512xf32, #tpu.memory_space<vmem>>, vector<1x16xf32>,
      %swap3A_578 = vector.shape_cast %swap3A_577 : vector<1x16xf32> to vector<16xf32>
      %swap3A_579 = vector.shape_cast %add3A_572 : vector<16xf32> to vector<1x16xf32>
      tpu.vector_store %arg10[%swap3A_575, %swap3A_576], %swap3A_579 {strides = array<i32>} : memref<16x512xf32, #tpu.memory_space<vmem>>, vector<1x16xf32>,
      %get3A_580 = arith.constant 0 : i32
      %get3A_581 = arith.index_cast %get3A_580 : i32 to index
      %get3A_582 = arith.index_cast %scan3A_517 : i32 to index
      %get3A_583 = arith.constant 48 : index
      %get3A_584 = tpu.vector_load %arg8[%get3A_581, %get3A_582, %get3A_583] {strides = array<i32>} : memref<2x128x128xf32, #tpu.memory_space<vmem>>, vector<1x1x16xf32>,
      %get3A_585 = vector.shape_cast %get3A_584 : vector<1x1x16xf32> to vector<16xf32>
      %get3A_586 = arith.constant 0 : i32
      %get3A_587 = arith.index_cast %get3A_586 : i32 to index
      %get3A_588 = arith.index_cast %scan3A_517 : i32 to index
      %get3A_589 = arith.constant 112 : index
      %get3A_590 = tpu.vector_load %arg9[%get3A_587, %get3A_588, %get3A_589] {strides = array<i32>} : memref<2x128x128xf32, #tpu.memory_space<vmem>>, vector<1x1x16xf32>,
      %get3A_591 = vector.shape_cast %get3A_590 : vector<1x1x16xf32> to vector<16xf32>
      %add3A_592 = arith.addf %get3A_585, %get3A_591 : vector<16xf32>
      %add3A_593 = arith.constant 48 : i32
      %add3A_594 = arith.addi %mul3A_521, %add3A_593 : i32
      %swap3A_595 = arith.index_cast %shift_right_arithmetic3A_518 : i32 to index
      %swap3A_596 = arith.index_cast %add3A_594 : i32 to index
      %swap3A_597 = tpu.vector_load %arg10[%swap3A_595, %swap3A_596] {strides = array<i32>} : memref<16x512xf32, #tpu.memory_space<vmem>>, vector<1x16xf32>,
      %swap3A_598 = vector.shape_cast %swap3A_597 : vector<1x16xf32> to vector<16xf32>
      %swap3A_599 = vector.shape_cast %add3A_592 : vector<16xf32> to vector<1x16xf32>
      tpu.vector_store %arg10[%swap3A_595, %swap3A_596], %swap3A_599 {strides = array<i32>} : memref<16x512xf32, #tpu.memory_space<vmem>>, vector<1x16xf32>,
    }
    %scan3A_344 = arith.constant 128 : i32
    %mul3A_345 = arith.constant 8 : i32
    %mul3A_346 = arith.muli %add3A, %mul3A_345 : i32
    %add3A_347 = arith.constant 4 : i32
    %add3A_348 = arith.addi %mul3A_346, %add3A_347 : i32
    %mul3A_349 = arith.constant 16 : i32
    %mul3A_350 = arith.muli %add3A_348, %mul3A_349 : i32
    "tpu.region"() ({
      %run_scoped3A_517 = tpu.sem_alloc : memref<!tpu.dma_semaphore, #tpu.memory_space<semaphore_mem>>
      %dma_start3A_518 = arith.constant 0 : i32
      %dma_start3A_519 = tpu.memref_slice %arg5[%mul3A_350, %dma_start3A_518] : memref<4096x512xf32, #tpu.memory_space<hbm>> -> memref<16x512xf32, #tpu.memory_space<hbm>>
      %dma_start3A_520 = arith.constant 0 : i32
      %dma_start3A_521 = tpu.memref_slice %arg5[%mul3A_350, %dma_start3A_520] : memref<4096x512xf32, #tpu.memory_space<hbm>> -> memref<16x512xf32, #tpu.memory_space<hbm>>
      tpu.enqueue_dma source(%arg10 : memref<16x512xf32, #tpu.memory_space<vmem>>) target(%dma_start3A_521 : memref<16x512xf32, #tpu.memory_space<hbm>>) target_semaphore(%run_scoped3A_517 : memref<!tpu.dma_semaphore, #tpu.memory_space<semaphore_mem>>)
      %dma_wait3A_522 = arith.constant 0 : i32
      %dma_wait3A_523 = tpu.memref_slice %arg5[%mul3A_350, %dma_wait3A_522] : memref<4096x512xf32, #tpu.memory_space<hbm>> -> memref<16x512xf32, #tpu.memory_space<hbm>>
      %dma_wait3A_524 = arith.constant 0 : i32
      %dma_wait3A_525 = tpu.memref_slice %arg5[%mul3A_350, %dma_wait3A_524] : memref<4096x512xf32, #tpu.memory_space<hbm>> -> memref<16x512xf32, #tpu.memory_space<hbm>>
      tpu.wait_dma2 semaphore(%run_scoped3A_517 : memref<!tpu.dma_semaphore, #tpu.memory_space<semaphore_mem>>) src(%arg10 : memref<16x512xf32, #tpu.memory_space<vmem>>) dst(%dma_wait3A_525 : memref<16x512xf32, #tpu.memory_space<hbm>>)
      tpu.yield
    }) : () -> ()
    %dma_wait3A_351 = arith.constant 0 : i32
    %dma_wait3A_352 = arith.constant 5 : i32
    %dma_wait3A_353 = arith.constant 1 : i32
    %dma_wait3A_354 = arith.constant 0 : i32
    %dma_wait3A_355 = arith.constant 0 : i32
    %dma_wait3A_356 = tpu.memref_slice %arg8[%dma_wait3A_353, %dma_wait3A_354, %dma_wait3A_355] : memref<2x128x128xf32, #tpu.memory_space<vmem>> -> memref<1x128x128xf32, #tpu.memory_space<vmem>>
    %dma_wait3A_357 = tpu.memref_squeeze %dma_wait3A_356 : memref<1x128x128xf32, #tpu.memory_space<vmem>> -> memref<128x128xf32, #tpu.memory_space<vmem>>
    %dma_wait3A_358 = arith.constant 0 : i32
    %dma_wait3A_359 = tpu.memref_slice %arg7[%dma_wait3A_351, %dma_wait3A_352, %dma_wait3A_358] : memref<2x8x128xi32, #tpu.memory_space<vmem>> -> memref<1x1x128xi32, #tpu.memory_space<vmem>>
    %dma_wait3A_360 = tpu.memref_squeeze %dma_wait3A_359 : memref<1x1x128xi32, #tpu.memory_space<vmem>> -> memref<128xi32, #tpu.memory_space<vmem>>
    %dma_wait3A_361 = arith.constant 0 : i32
    %dma_wait3A_362 = arith.constant 0 : i32
    %dma_wait3A_363 = tpu.memref_slice %arg6[%dma_wait3A_361, %dma_wait3A_362] : memref<2048x128xf32, #tpu.memory_space<vmem_shared>> -> memref<2048x128xf32, #tpu.memory_space<vmem_shared>>
    tpu.wait_indirect_dma semaphore(%arg11 : memref<!tpu.dma_semaphore, #tpu.memory_space<semaphore_mem>>) src(%dma_wait3A_363 : memref<2048x128xf32, #tpu.memory_space<vmem_shared>>) dst(%dma_wait3A_357 : memref<128x128xf32, #tpu.memory_space<vmem>>)
    %dma_wait3A_364 = arith.constant 1 : i32
    %dma_wait3A_365 = arith.constant 5 : i32
    %dma_wait3A_366 = arith.constant 1 : i32
    %dma_wait3A_367 = arith.constant 0 : i32
    %dma_wait3A_368 = arith.constant 0 : i32
    %dma_wait3A_369 = tpu.memref_slice %arg9[%dma_wait3A_366, %dma_wait3A_367, %dma_wait3A_368] : memref<2x128x128xf32, #tpu.memory_space<vmem>> -> memref<1x128x128xf32, #tpu.memory_space<vmem>>
    %dma_wait3A_370 = tpu.memref_squeeze %dma_wait3A_369 : memref<1x128x128xf32, #tpu.memory_space<vmem>> -> memref<128x128xf32, #tpu.memory_space<vmem>>
    %dma_wait3A_371 = arith.constant 0 : i32
    %dma_wait3A_372 = tpu.memref_slice %arg7[%dma_wait3A_364, %dma_wait3A_365, %dma_wait3A_371] : memref<2x8x128xi32, #tpu.memory_space<vmem>> -> memref<1x1x128xi32, #tpu.memory_space<vmem>>
    %dma_wait3A_373 = tpu.memref_squeeze %dma_wait3A_372 : memref<1x1x128xi32, #tpu.memory_space<vmem>> -> memref<128xi32, #tpu.memory_space<vmem>>
    %dma_wait3A_374 = arith.constant 0 : i32
    %dma_wait3A_375 = arith.constant 0 : i32
    %dma_wait3A_376 = tpu.memref_slice %arg6[%dma_wait3A_374, %dma_wait3A_375] : memref<2048x128xf32, #tpu.memory_space<vmem_shared>> -> memref<2048x128xf32, #tpu.memory_space<vmem_shared>>
    tpu.wait_indirect_dma semaphore(%arg12 : memref<!tpu.dma_semaphore, #tpu.memory_space<semaphore_mem>>) src(%dma_wait3A_376 : memref<2048x128xf32, #tpu.memory_space<vmem_shared>>) dst(%dma_wait3A_370 : memref<128x128xf32, #tpu.memory_space<vmem>>)
    %dma_start3A_377 = arith.constant 0 : i32
    %dma_start3A_378 = arith.constant 6 : i32
    %dma_start3A_379 = arith.constant 0 : i32
    %dma_start3A_380 = arith.constant 0 : i32
    %dma_start3A_381 = arith.constant 0 : i32
    %dma_start3A_382 = tpu.memref_slice %arg8[%dma_start3A_379, %dma_start3A_380, %dma_start3A_381] : memref<2x128x128xf32, #tpu.memory_space<vmem>> -> memref<1x128x128xf32, #tpu.memory_space<vmem>>
    %dma_start3A_383 = tpu.memref_squeeze %dma_start3A_382 : memref<1x128x128xf32, #tpu.memory_space<vmem>> -> memref<128x128xf32, #tpu.memory_space<vmem>>
    %dma_start3A_384 = arith.constant 0 : i32
    %dma_start3A_385 = tpu.memref_slice %arg7[%dma_start3A_377, %dma_start3A_378, %dma_start3A_384] : memref<2x8x128xi32, #tpu.memory_space<vmem>> -> memref<1x1x128xi32, #tpu.memory_space<vmem>>
    %dma_start3A_386 = tpu.memref_squeeze %dma_start3A_385 : memref<1x1x128xi32, #tpu.memory_space<vmem>> -> memref<128xi32, #tpu.memory_space<vmem>>
    %dma_start3A_387 = arith.constant 0 : i32
    %dma_start3A_388 = arith.constant 0 : i32
    %dma_start3A_389 = tpu.memref_slice %arg6[%dma_start3A_387, %dma_start3A_388] : memref<2048x128xf32, #tpu.memory_space<vmem_shared>> -> memref<2048x128xf32, #tpu.memory_space<vmem_shared>>
    tpu.enqueue_indirect_dma source(%dma_start3A_389 : memref<2048x128xf32, #tpu.memory_space<vmem_shared>>) target(%dma_start3A_383 : memref<128x128xf32, #tpu.memory_space<vmem>>) offsets(%dma_start3A_386 : memref<128xi32, #tpu.memory_space<vmem>>) semaphore(%arg11 : memref<!tpu.dma_semaphore, #tpu.memory_space<semaphore_mem>>)
    %dma_start3A_390 = arith.constant 1 : i32
    %dma_start3A_391 = arith.constant 6 : i32
    %dma_start3A_392 = arith.constant 0 : i32
    %dma_start3A_393 = arith.constant 0 : i32
    %dma_start3A_394 = arith.constant 0 : i32
    %dma_start3A_395 = tpu.memref_slice %arg9[%dma_start3A_392, %dma_start3A_393, %dma_start3A_394] : memref<2x128x128xf32, #tpu.memory_space<vmem>> -> memref<1x128x128xf32, #tpu.memory_space<vmem>>
    %dma_start3A_396 = tpu.memref_squeeze %dma_start3A_395 : memref<1x128x128xf32, #tpu.memory_space<vmem>> -> memref<128x128xf32, #tpu.memory_space<vmem>>
    %dma_start3A_397 = arith.constant 0 : i32
    %dma_start3A_398 = tpu.memref_slice %arg7[%dma_start3A_390, %dma_start3A_391, %dma_start3A_397] : memref<2x8x128xi32, #tpu.memory_space<vmem>> -> memref<1x1x128xi32, #tpu.memory_space<vmem>>
    %dma_start3A_399 = tpu.memref_squeeze %dma_start3A_398 : memref<1x1x128xi32, #tpu.memory_space<vmem>> -> memref<128xi32, #tpu.memory_space<vmem>>
    %dma_start3A_400 = arith.constant 0 : i32
    %dma_start3A_401 = arith.constant 0 : i32
    %dma_start3A_402 = tpu.memref_slice %arg6[%dma_start3A_400, %dma_start3A_401] : memref<2048x128xf32, #tpu.memory_space<vmem_shared>> -> memref<2048x128xf32, #tpu.memory_space<vmem_shared>>
    tpu.enqueue_indirect_dma source(%dma_start3A_402 : memref<2048x128xf32, #tpu.memory_space<vmem_shared>>) target(%dma_start3A_396 : memref<128x128xf32, #tpu.memory_space<vmem>>) offsets(%dma_start3A_399 : memref<128xi32, #tpu.memory_space<vmem>>) semaphore(%arg12 : memref<!tpu.dma_semaphore, #tpu.memory_space<semaphore_mem>>)
    %scan3A_403 = arith.constant 0 : i32
    %scan3A_404 = arith.constant 0 : i32
    %scan3A_405 = arith.constant 128 : i32
    %scan3A_406 = arith.addi %scan3A_404, %scan3A_405 : i32
    %scan3A_407 = arith.constant 1 : i32
    scf.for %scan3A_517 = %scan3A_404 to %scan3A_406 step %scan3A_407  : i32 {
      %shift_right_arithmetic3A = arith.constant 3 : i32
      %shift_right_arithmetic3A_518 = arith.shrsi %scan3A_517, %shift_right_arithmetic3A : i32
      %and3A = arith.constant 7 : i32
      %and3A_519 = arith.andi %scan3A_517, %and3A : i32
      %mul3A_520 = arith.constant 64 : i32
      %mul3A_521 = arith.muli %and3A_519, %mul3A_520 : i32
      %get3A = arith.constant 1 : i32
      %get3A_522 = arith.index_cast %get3A : i32 to index
      %get3A_523 = arith.index_cast %scan3A_517 : i32 to index
      %get3A_524 = arith.constant 0 : index
      %get3A_525 = tpu.vector_load %arg8[%get3A_522, %get3A_523, %get3A_524] {strides = array<i32>} : memref<2x128x128xf32, #tpu.memory_space<vmem>>, vector<1x1x16xf32>,
      %get3A_526 = vector.shape_cast %get3A_525 : vector<1x1x16xf32> to vector<16xf32>
      %get3A_527 = arith.constant 1 : i32
      %get3A_528 = arith.index_cast %get3A_527 : i32 to index
      %get3A_529 = arith.index_cast %scan3A_517 : i32 to index
      %get3A_530 = arith.constant 64 : index
      %get3A_531 = tpu.vector_load %arg9[%get3A_528, %get3A_529, %get3A_530] {strides = array<i32>} : memref<2x128x128xf32, #tpu.memory_space<vmem>>, vector<1x1x16xf32>,
      %get3A_532 = vector.shape_cast %get3A_531 : vector<1x1x16xf32> to vector<16xf32>
      %add3A_533 = arith.addf %get3A_526, %get3A_532 : vector<16xf32>
      %add3A_534 = arith.constant 0 : i32
      %add3A_535 = arith.addi %mul3A_521, %add3A_534 : i32
      %swap3A = arith.index_cast %shift_right_arithmetic3A_518 : i32 to index
      %swap3A_536 = arith.index_cast %add3A_535 : i32 to index
      %swap3A_537 = tpu.vector_load %arg10[%swap3A, %swap3A_536] {strides = array<i32>} : memref<16x512xf32, #tpu.memory_space<vmem>>, vector<1x16xf32>,
      %swap3A_538 = vector.shape_cast %swap3A_537 : vector<1x16xf32> to vector<16xf32>
      %swap3A_539 = vector.shape_cast %add3A_533 : vector<16xf32> to vector<1x16xf32>
      tpu.vector_store %arg10[%swap3A, %swap3A_536], %swap3A_539 {strides = array<i32>} : memref<16x512xf32, #tpu.memory_space<vmem>>, vector<1x16xf32>,
      %get3A_540 = arith.constant 1 : i32
      %get3A_541 = arith.index_cast %get3A_540 : i32 to index
      %get3A_542 = arith.index_cast %scan3A_517 : i32 to index
      %get3A_543 = arith.constant 16 : index
      %get3A_544 = tpu.vector_load %arg8[%get3A_541, %get3A_542, %get3A_543] {strides = array<i32>} : memref<2x128x128xf32, #tpu.memory_space<vmem>>, vector<1x1x16xf32>,
      %get3A_545 = vector.shape_cast %get3A_544 : vector<1x1x16xf32> to vector<16xf32>
      %get3A_546 = arith.constant 1 : i32
      %get3A_547 = arith.index_cast %get3A_546 : i32 to index
      %get3A_548 = arith.index_cast %scan3A_517 : i32 to index
      %get3A_549 = arith.constant 80 : index
      %get3A_550 = tpu.vector_load %arg9[%get3A_547, %get3A_548, %get3A_549] {strides = array<i32>} : memref<2x128x128xf32, #tpu.memory_space<vmem>>, vector<1x1x16xf32>,
      %get3A_551 = vector.shape_cast %get3A_550 : vector<1x1x16xf32> to vector<16xf32>
      %add3A_552 = arith.addf %get3A_545, %get3A_551 : vector<16xf32>
      %add3A_553 = arith.constant 16 : i32
      %add3A_554 = arith.addi %mul3A_521, %add3A_553 : i32
      %swap3A_555 = arith.index_cast %shift_right_arithmetic3A_518 : i32 to index
      %swap3A_556 = arith.index_cast %add3A_554 : i32 to index
      %swap3A_557 = tpu.vector_load %arg10[%swap3A_555, %swap3A_556] {strides = array<i32>} : memref<16x512xf32, #tpu.memory_space<vmem>>, vector<1x16xf32>,
      %swap3A_558 = vector.shape_cast %swap3A_557 : vector<1x16xf32> to vector<16xf32>
      %swap3A_559 = vector.shape_cast %add3A_552 : vector<16xf32> to vector<1x16xf32>
      tpu.vector_store %arg10[%swap3A_555, %swap3A_556], %swap3A_559 {strides = array<i32>} : memref<16x512xf32, #tpu.memory_space<vmem>>, vector<1x16xf32>,
      %get3A_560 = arith.constant 1 : i32
      %get3A_561 = arith.index_cast %get3A_560 : i32 to index
      %get3A_562 = arith.index_cast %scan3A_517 : i32 to index
      %get3A_563 = arith.constant 32 : index
      %get3A_564 = tpu.vector_load %arg8[%get3A_561, %get3A_562, %get3A_563] {strides = array<i32>} : memref<2x128x128xf32, #tpu.memory_space<vmem>>, vector<1x1x16xf32>,
      %get3A_565 = vector.shape_cast %get3A_564 : vector<1x1x16xf32> to vector<16xf32>
      %get3A_566 = arith.constant 1 : i32
      %get3A_567 = arith.index_cast %get3A_566 : i32 to index
      %get3A_568 = arith.index_cast %scan3A_517 : i32 to index
      %get3A_569 = arith.constant 96 : index
      %get3A_570 = tpu.vector_load %arg9[%get3A_567, %get3A_568, %get3A_569] {strides = array<i32>} : memref<2x128x128xf32, #tpu.memory_space<vmem>>, vector<1x1x16xf32>,
      %get3A_571 = vector.shape_cast %get3A_570 : vector<1x1x16xf32> to vector<16xf32>
      %add3A_572 = arith.addf %get3A_565, %get3A_571 : vector<16xf32>
      %add3A_573 = arith.constant 32 : i32
      %add3A_574 = arith.addi %mul3A_521, %add3A_573 : i32
      %swap3A_575 = arith.index_cast %shift_right_arithmetic3A_518 : i32 to index
      %swap3A_576 = arith.index_cast %add3A_574 : i32 to index
      %swap3A_577 = tpu.vector_load %arg10[%swap3A_575, %swap3A_576] {strides = array<i32>} : memref<16x512xf32, #tpu.memory_space<vmem>>, vector<1x16xf32>,
      %swap3A_578 = vector.shape_cast %swap3A_577 : vector<1x16xf32> to vector<16xf32>
      %swap3A_579 = vector.shape_cast %add3A_572 : vector<16xf32> to vector<1x16xf32>
      tpu.vector_store %arg10[%swap3A_575, %swap3A_576], %swap3A_579 {strides = array<i32>} : memref<16x512xf32, #tpu.memory_space<vmem>>, vector<1x16xf32>,
      %get3A_580 = arith.constant 1 : i32
      %get3A_581 = arith.index_cast %get3A_580 : i32 to index
      %get3A_582 = arith.index_cast %scan3A_517 : i32 to index
      %get3A_583 = arith.constant 48 : index
      %get3A_584 = tpu.vector_load %arg8[%get3A_581, %get3A_582, %get3A_583] {strides = array<i32>} : memref<2x128x128xf32, #tpu.memory_space<vmem>>, vector<1x1x16xf32>,
      %get3A_585 = vector.shape_cast %get3A_584 : vector<1x1x16xf32> to vector<16xf32>
      %get3A_586 = arith.constant 1 : i32
      %get3A_587 = arith.index_cast %get3A_586 : i32 to index
      %get3A_588 = arith.index_cast %scan3A_517 : i32 to index
      %get3A_589 = arith.constant 112 : index
      %get3A_590 = tpu.vector_load %arg9[%get3A_587, %get3A_588, %get3A_589] {strides = array<i32>} : memref<2x128x128xf32, #tpu.memory_space<vmem>>, vector<1x1x16xf32>,
      %get3A_591 = vector.shape_cast %get3A_590 : vector<1x1x16xf32> to vector<16xf32>
      %add3A_592 = arith.addf %get3A_585, %get3A_591 : vector<16xf32>
      %add3A_593 = arith.constant 48 : i32
      %add3A_594 = arith.addi %mul3A_521, %add3A_593 : i32
      %swap3A_595 = arith.index_cast %shift_right_arithmetic3A_518 : i32 to index
      %swap3A_596 = arith.index_cast %add3A_594 : i32 to index
      %swap3A_597 = tpu.vector_load %arg10[%swap3A_595, %swap3A_596] {strides = array<i32>} : memref<16x512xf32, #tpu.memory_space<vmem>>, vector<1x16xf32>,
      %swap3A_598 = vector.shape_cast %swap3A_597 : vector<1x16xf32> to vector<16xf32>
      %swap3A_599 = vector.shape_cast %add3A_592 : vector<16xf32> to vector<1x16xf32>
      tpu.vector_store %arg10[%swap3A_595, %swap3A_596], %swap3A_599 {strides = array<i32>} : memref<16x512xf32, #tpu.memory_space<vmem>>, vector<1x16xf32>,
    }
    %scan3A_408 = arith.constant 128 : i32
    %mul3A_409 = arith.constant 8 : i32
    %mul3A_410 = arith.muli %add3A, %mul3A_409 : i32
    %add3A_411 = arith.constant 5 : i32
    %add3A_412 = arith.addi %mul3A_410, %add3A_411 : i32
    %mul3A_413 = arith.constant 16 : i32
    %mul3A_414 = arith.muli %add3A_412, %mul3A_413 : i32
    "tpu.region"() ({
      %run_scoped3A_517 = tpu.sem_alloc : memref<!tpu.dma_semaphore, #tpu.memory_space<semaphore_mem>>
      %dma_start3A_518 = arith.constant 0 : i32
      %dma_start3A_519 = tpu.memref_slice %arg5[%mul3A_414, %dma_start3A_518] : memref<4096x512xf32, #tpu.memory_space<hbm>> -> memref<16x512xf32, #tpu.memory_space<hbm>>
      %dma_start3A_520 = arith.constant 0 : i32
      %dma_start3A_521 = tpu.memref_slice %arg5[%mul3A_414, %dma_start3A_520] : memref<4096x512xf32, #tpu.memory_space<hbm>> -> memref<16x512xf32, #tpu.memory_space<hbm>>
      tpu.enqueue_dma source(%arg10 : memref<16x512xf32, #tpu.memory_space<vmem>>) target(%dma_start3A_521 : memref<16x512xf32, #tpu.memory_space<hbm>>) target_semaphore(%run_scoped3A_517 : memref<!tpu.dma_semaphore, #tpu.memory_space<semaphore_mem>>)
      %dma_wait3A_522 = arith.constant 0 : i32
      %dma_wait3A_523 = tpu.memref_slice %arg5[%mul3A_414, %dma_wait3A_522] : memref<4096x512xf32, #tpu.memory_space<hbm>> -> memref<16x512xf32, #tpu.memory_space<hbm>>
      %dma_wait3A_524 = arith.constant 0 : i32
      %dma_wait3A_525 = tpu.memref_slice %arg5[%mul3A_414, %dma_wait3A_524] : memref<4096x512xf32, #tpu.memory_space<hbm>> -> memref<16x512xf32, #tpu.memory_space<hbm>>
      tpu.wait_dma2 semaphore(%run_scoped3A_517 : memref<!tpu.dma_semaphore, #tpu.memory_space<semaphore_mem>>) src(%arg10 : memref<16x512xf32, #tpu.memory_space<vmem>>) dst(%dma_wait3A_525 : memref<16x512xf32, #tpu.memory_space<hbm>>)
      tpu.yield
    }) : () -> ()
    %dma_wait3A_415 = arith.constant 0 : i32
    %dma_wait3A_416 = arith.constant 6 : i32
    %dma_wait3A_417 = arith.constant 0 : i32
    %dma_wait3A_418 = arith.constant 0 : i32
    %dma_wait3A_419 = arith.constant 0 : i32
    %dma_wait3A_420 = tpu.memref_slice %arg8[%dma_wait3A_417, %dma_wait3A_418, %dma_wait3A_419] : memref<2x128x128xf32, #tpu.memory_space<vmem>> -> memref<1x128x128xf32, #tpu.memory_space<vmem>>
    %dma_wait3A_421 = tpu.memref_squeeze %dma_wait3A_420 : memref<1x128x128xf32, #tpu.memory_space<vmem>> -> memref<128x128xf32, #tpu.memory_space<vmem>>
    %dma_wait3A_422 = arith.constant 0 : i32
    %dma_wait3A_423 = tpu.memref_slice %arg7[%dma_wait3A_415, %dma_wait3A_416, %dma_wait3A_422] : memref<2x8x128xi32, #tpu.memory_space<vmem>> -> memref<1x1x128xi32, #tpu.memory_space<vmem>>
    %dma_wait3A_424 = tpu.memref_squeeze %dma_wait3A_423 : memref<1x1x128xi32, #tpu.memory_space<vmem>> -> memref<128xi32, #tpu.memory_space<vmem>>
    %dma_wait3A_425 = arith.constant 0 : i32
    %dma_wait3A_426 = arith.constant 0 : i32
    %dma_wait3A_427 = tpu.memref_slice %arg6[%dma_wait3A_425, %dma_wait3A_426] : memref<2048x128xf32, #tpu.memory_space<vmem_shared>> -> memref<2048x128xf32, #tpu.memory_space<vmem_shared>>
    tpu.wait_indirect_dma semaphore(%arg11 : memref<!tpu.dma_semaphore, #tpu.memory_space<semaphore_mem>>) src(%dma_wait3A_427 : memref<2048x128xf32, #tpu.memory_space<vmem_shared>>) dst(%dma_wait3A_421 : memref<128x128xf32, #tpu.memory_space<vmem>>)
    %dma_wait3A_428 = arith.constant 1 : i32
    %dma_wait3A_429 = arith.constant 6 : i32
    %dma_wait3A_430 = arith.constant 0 : i32
    %dma_wait3A_431 = arith.constant 0 : i32
    %dma_wait3A_432 = arith.constant 0 : i32
    %dma_wait3A_433 = tpu.memref_slice %arg9[%dma_wait3A_430, %dma_wait3A_431, %dma_wait3A_432] : memref<2x128x128xf32, #tpu.memory_space<vmem>> -> memref<1x128x128xf32, #tpu.memory_space<vmem>>
    %dma_wait3A_434 = tpu.memref_squeeze %dma_wait3A_433 : memref<1x128x128xf32, #tpu.memory_space<vmem>> -> memref<128x128xf32, #tpu.memory_space<vmem>>
    %dma_wait3A_435 = arith.constant 0 : i32
    %dma_wait3A_436 = tpu.memref_slice %arg7[%dma_wait3A_428, %dma_wait3A_429, %dma_wait3A_435] : memref<2x8x128xi32, #tpu.memory_space<vmem>> -> memref<1x1x128xi32, #tpu.memory_space<vmem>>
    %dma_wait3A_437 = tpu.memref_squeeze %dma_wait3A_436 : memref<1x1x128xi32, #tpu.memory_space<vmem>> -> memref<128xi32, #tpu.memory_space<vmem>>
    %dma_wait3A_438 = arith.constant 0 : i32
    %dma_wait3A_439 = arith.constant 0 : i32
    %dma_wait3A_440 = tpu.memref_slice %arg6[%dma_wait3A_438, %dma_wait3A_439] : memref<2048x128xf32, #tpu.memory_space<vmem_shared>> -> memref<2048x128xf32, #tpu.memory_space<vmem_shared>>
    tpu.wait_indirect_dma semaphore(%arg12 : memref<!tpu.dma_semaphore, #tpu.memory_space<semaphore_mem>>) src(%dma_wait3A_440 : memref<2048x128xf32, #tpu.memory_space<vmem_shared>>) dst(%dma_wait3A_434 : memref<128x128xf32, #tpu.memory_space<vmem>>)
    %dma_start3A_441 = arith.constant 0 : i32
    %dma_start3A_442 = arith.constant 7 : i32
    %dma_start3A_443 = arith.constant 1 : i32
    %dma_start3A_444 = arith.constant 0 : i32
    %dma_start3A_445 = arith.constant 0 : i32
    %dma_start3A_446 = tpu.memref_slice %arg8[%dma_start3A_443, %dma_start3A_444, %dma_start3A_445] : memref<2x128x128xf32, #tpu.memory_space<vmem>> -> memref<1x128x128xf32, #tpu.memory_space<vmem>>
    %dma_start3A_447 = tpu.memref_squeeze %dma_start3A_446 : memref<1x128x128xf32, #tpu.memory_space<vmem>> -> memref<128x128xf32, #tpu.memory_space<vmem>>
    %dma_start3A_448 = arith.constant 0 : i32
    %dma_start3A_449 = tpu.memref_slice %arg7[%dma_start3A_441, %dma_start3A_442, %dma_start3A_448] : memref<2x8x128xi32, #tpu.memory_space<vmem>> -> memref<1x1x128xi32, #tpu.memory_space<vmem>>
    %dma_start3A_450 = tpu.memref_squeeze %dma_start3A_449 : memref<1x1x128xi32, #tpu.memory_space<vmem>> -> memref<128xi32, #tpu.memory_space<vmem>>
    %dma_start3A_451 = arith.constant 0 : i32
    %dma_start3A_452 = arith.constant 0 : i32
    %dma_start3A_453 = tpu.memref_slice %arg6[%dma_start3A_451, %dma_start3A_452] : memref<2048x128xf32, #tpu.memory_space<vmem_shared>> -> memref<2048x128xf32, #tpu.memory_space<vmem_shared>>
    tpu.enqueue_indirect_dma source(%dma_start3A_453 : memref<2048x128xf32, #tpu.memory_space<vmem_shared>>) target(%dma_start3A_447 : memref<128x128xf32, #tpu.memory_space<vmem>>) offsets(%dma_start3A_450 : memref<128xi32, #tpu.memory_space<vmem>>) semaphore(%arg11 : memref<!tpu.dma_semaphore, #tpu.memory_space<semaphore_mem>>)
    %dma_start3A_454 = arith.constant 1 : i32
    %dma_start3A_455 = arith.constant 7 : i32
    %dma_start3A_456 = arith.constant 1 : i32
    %dma_start3A_457 = arith.constant 0 : i32
    %dma_start3A_458 = arith.constant 0 : i32
    %dma_start3A_459 = tpu.memref_slice %arg9[%dma_start3A_456, %dma_start3A_457, %dma_start3A_458] : memref<2x128x128xf32, #tpu.memory_space<vmem>> -> memref<1x128x128xf32, #tpu.memory_space<vmem>>
    %dma_start3A_460 = tpu.memref_squeeze %dma_start3A_459 : memref<1x128x128xf32, #tpu.memory_space<vmem>> -> memref<128x128xf32, #tpu.memory_space<vmem>>
    %dma_start3A_461 = arith.constant 0 : i32
    %dma_start3A_462 = tpu.memref_slice %arg7[%dma_start3A_454, %dma_start3A_455, %dma_start3A_461] : memref<2x8x128xi32, #tpu.memory_space<vmem>> -> memref<1x1x128xi32, #tpu.memory_space<vmem>>
    %dma_start3A_463 = tpu.memref_squeeze %dma_start3A_462 : memref<1x1x128xi32, #tpu.memory_space<vmem>> -> memref<128xi32, #tpu.memory_space<vmem>>
    %dma_start3A_464 = arith.constant 0 : i32
    %dma_start3A_465 = arith.constant 0 : i32
    %dma_start3A_466 = tpu.memref_slice %arg6[%dma_start3A_464, %dma_start3A_465] : memref<2048x128xf32, #tpu.memory_space<vmem_shared>> -> memref<2048x128xf32, #tpu.memory_space<vmem_shared>>
    tpu.enqueue_indirect_dma source(%dma_start3A_466 : memref<2048x128xf32, #tpu.memory_space<vmem_shared>>) target(%dma_start3A_460 : memref<128x128xf32, #tpu.memory_space<vmem>>) offsets(%dma_start3A_463 : memref<128xi32, #tpu.memory_space<vmem>>) semaphore(%arg12 : memref<!tpu.dma_semaphore, #tpu.memory_space<semaphore_mem>>)
    %scan3A_467 = arith.constant 0 : i32
    %scan3A_468 = arith.constant 0 : i32
    %scan3A_469 = arith.constant 128 : i32
    %scan3A_470 = arith.addi %scan3A_468, %scan3A_469 : i32
    %scan3A_471 = arith.constant 1 : i32
    scf.for %scan3A_517 = %scan3A_468 to %scan3A_470 step %scan3A_471  : i32 {
      %shift_right_arithmetic3A = arith.constant 3 : i32
      %shift_right_arithmetic3A_518 = arith.shrsi %scan3A_517, %shift_right_arithmetic3A : i32
      %and3A = arith.constant 7 : i32
      %and3A_519 = arith.andi %scan3A_517, %and3A : i32
      %mul3A_520 = arith.constant 64 : i32
      %mul3A_521 = arith.muli %and3A_519, %mul3A_520 : i32
      %get3A = arith.constant 0 : i32
      %get3A_522 = arith.index_cast %get3A : i32 to index
      %get3A_523 = arith.index_cast %scan3A_517 : i32 to index
      %get3A_524 = arith.constant 0 : index
      %get3A_525 = tpu.vector_load %arg8[%get3A_522, %get3A_523, %get3A_524] {strides = array<i32>} : memref<2x128x128xf32, #tpu.memory_space<vmem>>, vector<1x1x16xf32>,
      %get3A_526 = vector.shape_cast %get3A_525 : vector<1x1x16xf32> to vector<16xf32>
      %get3A_527 = arith.constant 0 : i32
      %get3A_528 = arith.index_cast %get3A_527 : i32 to index
      %get3A_529 = arith.index_cast %scan3A_517 : i32 to index
      %get3A_530 = arith.constant 64 : index
      %get3A_531 = tpu.vector_load %arg9[%get3A_528, %get3A_529, %get3A_530] {strides = array<i32>} : memref<2x128x128xf32, #tpu.memory_space<vmem>>, vector<1x1x16xf32>,
      %get3A_532 = vector.shape_cast %get3A_531 : vector<1x1x16xf32> to vector<16xf32>
      %add3A_533 = arith.addf %get3A_526, %get3A_532 : vector<16xf32>
      %add3A_534 = arith.constant 0 : i32
      %add3A_535 = arith.addi %mul3A_521, %add3A_534 : i32
      %swap3A = arith.index_cast %shift_right_arithmetic3A_518 : i32 to index
      %swap3A_536 = arith.index_cast %add3A_535 : i32 to index
      %swap3A_537 = tpu.vector_load %arg10[%swap3A, %swap3A_536] {strides = array<i32>} : memref<16x512xf32, #tpu.memory_space<vmem>>, vector<1x16xf32>,
      %swap3A_538 = vector.shape_cast %swap3A_537 : vector<1x16xf32> to vector<16xf32>
      %swap3A_539 = vector.shape_cast %add3A_533 : vector<16xf32> to vector<1x16xf32>
      tpu.vector_store %arg10[%swap3A, %swap3A_536], %swap3A_539 {strides = array<i32>} : memref<16x512xf32, #tpu.memory_space<vmem>>, vector<1x16xf32>,
      %get3A_540 = arith.constant 0 : i32
      %get3A_541 = arith.index_cast %get3A_540 : i32 to index
      %get3A_542 = arith.index_cast %scan3A_517 : i32 to index
      %get3A_543 = arith.constant 16 : index
      %get3A_544 = tpu.vector_load %arg8[%get3A_541, %get3A_542, %get3A_543] {strides = array<i32>} : memref<2x128x128xf32, #tpu.memory_space<vmem>>, vector<1x1x16xf32>,
      %get3A_545 = vector.shape_cast %get3A_544 : vector<1x1x16xf32> to vector<16xf32>
      %get3A_546 = arith.constant 0 : i32
      %get3A_547 = arith.index_cast %get3A_546 : i32 to index
      %get3A_548 = arith.index_cast %scan3A_517 : i32 to index
      %get3A_549 = arith.constant 80 : index
      %get3A_550 = tpu.vector_load %arg9[%get3A_547, %get3A_548, %get3A_549] {strides = array<i32>} : memref<2x128x128xf32, #tpu.memory_space<vmem>>, vector<1x1x16xf32>,
      %get3A_551 = vector.shape_cast %get3A_550 : vector<1x1x16xf32> to vector<16xf32>
      %add3A_552 = arith.addf %get3A_545, %get3A_551 : vector<16xf32>
      %add3A_553 = arith.constant 16 : i32
      %add3A_554 = arith.addi %mul3A_521, %add3A_553 : i32
      %swap3A_555 = arith.index_cast %shift_right_arithmetic3A_518 : i32 to index
      %swap3A_556 = arith.index_cast %add3A_554 : i32 to index
      %swap3A_557 = tpu.vector_load %arg10[%swap3A_555, %swap3A_556] {strides = array<i32>} : memref<16x512xf32, #tpu.memory_space<vmem>>, vector<1x16xf32>,
      %swap3A_558 = vector.shape_cast %swap3A_557 : vector<1x16xf32> to vector<16xf32>
      %swap3A_559 = vector.shape_cast %add3A_552 : vector<16xf32> to vector<1x16xf32>
      tpu.vector_store %arg10[%swap3A_555, %swap3A_556], %swap3A_559 {strides = array<i32>} : memref<16x512xf32, #tpu.memory_space<vmem>>, vector<1x16xf32>,
      %get3A_560 = arith.constant 0 : i32
      %get3A_561 = arith.index_cast %get3A_560 : i32 to index
      %get3A_562 = arith.index_cast %scan3A_517 : i32 to index
      %get3A_563 = arith.constant 32 : index
      %get3A_564 = tpu.vector_load %arg8[%get3A_561, %get3A_562, %get3A_563] {strides = array<i32>} : memref<2x128x128xf32, #tpu.memory_space<vmem>>, vector<1x1x16xf32>,
      %get3A_565 = vector.shape_cast %get3A_564 : vector<1x1x16xf32> to vector<16xf32>
      %get3A_566 = arith.constant 0 : i32
      %get3A_567 = arith.index_cast %get3A_566 : i32 to index
      %get3A_568 = arith.index_cast %scan3A_517 : i32 to index
      %get3A_569 = arith.constant 96 : index
      %get3A_570 = tpu.vector_load %arg9[%get3A_567, %get3A_568, %get3A_569] {strides = array<i32>} : memref<2x128x128xf32, #tpu.memory_space<vmem>>, vector<1x1x16xf32>,
      %get3A_571 = vector.shape_cast %get3A_570 : vector<1x1x16xf32> to vector<16xf32>
      %add3A_572 = arith.addf %get3A_565, %get3A_571 : vector<16xf32>
      %add3A_573 = arith.constant 32 : i32
      %add3A_574 = arith.addi %mul3A_521, %add3A_573 : i32
      %swap3A_575 = arith.index_cast %shift_right_arithmetic3A_518 : i32 to index
      %swap3A_576 = arith.index_cast %add3A_574 : i32 to index
      %swap3A_577 = tpu.vector_load %arg10[%swap3A_575, %swap3A_576] {strides = array<i32>} : memref<16x512xf32, #tpu.memory_space<vmem>>, vector<1x16xf32>,
      %swap3A_578 = vector.shape_cast %swap3A_577 : vector<1x16xf32> to vector<16xf32>
      %swap3A_579 = vector.shape_cast %add3A_572 : vector<16xf32> to vector<1x16xf32>
      tpu.vector_store %arg10[%swap3A_575, %swap3A_576], %swap3A_579 {strides = array<i32>} : memref<16x512xf32, #tpu.memory_space<vmem>>, vector<1x16xf32>,
      %get3A_580 = arith.constant 0 : i32
      %get3A_581 = arith.index_cast %get3A_580 : i32 to index
      %get3A_582 = arith.index_cast %scan3A_517 : i32 to index
      %get3A_583 = arith.constant 48 : index
      %get3A_584 = tpu.vector_load %arg8[%get3A_581, %get3A_582, %get3A_583] {strides = array<i32>} : memref<2x128x128xf32, #tpu.memory_space<vmem>>, vector<1x1x16xf32>,
      %get3A_585 = vector.shape_cast %get3A_584 : vector<1x1x16xf32> to vector<16xf32>
      %get3A_586 = arith.constant 0 : i32
      %get3A_587 = arith.index_cast %get3A_586 : i32 to index
      %get3A_588 = arith.index_cast %scan3A_517 : i32 to index
      %get3A_589 = arith.constant 112 : index
      %get3A_590 = tpu.vector_load %arg9[%get3A_587, %get3A_588, %get3A_589] {strides = array<i32>} : memref<2x128x128xf32, #tpu.memory_space<vmem>>, vector<1x1x16xf32>,
      %get3A_591 = vector.shape_cast %get3A_590 : vector<1x1x16xf32> to vector<16xf32>
      %add3A_592 = arith.addf %get3A_585, %get3A_591 : vector<16xf32>
      %add3A_593 = arith.constant 48 : i32
      %add3A_594 = arith.addi %mul3A_521, %add3A_593 : i32
      %swap3A_595 = arith.index_cast %shift_right_arithmetic3A_518 : i32 to index
      %swap3A_596 = arith.index_cast %add3A_594 : i32 to index
      %swap3A_597 = tpu.vector_load %arg10[%swap3A_595, %swap3A_596] {strides = array<i32>} : memref<16x512xf32, #tpu.memory_space<vmem>>, vector<1x16xf32>,
      %swap3A_598 = vector.shape_cast %swap3A_597 : vector<1x16xf32> to vector<16xf32>
      %swap3A_599 = vector.shape_cast %add3A_592 : vector<16xf32> to vector<1x16xf32>
      tpu.vector_store %arg10[%swap3A_595, %swap3A_596], %swap3A_599 {strides = array<i32>} : memref<16x512xf32, #tpu.memory_space<vmem>>, vector<1x16xf32>,
    }
    %scan3A_472 = arith.constant 128 : i32
    %mul3A_473 = arith.constant 8 : i32
    %mul3A_474 = arith.muli %add3A, %mul3A_473 : i32
    %add3A_475 = arith.constant 6 : i32
    %add3A_476 = arith.addi %mul3A_474, %add3A_475 : i32
    %mul3A_477 = arith.constant 16 : i32
    %mul3A_478 = arith.muli %add3A_476, %mul3A_477 : i32
    "tpu.region"() ({
      %run_scoped3A_517 = tpu.sem_alloc : memref<!tpu.dma_semaphore, #tpu.memory_space<semaphore_mem>>
      %dma_start3A_518 = arith.constant 0 : i32
      %dma_start3A_519 = tpu.memref_slice %arg5[%mul3A_478, %dma_start3A_518] : memref<4096x512xf32, #tpu.memory_space<hbm>> -> memref<16x512xf32, #tpu.memory_space<hbm>>
      %dma_start3A_520 = arith.constant 0 : i32
      %dma_start3A_521 = tpu.memref_slice %arg5[%mul3A_478, %dma_start3A_520] : memref<4096x512xf32, #tpu.memory_space<hbm>> -> memref<16x512xf32, #tpu.memory_space<hbm>>
      tpu.enqueue_dma source(%arg10 : memref<16x512xf32, #tpu.memory_space<vmem>>) target(%dma_start3A_521 : memref<16x512xf32, #tpu.memory_space<hbm>>) target_semaphore(%run_scoped3A_517 : memref<!tpu.dma_semaphore, #tpu.memory_space<semaphore_mem>>)
      %dma_wait3A_522 = arith.constant 0 : i32
      %dma_wait3A_523 = tpu.memref_slice %arg5[%mul3A_478, %dma_wait3A_522] : memref<4096x512xf32, #tpu.memory_space<hbm>> -> memref<16x512xf32, #tpu.memory_space<hbm>>
      %dma_wait3A_524 = arith.constant 0 : i32
      %dma_wait3A_525 = tpu.memref_slice %arg5[%mul3A_478, %dma_wait3A_524] : memref<4096x512xf32, #tpu.memory_space<hbm>> -> memref<16x512xf32, #tpu.memory_space<hbm>>
      tpu.wait_dma2 semaphore(%run_scoped3A_517 : memref<!tpu.dma_semaphore, #tpu.memory_space<semaphore_mem>>) src(%arg10 : memref<16x512xf32, #tpu.memory_space<vmem>>) dst(%dma_wait3A_525 : memref<16x512xf32, #tpu.memory_space<hbm>>)
      tpu.yield
    }) : () -> ()
    %dma_wait3A_479 = arith.constant 0 : i32
    %dma_wait3A_480 = arith.constant 7 : i32
    %dma_wait3A_481 = arith.constant 1 : i32
    %dma_wait3A_482 = arith.constant 0 : i32
    %dma_wait3A_483 = arith.constant 0 : i32
    %dma_wait3A_484 = tpu.memref_slice %arg8[%dma_wait3A_481, %dma_wait3A_482, %dma_wait3A_483] : memref<2x128x128xf32, #tpu.memory_space<vmem>> -> memref<1x128x128xf32, #tpu.memory_space<vmem>>
    %dma_wait3A_485 = tpu.memref_squeeze %dma_wait3A_484 : memref<1x128x128xf32, #tpu.memory_space<vmem>> -> memref<128x128xf32, #tpu.memory_space<vmem>>
    %dma_wait3A_486 = arith.constant 0 : i32
    %dma_wait3A_487 = tpu.memref_slice %arg7[%dma_wait3A_479, %dma_wait3A_480, %dma_wait3A_486] : memref<2x8x128xi32, #tpu.memory_space<vmem>> -> memref<1x1x128xi32, #tpu.memory_space<vmem>>
    %dma_wait3A_488 = tpu.memref_squeeze %dma_wait3A_487 : memref<1x1x128xi32, #tpu.memory_space<vmem>> -> memref<128xi32, #tpu.memory_space<vmem>>
    %dma_wait3A_489 = arith.constant 0 : i32
    %dma_wait3A_490 = arith.constant 0 : i32
    %dma_wait3A_491 = tpu.memref_slice %arg6[%dma_wait3A_489, %dma_wait3A_490] : memref<2048x128xf32, #tpu.memory_space<vmem_shared>> -> memref<2048x128xf32, #tpu.memory_space<vmem_shared>>
    tpu.wait_indirect_dma semaphore(%arg11 : memref<!tpu.dma_semaphore, #tpu.memory_space<semaphore_mem>>) src(%dma_wait3A_491 : memref<2048x128xf32, #tpu.memory_space<vmem_shared>>) dst(%dma_wait3A_485 : memref<128x128xf32, #tpu.memory_space<vmem>>)
    %dma_wait3A_492 = arith.constant 1 : i32
    %dma_wait3A_493 = arith.constant 7 : i32
    %dma_wait3A_494 = arith.constant 1 : i32
    %dma_wait3A_495 = arith.constant 0 : i32
    %dma_wait3A_496 = arith.constant 0 : i32
    %dma_wait3A_497 = tpu.memref_slice %arg9[%dma_wait3A_494, %dma_wait3A_495, %dma_wait3A_496] : memref<2x128x128xf32, #tpu.memory_space<vmem>> -> memref<1x128x128xf32, #tpu.memory_space<vmem>>
    %dma_wait3A_498 = tpu.memref_squeeze %dma_wait3A_497 : memref<1x128x128xf32, #tpu.memory_space<vmem>> -> memref<128x128xf32, #tpu.memory_space<vmem>>
    %dma_wait3A_499 = arith.constant 0 : i32
    %dma_wait3A_500 = tpu.memref_slice %arg7[%dma_wait3A_492, %dma_wait3A_493, %dma_wait3A_499] : memref<2x8x128xi32, #tpu.memory_space<vmem>> -> memref<1x1x128xi32, #tpu.memory_space<vmem>>
    %dma_wait3A_501 = tpu.memref_squeeze %dma_wait3A_500 : memref<1x1x128xi32, #tpu.memory_space<vmem>> -> memref<128xi32, #tpu.memory_space<vmem>>
    %dma_wait3A_502 = arith.constant 0 : i32
    %dma_wait3A_503 = arith.constant 0 : i32
    %dma_wait3A_504 = tpu.memref_slice %arg6[%dma_wait3A_502, %dma_wait3A_503] : memref<2048x128xf32, #tpu.memory_space<vmem_shared>> -> memref<2048x128xf32, #tpu.memory_space<vmem_shared>>
    tpu.wait_indirect_dma semaphore(%arg12 : memref<!tpu.dma_semaphore, #tpu.memory_space<semaphore_mem>>) src(%dma_wait3A_504 : memref<2048x128xf32, #tpu.memory_space<vmem_shared>>) dst(%dma_wait3A_498 : memref<128x128xf32, #tpu.memory_space<vmem>>)
    %scan3A_505 = arith.constant 0 : i32
    %scan3A_506 = arith.constant 0 : i32
    %scan3A_507 = arith.constant 128 : i32
    %scan3A_508 = arith.addi %scan3A_506, %scan3A_507 : i32
    %scan3A_509 = arith.constant 1 : i32
    scf.for %scan3A_517 = %scan3A_506 to %scan3A_508 step %scan3A_509  : i32 {
      %shift_right_arithmetic3A = arith.constant 3 : i32
      %shift_right_arithmetic3A_518 = arith.shrsi %scan3A_517, %shift_right_arithmetic3A : i32
      %and3A = arith.constant 7 : i32
      %and3A_519 = arith.andi %scan3A_517, %and3A : i32
      %mul3A_520 = arith.constant 64 : i32
      %mul3A_521 = arith.muli %and3A_519, %mul3A_520 : i32
      %get3A = arith.constant 1 : i32
      %get3A_522 = arith.index_cast %get3A : i32 to index
      %get3A_523 = arith.index_cast %scan3A_517 : i32 to index
      %get3A_524 = arith.constant 0 : index
      %get3A_525 = tpu.vector_load %arg8[%get3A_522, %get3A_523, %get3A_524] {strides = array<i32>} : memref<2x128x128xf32, #tpu.memory_space<vmem>>, vector<1x1x16xf32>,
      %get3A_526 = vector.shape_cast %get3A_525 : vector<1x1x16xf32> to vector<16xf32>
      %get3A_527 = arith.constant 1 : i32
      %get3A_528 = arith.index_cast %get3A_527 : i32 to index
      %get3A_529 = arith.index_cast %scan3A_517 : i32 to index
      %get3A_530 = arith.constant 64 : index
      %get3A_531 = tpu.vector_load %arg9[%get3A_528, %get3A_529, %get3A_530] {strides = array<i32>} : memref<2x128x128xf32, #tpu.memory_space<vmem>>, vector<1x1x16xf32>,
      %get3A_532 = vector.shape_cast %get3A_531 : vector<1x1x16xf32> to vector<16xf32>
      %add3A_533 = arith.addf %get3A_526, %get3A_532 : vector<16xf32>
      %add3A_534 = arith.constant 0 : i32
      %add3A_535 = arith.addi %mul3A_521, %add3A_534 : i32
      %swap3A = arith.index_cast %shift_right_arithmetic3A_518 : i32 to index
      %swap3A_536 = arith.index_cast %add3A_535 : i32 to index
      %swap3A_537 = tpu.vector_load %arg10[%swap3A, %swap3A_536] {strides = array<i32>} : memref<16x512xf32, #tpu.memory_space<vmem>>, vector<1x16xf32>,
      %swap3A_538 = vector.shape_cast %swap3A_537 : vector<1x16xf32> to vector<16xf32>
      %swap3A_539 = vector.shape_cast %add3A_533 : vector<16xf32> to vector<1x16xf32>
      tpu.vector_store %arg10[%swap3A, %swap3A_536], %swap3A_539 {strides = array<i32>} : memref<16x512xf32, #tpu.memory_space<vmem>>, vector<1x16xf32>,
      %get3A_540 = arith.constant 1 : i32
      %get3A_541 = arith.index_cast %get3A_540 : i32 to index
      %get3A_542 = arith.index_cast %scan3A_517 : i32 to index
      %get3A_543 = arith.constant 16 : index
      %get3A_544 = tpu.vector_load %arg8[%get3A_541, %get3A_542, %get3A_543] {strides = array<i32>} : memref<2x128x128xf32, #tpu.memory_space<vmem>>, vector<1x1x16xf32>,
      %get3A_545 = vector.shape_cast %get3A_544 : vector<1x1x16xf32> to vector<16xf32>
      %get3A_546 = arith.constant 1 : i32
      %get3A_547 = arith.index_cast %get3A_546 : i32 to index
      %get3A_548 = arith.index_cast %scan3A_517 : i32 to index
      %get3A_549 = arith.constant 80 : index
      %get3A_550 = tpu.vector_load %arg9[%get3A_547, %get3A_548, %get3A_549] {strides = array<i32>} : memref<2x128x128xf32, #tpu.memory_space<vmem>>, vector<1x1x16xf32>,
      %get3A_551 = vector.shape_cast %get3A_550 : vector<1x1x16xf32> to vector<16xf32>
      %add3A_552 = arith.addf %get3A_545, %get3A_551 : vector<16xf32>
      %add3A_553 = arith.constant 16 : i32
      %add3A_554 = arith.addi %mul3A_521, %add3A_553 : i32
      %swap3A_555 = arith.index_cast %shift_right_arithmetic3A_518 : i32 to index
      %swap3A_556 = arith.index_cast %add3A_554 : i32 to index
      %swap3A_557 = tpu.vector_load %arg10[%swap3A_555, %swap3A_556] {strides = array<i32>} : memref<16x512xf32, #tpu.memory_space<vmem>>, vector<1x16xf32>,
      %swap3A_558 = vector.shape_cast %swap3A_557 : vector<1x16xf32> to vector<16xf32>
      %swap3A_559 = vector.shape_cast %add3A_552 : vector<16xf32> to vector<1x16xf32>
      tpu.vector_store %arg10[%swap3A_555, %swap3A_556], %swap3A_559 {strides = array<i32>} : memref<16x512xf32, #tpu.memory_space<vmem>>, vector<1x16xf32>,
      %get3A_560 = arith.constant 1 : i32
      %get3A_561 = arith.index_cast %get3A_560 : i32 to index
      %get3A_562 = arith.index_cast %scan3A_517 : i32 to index
      %get3A_563 = arith.constant 32 : index
      %get3A_564 = tpu.vector_load %arg8[%get3A_561, %get3A_562, %get3A_563] {strides = array<i32>} : memref<2x128x128xf32, #tpu.memory_space<vmem>>, vector<1x1x16xf32>,
      %get3A_565 = vector.shape_cast %get3A_564 : vector<1x1x16xf32> to vector<16xf32>
      %get3A_566 = arith.constant 1 : i32
      %get3A_567 = arith.index_cast %get3A_566 : i32 to index
      %get3A_568 = arith.index_cast %scan3A_517 : i32 to index
      %get3A_569 = arith.constant 96 : index
      %get3A_570 = tpu.vector_load %arg9[%get3A_567, %get3A_568, %get3A_569] {strides = array<i32>} : memref<2x128x128xf32, #tpu.memory_space<vmem>>, vector<1x1x16xf32>,
      %get3A_571 = vector.shape_cast %get3A_570 : vector<1x1x16xf32> to vector<16xf32>
      %add3A_572 = arith.addf %get3A_565, %get3A_571 : vector<16xf32>
      %add3A_573 = arith.constant 32 : i32
      %add3A_574 = arith.addi %mul3A_521, %add3A_573 : i32
      %swap3A_575 = arith.index_cast %shift_right_arithmetic3A_518 : i32 to index
      %swap3A_576 = arith.index_cast %add3A_574 : i32 to index
      %swap3A_577 = tpu.vector_load %arg10[%swap3A_575, %swap3A_576] {strides = array<i32>} : memref<16x512xf32, #tpu.memory_space<vmem>>, vector<1x16xf32>,
      %swap3A_578 = vector.shape_cast %swap3A_577 : vector<1x16xf32> to vector<16xf32>
      %swap3A_579 = vector.shape_cast %add3A_572 : vector<16xf32> to vector<1x16xf32>
      tpu.vector_store %arg10[%swap3A_575, %swap3A_576], %swap3A_579 {strides = array<i32>} : memref<16x512xf32, #tpu.memory_space<vmem>>, vector<1x16xf32>,
      %get3A_580 = arith.constant 1 : i32
      %get3A_581 = arith.index_cast %get3A_580 : i32 to index
      %get3A_582 = arith.index_cast %scan3A_517 : i32 to index
      %get3A_583 = arith.constant 48 : index
      %get3A_584 = tpu.vector_load %arg8[%get3A_581, %get3A_582, %get3A_583] {strides = array<i32>} : memref<2x128x128xf32, #tpu.memory_space<vmem>>, vector<1x1x16xf32>,
      %get3A_585 = vector.shape_cast %get3A_584 : vector<1x1x16xf32> to vector<16xf32>
      %get3A_586 = arith.constant 1 : i32
      %get3A_587 = arith.index_cast %get3A_586 : i32 to index
      %get3A_588 = arith.index_cast %scan3A_517 : i32 to index
      %get3A_589 = arith.constant 112 : index
      %get3A_590 = tpu.vector_load %arg9[%get3A_587, %get3A_588, %get3A_589] {strides = array<i32>} : memref<2x128x128xf32, #tpu.memory_space<vmem>>, vector<1x1x16xf32>,
      %get3A_591 = vector.shape_cast %get3A_590 : vector<1x1x16xf32> to vector<16xf32>
      %add3A_592 = arith.addf %get3A_585, %get3A_591 : vector<16xf32>
      %add3A_593 = arith.constant 48 : i32
      %add3A_594 = arith.addi %mul3A_521, %add3A_593 : i32
      %swap3A_595 = arith.index_cast %shift_right_arithmetic3A_518 : i32 to index
      %swap3A_596 = arith.index_cast %add3A_594 : i32 to index
      %swap3A_597 = tpu.vector_load %arg10[%swap3A_595, %swap3A_596] {strides = array<i32>} : memref<16x512xf32, #tpu.memory_space<vmem>>, vector<1x16xf32>,
      %swap3A_598 = vector.shape_cast %swap3A_597 : vector<1x16xf32> to vector<16xf32>
      %swap3A_599 = vector.shape_cast %add3A_592 : vector<16xf32> to vector<1x16xf32>
      tpu.vector_store %arg10[%swap3A_595, %swap3A_596], %swap3A_599 {strides = array<i32>} : memref<16x512xf32, #tpu.memory_space<vmem>>, vector<1x16xf32>,
    }
    %scan3A_510 = arith.constant 128 : i32
    %mul3A_511 = arith.constant 8 : i32
    %mul3A_512 = arith.muli %add3A, %mul3A_511 : i32
    %add3A_513 = arith.constant 7 : i32
    %add3A_514 = arith.addi %mul3A_512, %add3A_513 : i32
    %mul3A_515 = arith.constant 16 : i32
    %mul3A_516 = arith.muli %add3A_514, %mul3A_515 : i32
    "tpu.region"() ({
      %run_scoped3A_517 = tpu.sem_alloc : memref<!tpu.dma_semaphore, #tpu.memory_space<semaphore_mem>>
      %dma_start3A_518 = arith.constant 0 : i32
      %dma_start3A_519 = tpu.memref_slice %arg5[%mul3A_516, %dma_start3A_518] : memref<4096x512xf32, #tpu.memory_space<hbm>> -> memref<16x512xf32, #tpu.memory_space<hbm>>
      %dma_start3A_520 = arith.constant 0 : i32
      %dma_start3A_521 = tpu.memref_slice %arg5[%mul3A_516, %dma_start3A_520] : memref<4096x512xf32, #tpu.memory_space<hbm>> -> memref<16x512xf32, #tpu.memory_space<hbm>>
      tpu.enqueue_dma source(%arg10 : memref<16x512xf32, #tpu.memory_space<vmem>>) target(%dma_start3A_521 : memref<16x512xf32, #tpu.memory_space<hbm>>) target_semaphore(%run_scoped3A_517 : memref<!tpu.dma_semaphore, #tpu.memory_space<semaphore_mem>>)
      %dma_wait3A_522 = arith.constant 0 : i32
      %dma_wait3A_523 = tpu.memref_slice %arg5[%mul3A_516, %dma_wait3A_522] : memref<4096x512xf32, #tpu.memory_space<hbm>> -> memref<16x512xf32, #tpu.memory_space<hbm>>
      %dma_wait3A_524 = arith.constant 0 : i32
      %dma_wait3A_525 = tpu.memref_slice %arg5[%mul3A_516, %dma_wait3A_524] : memref<4096x512xf32, #tpu.memory_space<hbm>> -> memref<16x512xf32, #tpu.memory_space<hbm>>
      tpu.wait_dma2 semaphore(%run_scoped3A_517 : memref<!tpu.dma_semaphore, #tpu.memory_space<semaphore_mem>>) src(%arg10 : memref<16x512xf32, #tpu.memory_space<vmem>>) dst(%dma_wait3A_525 : memref<16x512xf32, #tpu.memory_space<hbm>>)
      tpu.yield
    }) : () -> ()
    return
  }
}

#map = affine_map<(d0, d1) -> (0, 0)>
#map1 = affine_map<(d0, d1) -> (0, 0, 0)>
module attributes {stable_mosaic.version = 14 : i64} {
  func.func @_segmax_body(%arg0: i32, %arg1: i32, %arg2: memref<4096x128xf32, #tpu.memory_space<hbm>>, %arg3: memref<256x128xi32, #tpu.memory_space<hbm>>, %arg4: memref<256x128xf32, #tpu.memory_space<hbm>>, %arg5: memref<32x256x128xf32, #tpu.memory_space<hbm>>, %arg6: memref<128x128xf32, #tpu.memory_space<vmem>>, %arg7: memref<8x128xi32, #tpu.memory_space<vmem>>, %arg8: memref<256x128xf32, #tpu.memory_space<vmem>>) attributes {dimension_semantics = [#tpu.dimension_semantics<core_parallel>, #tpu.dimension_semantics<subcore_parallel>], iteration_bounds = array<i64: 2, 16>, scalar_prefetch = 0 : i64, scratch_operands = 3 : i64, tpu.core_type = #tpu.core_type<sc_vector_subcore>, window_params = [{transform_indices = #map}, {transform_indices = #map}, {transform_indices = #map}, {transform_indices = #map1}]} {
    %mul3A = arith.constant 2 : i32
    %mul3A_0 = arith.muli %arg1, %mul3A : i32
    %add3A = arith.addi %mul3A_0, %arg0 : i32
    "tpu.region"() ({
      %run_scoped3A = tpu.sem_alloc : memref<!tpu.dma_semaphore, #tpu.memory_space<semaphore_mem>>
      tpu.enqueue_dma source(%arg4 : memref<256x128xf32, #tpu.memory_space<hbm>>) target(%arg8 : memref<256x128xf32, #tpu.memory_space<vmem>>) target_semaphore(%run_scoped3A : memref<!tpu.dma_semaphore, #tpu.memory_space<semaphore_mem>>)
      tpu.wait_dma2 semaphore(%run_scoped3A : memref<!tpu.dma_semaphore, #tpu.memory_space<semaphore_mem>>) src(%arg4 : memref<256x128xf32, #tpu.memory_space<hbm>>) dst(%arg8 : memref<256x128xf32, #tpu.memory_space<vmem>>)
      tpu.yield
    }) : () -> ()
    %mul3A_1 = arith.constant 128 : i32
    %mul3A_2 = arith.muli %add3A, %mul3A_1 : i32
    "tpu.region"() ({
      %run_scoped3A = tpu.sem_alloc : memref<!tpu.dma_semaphore, #tpu.memory_space<semaphore_mem>>
      %dma_start3A = arith.constant 0 : i32
      %dma_start3A_10 = tpu.memref_slice %arg2[%mul3A_2, %dma_start3A] : memref<4096x128xf32, #tpu.memory_space<hbm>> -> memref<128x128xf32, #tpu.memory_space<hbm>>
      %dma_start3A_11 = arith.constant 0 : i32
      %dma_start3A_12 = tpu.memref_slice %arg2[%mul3A_2, %dma_start3A_11] : memref<4096x128xf32, #tpu.memory_space<hbm>> -> memref<128x128xf32, #tpu.memory_space<hbm>>
      tpu.enqueue_dma source(%dma_start3A_12 : memref<128x128xf32, #tpu.memory_space<hbm>>) target(%arg6 : memref<128x128xf32, #tpu.memory_space<vmem>>) target_semaphore(%run_scoped3A : memref<!tpu.dma_semaphore, #tpu.memory_space<semaphore_mem>>)
      %dma_wait3A = arith.constant 0 : i32
      %dma_wait3A_13 = tpu.memref_slice %arg2[%mul3A_2, %dma_wait3A] : memref<4096x128xf32, #tpu.memory_space<hbm>> -> memref<128x128xf32, #tpu.memory_space<hbm>>
      %dma_wait3A_14 = arith.constant 0 : i32
      %dma_wait3A_15 = tpu.memref_slice %arg2[%mul3A_2, %dma_wait3A_14] : memref<4096x128xf32, #tpu.memory_space<hbm>> -> memref<128x128xf32, #tpu.memory_space<hbm>>
      tpu.wait_dma2 semaphore(%run_scoped3A : memref<!tpu.dma_semaphore, #tpu.memory_space<semaphore_mem>>) src(%dma_wait3A_15 : memref<128x128xf32, #tpu.memory_space<hbm>>) dst(%arg6 : memref<128x128xf32, #tpu.memory_space<vmem>>)
      tpu.yield
    }) : () -> ()
    %mul3A_3 = arith.constant 8 : i32
    %mul3A_4 = arith.muli %add3A, %mul3A_3 : i32
    "tpu.region"() ({
      %run_scoped3A = tpu.sem_alloc : memref<!tpu.dma_semaphore, #tpu.memory_space<semaphore_mem>>
      %dma_start3A = arith.constant 0 : i32
      %dma_start3A_10 = tpu.memref_slice %arg3[%mul3A_4, %dma_start3A] : memref<256x128xi32, #tpu.memory_space<hbm>> -> memref<8x128xi32, #tpu.memory_space<hbm>>
      %dma_start3A_11 = arith.constant 0 : i32
      %dma_start3A_12 = tpu.memref_slice %arg3[%mul3A_4, %dma_start3A_11] : memref<256x128xi32, #tpu.memory_space<hbm>> -> memref<8x128xi32, #tpu.memory_space<hbm>>
      tpu.enqueue_dma source(%dma_start3A_12 : memref<8x128xi32, #tpu.memory_space<hbm>>) target(%arg7 : memref<8x128xi32, #tpu.memory_space<vmem>>) target_semaphore(%run_scoped3A : memref<!tpu.dma_semaphore, #tpu.memory_space<semaphore_mem>>)
      %dma_wait3A = arith.constant 0 : i32
      %dma_wait3A_13 = tpu.memref_slice %arg3[%mul3A_4, %dma_wait3A] : memref<256x128xi32, #tpu.memory_space<hbm>> -> memref<8x128xi32, #tpu.memory_space<hbm>>
      %dma_wait3A_14 = arith.constant 0 : i32
      %dma_wait3A_15 = tpu.memref_slice %arg3[%mul3A_4, %dma_wait3A_14] : memref<256x128xi32, #tpu.memory_space<hbm>> -> memref<8x128xi32, #tpu.memory_space<hbm>>
      tpu.wait_dma2 semaphore(%run_scoped3A : memref<!tpu.dma_semaphore, #tpu.memory_space<semaphore_mem>>) src(%dma_wait3A_15 : memref<8x128xi32, #tpu.memory_space<hbm>>) dst(%arg7 : memref<8x128xi32, #tpu.memory_space<vmem>>)
      tpu.yield
    }) : () -> ()
    %scan3A = arith.constant 0 : i32
    %scan3A_5 = arith.constant 0 : i32
    %scan3A_6 = arith.constant 64 : i32
    %scan3A_7 = arith.addi %scan3A_5, %scan3A_6 : i32
    %scan3A_8 = arith.constant 1 : i32
    scf.for %scan3A_10 = %scan3A_5 to %scan3A_7 step %scan3A_8  : i32 {
      %shift_right_arithmetic3A = arith.constant 3 : i32
      %shift_right_arithmetic3A_11 = arith.shrsi %scan3A_10, %shift_right_arithmetic3A : i32
      %and3A = arith.constant 7 : i32
      %and3A_12 = arith.andi %scan3A_10, %and3A : i32
      %mul3A_13 = arith.constant 16 : i32
      %mul3A_14 = arith.muli %and3A_12, %mul3A_13 : i32
      %get3A = arith.index_cast %shift_right_arithmetic3A_11 : i32 to index
      %get3A_15 = arith.index_cast %mul3A_14 : i32 to index
      %get3A_16 = tpu.vector_load %arg7[%get3A, %get3A_15] {strides = array<i32>} : memref<8x128xi32, #tpu.memory_space<vmem>>, vector<1x16xi32>,
      %get3A_17 = vector.shape_cast %get3A_16 : vector<1x16xi32> to vector<16xi32>
      %slice3A = vector.extract_strided_slice %get3A_17 {offsets = [0], sizes = [1], strides = [1]} : vector<16xi32> to vector<1xi32>
      %squeeze3A = vector.extract %slice3A[0] : i32 from vector<1xi32>
      %shift_right_arithmetic3A_18 = arith.constant 3 : i32
      %shift_right_arithmetic3A_19 = arith.shrsi %squeeze3A, %shift_right_arithmetic3A_18 : i32
      %and3A_20 = arith.constant 7 : i32
      %and3A_21 = arith.andi %squeeze3A, %and3A_20 : i32
      %mul3A_22 = arith.constant 16 : i32
      %mul3A_23 = arith.muli %and3A_21, %mul3A_22 : i32
      %mul3A_24 = arith.constant 2 : i32
      %mul3A_25 = arith.muli %mul3A_24, %scan3A_10 : i32
      %add3A_26 = arith.constant 0 : i32
      %add3A_27 = arith.addi %mul3A_25, %add3A_26 : i32
      %get3A_28 = arith.index_cast %add3A_27 : i32 to index
      %get3A_29 = arith.constant 0 : index
      %get3A_30 = tpu.vector_load %arg6[%get3A_28, %get3A_29] {strides = array<i32>} : memref<128x128xf32, #tpu.memory_space<vmem>>, vector<1x16xf32>,
      %get3A_31 = vector.shape_cast %get3A_30 : vector<1x16xf32> to vector<16xf32>
      %get3A_32 = arith.index_cast %shift_right_arithmetic3A_19 : i32 to index
      %get3A_33 = arith.index_cast %mul3A_23 : i32 to index
      %get3A_34 = tpu.vector_load %arg8[%get3A_32, %get3A_33] {strides = array<i32>} : memref<256x128xf32, #tpu.memory_space<vmem>>, vector<1x16xf32>,
      %get3A_35 = vector.shape_cast %get3A_34 : vector<1x16xf32> to vector<16xf32>
      %max3A = arith.maximumf %get3A_35, %get3A_31 : vector<16xf32>
      %swap3A = arith.index_cast %shift_right_arithmetic3A_19 : i32 to index
      %swap3A_36 = arith.index_cast %mul3A_23 : i32 to index
      %swap3A_37 = tpu.vector_load %arg8[%swap3A, %swap3A_36] {strides = array<i32>} : memref<256x128xf32, #tpu.memory_space<vmem>>, vector<1x16xf32>,
      %swap3A_38 = vector.shape_cast %swap3A_37 : vector<1x16xf32> to vector<16xf32>
      %swap3A_39 = vector.shape_cast %max3A : vector<16xf32> to vector<1x16xf32>
      tpu.vector_store %arg8[%swap3A, %swap3A_36], %swap3A_39 {strides = array<i32>} : memref<256x128xf32, #tpu.memory_space<vmem>>, vector<1x16xf32>,
      %slice3A_40 = vector.extract_strided_slice %get3A_17 {offsets = [1], sizes = [1], strides = [1]} : vector<16xi32> to vector<1xi32>
      %squeeze3A_41 = vector.extract %slice3A_40[0] : i32 from vector<1xi32>
      %shift_right_arithmetic3A_42 = arith.constant 3 : i32
      %shift_right_arithmetic3A_43 = arith.shrsi %squeeze3A_41, %shift_right_arithmetic3A_42 : i32
      %and3A_44 = arith.constant 7 : i32
      %and3A_45 = arith.andi %squeeze3A_41, %and3A_44 : i32
      %mul3A_46 = arith.constant 16 : i32
      %mul3A_47 = arith.muli %and3A_45, %mul3A_46 : i32
      %mul3A_48 = arith.constant 2 : i32
      %mul3A_49 = arith.muli %mul3A_48, %scan3A_10 : i32
      %add3A_50 = arith.constant 0 : i32
      %add3A_51 = arith.addi %mul3A_49, %add3A_50 : i32
      %get3A_52 = arith.index_cast %add3A_51 : i32 to index
      %get3A_53 = arith.constant 16 : index
      %get3A_54 = tpu.vector_load %arg6[%get3A_52, %get3A_53] {strides = array<i32>} : memref<128x128xf32, #tpu.memory_space<vmem>>, vector<1x16xf32>,
      %get3A_55 = vector.shape_cast %get3A_54 : vector<1x16xf32> to vector<16xf32>
      %get3A_56 = arith.index_cast %shift_right_arithmetic3A_43 : i32 to index
      %get3A_57 = arith.index_cast %mul3A_47 : i32 to index
      %get3A_58 = tpu.vector_load %arg8[%get3A_56, %get3A_57] {strides = array<i32>} : memref<256x128xf32, #tpu.memory_space<vmem>>, vector<1x16xf32>,
      %get3A_59 = vector.shape_cast %get3A_58 : vector<1x16xf32> to vector<16xf32>
      %max3A_60 = arith.maximumf %get3A_59, %get3A_55 : vector<16xf32>
      %swap3A_61 = arith.index_cast %shift_right_arithmetic3A_43 : i32 to index
      %swap3A_62 = arith.index_cast %mul3A_47 : i32 to index
      %swap3A_63 = tpu.vector_load %arg8[%swap3A_61, %swap3A_62] {strides = array<i32>} : memref<256x128xf32, #tpu.memory_space<vmem>>, vector<1x16xf32>,
      %swap3A_64 = vector.shape_cast %swap3A_63 : vector<1x16xf32> to vector<16xf32>
      %swap3A_65 = vector.shape_cast %max3A_60 : vector<16xf32> to vector<1x16xf32>
      tpu.vector_store %arg8[%swap3A_61, %swap3A_62], %swap3A_65 {strides = array<i32>} : memref<256x128xf32, #tpu.memory_space<vmem>>, vector<1x16xf32>,
      %slice3A_66 = vector.extract_strided_slice %get3A_17 {offsets = [2], sizes = [1], strides = [1]} : vector<16xi32> to vector<1xi32>
      %squeeze3A_67 = vector.extract %slice3A_66[0] : i32 from vector<1xi32>
      %shift_right_arithmetic3A_68 = arith.constant 3 : i32
      %shift_right_arithmetic3A_69 = arith.shrsi %squeeze3A_67, %shift_right_arithmetic3A_68 : i32
      %and3A_70 = arith.constant 7 : i32
      %and3A_71 = arith.andi %squeeze3A_67, %and3A_70 : i32
      %mul3A_72 = arith.constant 16 : i32
      %mul3A_73 = arith.muli %and3A_71, %mul3A_72 : i32
      %mul3A_74 = arith.constant 2 : i32
      %mul3A_75 = arith.muli %mul3A_74, %scan3A_10 : i32
      %add3A_76 = arith.constant 0 : i32
      %add3A_77 = arith.addi %mul3A_75, %add3A_76 : i32
      %get3A_78 = arith.index_cast %add3A_77 : i32 to index
      %get3A_79 = arith.constant 32 : index
      %get3A_80 = tpu.vector_load %arg6[%get3A_78, %get3A_79] {strides = array<i32>} : memref<128x128xf32, #tpu.memory_space<vmem>>, vector<1x16xf32>,
      %get3A_81 = vector.shape_cast %get3A_80 : vector<1x16xf32> to vector<16xf32>
      %get3A_82 = arith.index_cast %shift_right_arithmetic3A_69 : i32 to index
      %get3A_83 = arith.index_cast %mul3A_73 : i32 to index
      %get3A_84 = tpu.vector_load %arg8[%get3A_82, %get3A_83] {strides = array<i32>} : memref<256x128xf32, #tpu.memory_space<vmem>>, vector<1x16xf32>,
      %get3A_85 = vector.shape_cast %get3A_84 : vector<1x16xf32> to vector<16xf32>
      %max3A_86 = arith.maximumf %get3A_85, %get3A_81 : vector<16xf32>
      %swap3A_87 = arith.index_cast %shift_right_arithmetic3A_69 : i32 to index
      %swap3A_88 = arith.index_cast %mul3A_73 : i32 to index
      %swap3A_89 = tpu.vector_load %arg8[%swap3A_87, %swap3A_88] {strides = array<i32>} : memref<256x128xf32, #tpu.memory_space<vmem>>, vector<1x16xf32>,
      %swap3A_90 = vector.shape_cast %swap3A_89 : vector<1x16xf32> to vector<16xf32>
      %swap3A_91 = vector.shape_cast %max3A_86 : vector<16xf32> to vector<1x16xf32>
      tpu.vector_store %arg8[%swap3A_87, %swap3A_88], %swap3A_91 {strides = array<i32>} : memref<256x128xf32, #tpu.memory_space<vmem>>, vector<1x16xf32>,
      %slice3A_92 = vector.extract_strided_slice %get3A_17 {offsets = [3], sizes = [1], strides = [1]} : vector<16xi32> to vector<1xi32>
      %squeeze3A_93 = vector.extract %slice3A_92[0] : i32 from vector<1xi32>
      %shift_right_arithmetic3A_94 = arith.constant 3 : i32
      %shift_right_arithmetic3A_95 = arith.shrsi %squeeze3A_93, %shift_right_arithmetic3A_94 : i32
      %and3A_96 = arith.constant 7 : i32
      %and3A_97 = arith.andi %squeeze3A_93, %and3A_96 : i32
      %mul3A_98 = arith.constant 16 : i32
      %mul3A_99 = arith.muli %and3A_97, %mul3A_98 : i32
      %mul3A_100 = arith.constant 2 : i32
      %mul3A_101 = arith.muli %mul3A_100, %scan3A_10 : i32
      %add3A_102 = arith.constant 0 : i32
      %add3A_103 = arith.addi %mul3A_101, %add3A_102 : i32
      %get3A_104 = arith.index_cast %add3A_103 : i32 to index
      %get3A_105 = arith.constant 48 : index
      %get3A_106 = tpu.vector_load %arg6[%get3A_104, %get3A_105] {strides = array<i32>} : memref<128x128xf32, #tpu.memory_space<vmem>>, vector<1x16xf32>,
      %get3A_107 = vector.shape_cast %get3A_106 : vector<1x16xf32> to vector<16xf32>
      %get3A_108 = arith.index_cast %shift_right_arithmetic3A_95 : i32 to index
      %get3A_109 = arith.index_cast %mul3A_99 : i32 to index
      %get3A_110 = tpu.vector_load %arg8[%get3A_108, %get3A_109] {strides = array<i32>} : memref<256x128xf32, #tpu.memory_space<vmem>>, vector<1x16xf32>,
      %get3A_111 = vector.shape_cast %get3A_110 : vector<1x16xf32> to vector<16xf32>
      %max3A_112 = arith.maximumf %get3A_111, %get3A_107 : vector<16xf32>
      %swap3A_113 = arith.index_cast %shift_right_arithmetic3A_95 : i32 to index
      %swap3A_114 = arith.index_cast %mul3A_99 : i32 to index
      %swap3A_115 = tpu.vector_load %arg8[%swap3A_113, %swap3A_114] {strides = array<i32>} : memref<256x128xf32, #tpu.memory_space<vmem>>, vector<1x16xf32>,
      %swap3A_116 = vector.shape_cast %swap3A_115 : vector<1x16xf32> to vector<16xf32>
      %swap3A_117 = vector.shape_cast %max3A_112 : vector<16xf32> to vector<1x16xf32>
      tpu.vector_store %arg8[%swap3A_113, %swap3A_114], %swap3A_117 {strides = array<i32>} : memref<256x128xf32, #tpu.memory_space<vmem>>, vector<1x16xf32>,
      %slice3A_118 = vector.extract_strided_slice %get3A_17 {offsets = [4], sizes = [1], strides = [1]} : vector<16xi32> to vector<1xi32>
      %squeeze3A_119 = vector.extract %slice3A_118[0] : i32 from vector<1xi32>
      %shift_right_arithmetic3A_120 = arith.constant 3 : i32
      %shift_right_arithmetic3A_121 = arith.shrsi %squeeze3A_119, %shift_right_arithmetic3A_120 : i32
      %and3A_122 = arith.constant 7 : i32
      %and3A_123 = arith.andi %squeeze3A_119, %and3A_122 : i32
      %mul3A_124 = arith.constant 16 : i32
      %mul3A_125 = arith.muli %and3A_123, %mul3A_124 : i32
      %mul3A_126 = arith.constant 2 : i32
      %mul3A_127 = arith.muli %mul3A_126, %scan3A_10 : i32
      %add3A_128 = arith.constant 0 : i32
      %add3A_129 = arith.addi %mul3A_127, %add3A_128 : i32
      %get3A_130 = arith.index_cast %add3A_129 : i32 to index
      %get3A_131 = arith.constant 64 : index
      %get3A_132 = tpu.vector_load %arg6[%get3A_130, %get3A_131] {strides = array<i32>} : memref<128x128xf32, #tpu.memory_space<vmem>>, vector<1x16xf32>,
      %get3A_133 = vector.shape_cast %get3A_132 : vector<1x16xf32> to vector<16xf32>
      %get3A_134 = arith.index_cast %shift_right_arithmetic3A_121 : i32 to index
      %get3A_135 = arith.index_cast %mul3A_125 : i32 to index
      %get3A_136 = tpu.vector_load %arg8[%get3A_134, %get3A_135] {strides = array<i32>} : memref<256x128xf32, #tpu.memory_space<vmem>>, vector<1x16xf32>,
      %get3A_137 = vector.shape_cast %get3A_136 : vector<1x16xf32> to vector<16xf32>
      %max3A_138 = arith.maximumf %get3A_137, %get3A_133 : vector<16xf32>
      %swap3A_139 = arith.index_cast %shift_right_arithmetic3A_121 : i32 to index
      %swap3A_140 = arith.index_cast %mul3A_125 : i32 to index
      %swap3A_141 = tpu.vector_load %arg8[%swap3A_139, %swap3A_140] {strides = array<i32>} : memref<256x128xf32, #tpu.memory_space<vmem>>, vector<1x16xf32>,
      %swap3A_142 = vector.shape_cast %swap3A_141 : vector<1x16xf32> to vector<16xf32>
      %swap3A_143 = vector.shape_cast %max3A_138 : vector<16xf32> to vector<1x16xf32>
      tpu.vector_store %arg8[%swap3A_139, %swap3A_140], %swap3A_143 {strides = array<i32>} : memref<256x128xf32, #tpu.memory_space<vmem>>, vector<1x16xf32>,
      %slice3A_144 = vector.extract_strided_slice %get3A_17 {offsets = [5], sizes = [1], strides = [1]} : vector<16xi32> to vector<1xi32>
      %squeeze3A_145 = vector.extract %slice3A_144[0] : i32 from vector<1xi32>
      %shift_right_arithmetic3A_146 = arith.constant 3 : i32
      %shift_right_arithmetic3A_147 = arith.shrsi %squeeze3A_145, %shift_right_arithmetic3A_146 : i32
      %and3A_148 = arith.constant 7 : i32
      %and3A_149 = arith.andi %squeeze3A_145, %and3A_148 : i32
      %mul3A_150 = arith.constant 16 : i32
      %mul3A_151 = arith.muli %and3A_149, %mul3A_150 : i32
      %mul3A_152 = arith.constant 2 : i32
      %mul3A_153 = arith.muli %mul3A_152, %scan3A_10 : i32
      %add3A_154 = arith.constant 0 : i32
      %add3A_155 = arith.addi %mul3A_153, %add3A_154 : i32
      %get3A_156 = arith.index_cast %add3A_155 : i32 to index
      %get3A_157 = arith.constant 80 : index
      %get3A_158 = tpu.vector_load %arg6[%get3A_156, %get3A_157] {strides = array<i32>} : memref<128x128xf32, #tpu.memory_space<vmem>>, vector<1x16xf32>,
      %get3A_159 = vector.shape_cast %get3A_158 : vector<1x16xf32> to vector<16xf32>
      %get3A_160 = arith.index_cast %shift_right_arithmetic3A_147 : i32 to index
      %get3A_161 = arith.index_cast %mul3A_151 : i32 to index
      %get3A_162 = tpu.vector_load %arg8[%get3A_160, %get3A_161] {strides = array<i32>} : memref<256x128xf32, #tpu.memory_space<vmem>>, vector<1x16xf32>,
      %get3A_163 = vector.shape_cast %get3A_162 : vector<1x16xf32> to vector<16xf32>
      %max3A_164 = arith.maximumf %get3A_163, %get3A_159 : vector<16xf32>
      %swap3A_165 = arith.index_cast %shift_right_arithmetic3A_147 : i32 to index
      %swap3A_166 = arith.index_cast %mul3A_151 : i32 to index
      %swap3A_167 = tpu.vector_load %arg8[%swap3A_165, %swap3A_166] {strides = array<i32>} : memref<256x128xf32, #tpu.memory_space<vmem>>, vector<1x16xf32>,
      %swap3A_168 = vector.shape_cast %swap3A_167 : vector<1x16xf32> to vector<16xf32>
      %swap3A_169 = vector.shape_cast %max3A_164 : vector<16xf32> to vector<1x16xf32>
      tpu.vector_store %arg8[%swap3A_165, %swap3A_166], %swap3A_169 {strides = array<i32>} : memref<256x128xf32, #tpu.memory_space<vmem>>, vector<1x16xf32>,
      %slice3A_170 = vector.extract_strided_slice %get3A_17 {offsets = [6], sizes = [1], strides = [1]} : vector<16xi32> to vector<1xi32>
      %squeeze3A_171 = vector.extract %slice3A_170[0] : i32 from vector<1xi32>
      %shift_right_arithmetic3A_172 = arith.constant 3 : i32
      %shift_right_arithmetic3A_173 = arith.shrsi %squeeze3A_171, %shift_right_arithmetic3A_172 : i32
      %and3A_174 = arith.constant 7 : i32
      %and3A_175 = arith.andi %squeeze3A_171, %and3A_174 : i32
      %mul3A_176 = arith.constant 16 : i32
      %mul3A_177 = arith.muli %and3A_175, %mul3A_176 : i32
      %mul3A_178 = arith.constant 2 : i32
      %mul3A_179 = arith.muli %mul3A_178, %scan3A_10 : i32
      %add3A_180 = arith.constant 0 : i32
      %add3A_181 = arith.addi %mul3A_179, %add3A_180 : i32
      %get3A_182 = arith.index_cast %add3A_181 : i32 to index
      %get3A_183 = arith.constant 96 : index
      %get3A_184 = tpu.vector_load %arg6[%get3A_182, %get3A_183] {strides = array<i32>} : memref<128x128xf32, #tpu.memory_space<vmem>>, vector<1x16xf32>,
      %get3A_185 = vector.shape_cast %get3A_184 : vector<1x16xf32> to vector<16xf32>
      %get3A_186 = arith.index_cast %shift_right_arithmetic3A_173 : i32 to index
      %get3A_187 = arith.index_cast %mul3A_177 : i32 to index
      %get3A_188 = tpu.vector_load %arg8[%get3A_186, %get3A_187] {strides = array<i32>} : memref<256x128xf32, #tpu.memory_space<vmem>>, vector<1x16xf32>,
      %get3A_189 = vector.shape_cast %get3A_188 : vector<1x16xf32> to vector<16xf32>
      %max3A_190 = arith.maximumf %get3A_189, %get3A_185 : vector<16xf32>
      %swap3A_191 = arith.index_cast %shift_right_arithmetic3A_173 : i32 to index
      %swap3A_192 = arith.index_cast %mul3A_177 : i32 to index
      %swap3A_193 = tpu.vector_load %arg8[%swap3A_191, %swap3A_192] {strides = array<i32>} : memref<256x128xf32, #tpu.memory_space<vmem>>, vector<1x16xf32>,
      %swap3A_194 = vector.shape_cast %swap3A_193 : vector<1x16xf32> to vector<16xf32>
      %swap3A_195 = vector.shape_cast %max3A_190 : vector<16xf32> to vector<1x16xf32>
      tpu.vector_store %arg8[%swap3A_191, %swap3A_192], %swap3A_195 {strides = array<i32>} : memref<256x128xf32, #tpu.memory_space<vmem>>, vector<1x16xf32>,
      %slice3A_196 = vector.extract_strided_slice %get3A_17 {offsets = [7], sizes = [1], strides = [1]} : vector<16xi32> to vector<1xi32>
      %squeeze3A_197 = vector.extract %slice3A_196[0] : i32 from vector<1xi32>
      %shift_right_arithmetic3A_198 = arith.constant 3 : i32
      %shift_right_arithmetic3A_199 = arith.shrsi %squeeze3A_197, %shift_right_arithmetic3A_198 : i32
      %and3A_200 = arith.constant 7 : i32
      %and3A_201 = arith.andi %squeeze3A_197, %and3A_200 : i32
      %mul3A_202 = arith.constant 16 : i32
      %mul3A_203 = arith.muli %and3A_201, %mul3A_202 : i32
      %mul3A_204 = arith.constant 2 : i32
      %mul3A_205 = arith.muli %mul3A_204, %scan3A_10 : i32
      %add3A_206 = arith.constant 0 : i32
      %add3A_207 = arith.addi %mul3A_205, %add3A_206 : i32
      %get3A_208 = arith.index_cast %add3A_207 : i32 to index
      %get3A_209 = arith.constant 112 : index
      %get3A_210 = tpu.vector_load %arg6[%get3A_208, %get3A_209] {strides = array<i32>} : memref<128x128xf32, #tpu.memory_space<vmem>>, vector<1x16xf32>,
      %get3A_211 = vector.shape_cast %get3A_210 : vector<1x16xf32> to vector<16xf32>
      %get3A_212 = arith.index_cast %shift_right_arithmetic3A_199 : i32 to index
      %get3A_213 = arith.index_cast %mul3A_203 : i32 to index
      %get3A_214 = tpu.vector_load %arg8[%get3A_212, %get3A_213] {strides = array<i32>} : memref<256x128xf32, #tpu.memory_space<vmem>>, vector<1x16xf32>,
      %get3A_215 = vector.shape_cast %get3A_214 : vector<1x16xf32> to vector<16xf32>
      %max3A_216 = arith.maximumf %get3A_215, %get3A_211 : vector<16xf32>
      %swap3A_217 = arith.index_cast %shift_right_arithmetic3A_199 : i32 to index
      %swap3A_218 = arith.index_cast %mul3A_203 : i32 to index
      %swap3A_219 = tpu.vector_load %arg8[%swap3A_217, %swap3A_218] {strides = array<i32>} : memref<256x128xf32, #tpu.memory_space<vmem>>, vector<1x16xf32>,
      %swap3A_220 = vector.shape_cast %swap3A_219 : vector<1x16xf32> to vector<16xf32>
      %swap3A_221 = vector.shape_cast %max3A_216 : vector<16xf32> to vector<1x16xf32>
      tpu.vector_store %arg8[%swap3A_217, %swap3A_218], %swap3A_221 {strides = array<i32>} : memref<256x128xf32, #tpu.memory_space<vmem>>, vector<1x16xf32>,
      %slice3A_222 = vector.extract_strided_slice %get3A_17 {offsets = [8], sizes = [1], strides = [1]} : vector<16xi32> to vector<1xi32>
      %squeeze3A_223 = vector.extract %slice3A_222[0] : i32 from vector<1xi32>
      %shift_right_arithmetic3A_224 = arith.constant 3 : i32
      %shift_right_arithmetic3A_225 = arith.shrsi %squeeze3A_223, %shift_right_arithmetic3A_224 : i32
      %and3A_226 = arith.constant 7 : i32
      %and3A_227 = arith.andi %squeeze3A_223, %and3A_226 : i32
      %mul3A_228 = arith.constant 16 : i32
      %mul3A_229 = arith.muli %and3A_227, %mul3A_228 : i32
      %mul3A_230 = arith.constant 2 : i32
      %mul3A_231 = arith.muli %mul3A_230, %scan3A_10 : i32
      %add3A_232 = arith.constant 1 : i32
      %add3A_233 = arith.addi %mul3A_231, %add3A_232 : i32
      %get3A_234 = arith.index_cast %add3A_233 : i32 to index
      %get3A_235 = arith.constant 0 : index
      %get3A_236 = tpu.vector_load %arg6[%get3A_234, %get3A_235] {strides = array<i32>} : memref<128x128xf32, #tpu.memory_space<vmem>>, vector<1x16xf32>,
      %get3A_237 = vector.shape_cast %get3A_236 : vector<1x16xf32> to vector<16xf32>
      %get3A_238 = arith.index_cast %shift_right_arithmetic3A_225 : i32 to index
      %get3A_239 = arith.index_cast %mul3A_229 : i32 to index
      %get3A_240 = tpu.vector_load %arg8[%get3A_238, %get3A_239] {strides = array<i32>} : memref<256x128xf32, #tpu.memory_space<vmem>>, vector<1x16xf32>,
      %get3A_241 = vector.shape_cast %get3A_240 : vector<1x16xf32> to vector<16xf32>
      %max3A_242 = arith.maximumf %get3A_241, %get3A_237 : vector<16xf32>
      %swap3A_243 = arith.index_cast %shift_right_arithmetic3A_225 : i32 to index
      %swap3A_244 = arith.index_cast %mul3A_229 : i32 to index
      %swap3A_245 = tpu.vector_load %arg8[%swap3A_243, %swap3A_244] {strides = array<i32>} : memref<256x128xf32, #tpu.memory_space<vmem>>, vector<1x16xf32>,
      %swap3A_246 = vector.shape_cast %swap3A_245 : vector<1x16xf32> to vector<16xf32>
      %swap3A_247 = vector.shape_cast %max3A_242 : vector<16xf32> to vector<1x16xf32>
      tpu.vector_store %arg8[%swap3A_243, %swap3A_244], %swap3A_247 {strides = array<i32>} : memref<256x128xf32, #tpu.memory_space<vmem>>, vector<1x16xf32>,
      %slice3A_248 = vector.extract_strided_slice %get3A_17 {offsets = [9], sizes = [1], strides = [1]} : vector<16xi32> to vector<1xi32>
      %squeeze3A_249 = vector.extract %slice3A_248[0] : i32 from vector<1xi32>
      %shift_right_arithmetic3A_250 = arith.constant 3 : i32
      %shift_right_arithmetic3A_251 = arith.shrsi %squeeze3A_249, %shift_right_arithmetic3A_250 : i32
      %and3A_252 = arith.constant 7 : i32
      %and3A_253 = arith.andi %squeeze3A_249, %and3A_252 : i32
      %mul3A_254 = arith.constant 16 : i32
      %mul3A_255 = arith.muli %and3A_253, %mul3A_254 : i32
      %mul3A_256 = arith.constant 2 : i32
      %mul3A_257 = arith.muli %mul3A_256, %scan3A_10 : i32
      %add3A_258 = arith.constant 1 : i32
      %add3A_259 = arith.addi %mul3A_257, %add3A_258 : i32
      %get3A_260 = arith.index_cast %add3A_259 : i32 to index
      %get3A_261 = arith.constant 16 : index
      %get3A_262 = tpu.vector_load %arg6[%get3A_260, %get3A_261] {strides = array<i32>} : memref<128x128xf32, #tpu.memory_space<vmem>>, vector<1x16xf32>,
      %get3A_263 = vector.shape_cast %get3A_262 : vector<1x16xf32> to vector<16xf32>
      %get3A_264 = arith.index_cast %shift_right_arithmetic3A_251 : i32 to index
      %get3A_265 = arith.index_cast %mul3A_255 : i32 to index
      %get3A_266 = tpu.vector_load %arg8[%get3A_264, %get3A_265] {strides = array<i32>} : memref<256x128xf32, #tpu.memory_space<vmem>>, vector<1x16xf32>,
      %get3A_267 = vector.shape_cast %get3A_266 : vector<1x16xf32> to vector<16xf32>
      %max3A_268 = arith.maximumf %get3A_267, %get3A_263 : vector<16xf32>
      %swap3A_269 = arith.index_cast %shift_right_arithmetic3A_251 : i32 to index
      %swap3A_270 = arith.index_cast %mul3A_255 : i32 to index
      %swap3A_271 = tpu.vector_load %arg8[%swap3A_269, %swap3A_270] {strides = array<i32>} : memref<256x128xf32, #tpu.memory_space<vmem>>, vector<1x16xf32>,
      %swap3A_272 = vector.shape_cast %swap3A_271 : vector<1x16xf32> to vector<16xf32>
      %swap3A_273 = vector.shape_cast %max3A_268 : vector<16xf32> to vector<1x16xf32>
      tpu.vector_store %arg8[%swap3A_269, %swap3A_270], %swap3A_273 {strides = array<i32>} : memref<256x128xf32, #tpu.memory_space<vmem>>, vector<1x16xf32>,
      %slice3A_274 = vector.extract_strided_slice %get3A_17 {offsets = [10], sizes = [1], strides = [1]} : vector<16xi32> to vector<1xi32>
      %squeeze3A_275 = vector.extract %slice3A_274[0] : i32 from vector<1xi32>
      %shift_right_arithmetic3A_276 = arith.constant 3 : i32
      %shift_right_arithmetic3A_277 = arith.shrsi %squeeze3A_275, %shift_right_arithmetic3A_276 : i32
      %and3A_278 = arith.constant 7 : i32
      %and3A_279 = arith.andi %squeeze3A_275, %and3A_278 : i32
      %mul3A_280 = arith.constant 16 : i32
      %mul3A_281 = arith.muli %and3A_279, %mul3A_280 : i32
      %mul3A_282 = arith.constant 2 : i32
      %mul3A_283 = arith.muli %mul3A_282, %scan3A_10 : i32
      %add3A_284 = arith.constant 1 : i32
      %add3A_285 = arith.addi %mul3A_283, %add3A_284 : i32
      %get3A_286 = arith.index_cast %add3A_285 : i32 to index
      %get3A_287 = arith.constant 32 : index
      %get3A_288 = tpu.vector_load %arg6[%get3A_286, %get3A_287] {strides = array<i32>} : memref<128x128xf32, #tpu.memory_space<vmem>>, vector<1x16xf32>,
      %get3A_289 = vector.shape_cast %get3A_288 : vector<1x16xf32> to vector<16xf32>
      %get3A_290 = arith.index_cast %shift_right_arithmetic3A_277 : i32 to index
      %get3A_291 = arith.index_cast %mul3A_281 : i32 to index
      %get3A_292 = tpu.vector_load %arg8[%get3A_290, %get3A_291] {strides = array<i32>} : memref<256x128xf32, #tpu.memory_space<vmem>>, vector<1x16xf32>,
      %get3A_293 = vector.shape_cast %get3A_292 : vector<1x16xf32> to vector<16xf32>
      %max3A_294 = arith.maximumf %get3A_293, %get3A_289 : vector<16xf32>
      %swap3A_295 = arith.index_cast %shift_right_arithmetic3A_277 : i32 to index
      %swap3A_296 = arith.index_cast %mul3A_281 : i32 to index
      %swap3A_297 = tpu.vector_load %arg8[%swap3A_295, %swap3A_296] {strides = array<i32>} : memref<256x128xf32, #tpu.memory_space<vmem>>, vector<1x16xf32>,
      %swap3A_298 = vector.shape_cast %swap3A_297 : vector<1x16xf32> to vector<16xf32>
      %swap3A_299 = vector.shape_cast %max3A_294 : vector<16xf32> to vector<1x16xf32>
      tpu.vector_store %arg8[%swap3A_295, %swap3A_296], %swap3A_299 {strides = array<i32>} : memref<256x128xf32, #tpu.memory_space<vmem>>, vector<1x16xf32>,
      %slice3A_300 = vector.extract_strided_slice %get3A_17 {offsets = [11], sizes = [1], strides = [1]} : vector<16xi32> to vector<1xi32>
      %squeeze3A_301 = vector.extract %slice3A_300[0] : i32 from vector<1xi32>
      %shift_right_arithmetic3A_302 = arith.constant 3 : i32
      %shift_right_arithmetic3A_303 = arith.shrsi %squeeze3A_301, %shift_right_arithmetic3A_302 : i32
      %and3A_304 = arith.constant 7 : i32
      %and3A_305 = arith.andi %squeeze3A_301, %and3A_304 : i32
      %mul3A_306 = arith.constant 16 : i32
      %mul3A_307 = arith.muli %and3A_305, %mul3A_306 : i32
      %mul3A_308 = arith.constant 2 : i32
      %mul3A_309 = arith.muli %mul3A_308, %scan3A_10 : i32
      %add3A_310 = arith.constant 1 : i32
      %add3A_311 = arith.addi %mul3A_309, %add3A_310 : i32
      %get3A_312 = arith.index_cast %add3A_311 : i32 to index
      %get3A_313 = arith.constant 48 : index
      %get3A_314 = tpu.vector_load %arg6[%get3A_312, %get3A_313] {strides = array<i32>} : memref<128x128xf32, #tpu.memory_space<vmem>>, vector<1x16xf32>,
      %get3A_315 = vector.shape_cast %get3A_314 : vector<1x16xf32> to vector<16xf32>
      %get3A_316 = arith.index_cast %shift_right_arithmetic3A_303 : i32 to index
      %get3A_317 = arith.index_cast %mul3A_307 : i32 to index
      %get3A_318 = tpu.vector_load %arg8[%get3A_316, %get3A_317] {strides = array<i32>} : memref<256x128xf32, #tpu.memory_space<vmem>>, vector<1x16xf32>,
      %get3A_319 = vector.shape_cast %get3A_318 : vector<1x16xf32> to vector<16xf32>
      %max3A_320 = arith.maximumf %get3A_319, %get3A_315 : vector<16xf32>
      %swap3A_321 = arith.index_cast %shift_right_arithmetic3A_303 : i32 to index
      %swap3A_322 = arith.index_cast %mul3A_307 : i32 to index
      %swap3A_323 = tpu.vector_load %arg8[%swap3A_321, %swap3A_322] {strides = array<i32>} : memref<256x128xf32, #tpu.memory_space<vmem>>, vector<1x16xf32>,
      %swap3A_324 = vector.shape_cast %swap3A_323 : vector<1x16xf32> to vector<16xf32>
      %swap3A_325 = vector.shape_cast %max3A_320 : vector<16xf32> to vector<1x16xf32>
      tpu.vector_store %arg8[%swap3A_321, %swap3A_322], %swap3A_325 {strides = array<i32>} : memref<256x128xf32, #tpu.memory_space<vmem>>, vector<1x16xf32>,
      %slice3A_326 = vector.extract_strided_slice %get3A_17 {offsets = [12], sizes = [1], strides = [1]} : vector<16xi32> to vector<1xi32>
      %squeeze3A_327 = vector.extract %slice3A_326[0] : i32 from vector<1xi32>
      %shift_right_arithmetic3A_328 = arith.constant 3 : i32
      %shift_right_arithmetic3A_329 = arith.shrsi %squeeze3A_327, %shift_right_arithmetic3A_328 : i32
      %and3A_330 = arith.constant 7 : i32
      %and3A_331 = arith.andi %squeeze3A_327, %and3A_330 : i32
      %mul3A_332 = arith.constant 16 : i32
      %mul3A_333 = arith.muli %and3A_331, %mul3A_332 : i32
      %mul3A_334 = arith.constant 2 : i32
      %mul3A_335 = arith.muli %mul3A_334, %scan3A_10 : i32
      %add3A_336 = arith.constant 1 : i32
      %add3A_337 = arith.addi %mul3A_335, %add3A_336 : i32
      %get3A_338 = arith.index_cast %add3A_337 : i32 to index
      %get3A_339 = arith.constant 64 : index
      %get3A_340 = tpu.vector_load %arg6[%get3A_338, %get3A_339] {strides = array<i32>} : memref<128x128xf32, #tpu.memory_space<vmem>>, vector<1x16xf32>,
      %get3A_341 = vector.shape_cast %get3A_340 : vector<1x16xf32> to vector<16xf32>
      %get3A_342 = arith.index_cast %shift_right_arithmetic3A_329 : i32 to index
      %get3A_343 = arith.index_cast %mul3A_333 : i32 to index
      %get3A_344 = tpu.vector_load %arg8[%get3A_342, %get3A_343] {strides = array<i32>} : memref<256x128xf32, #tpu.memory_space<vmem>>, vector<1x16xf32>,
      %get3A_345 = vector.shape_cast %get3A_344 : vector<1x16xf32> to vector<16xf32>
      %max3A_346 = arith.maximumf %get3A_345, %get3A_341 : vector<16xf32>
      %swap3A_347 = arith.index_cast %shift_right_arithmetic3A_329 : i32 to index
      %swap3A_348 = arith.index_cast %mul3A_333 : i32 to index
      %swap3A_349 = tpu.vector_load %arg8[%swap3A_347, %swap3A_348] {strides = array<i32>} : memref<256x128xf32, #tpu.memory_space<vmem>>, vector<1x16xf32>,
      %swap3A_350 = vector.shape_cast %swap3A_349 : vector<1x16xf32> to vector<16xf32>
      %swap3A_351 = vector.shape_cast %max3A_346 : vector<16xf32> to vector<1x16xf32>
      tpu.vector_store %arg8[%swap3A_347, %swap3A_348], %swap3A_351 {strides = array<i32>} : memref<256x128xf32, #tpu.memory_space<vmem>>, vector<1x16xf32>,
      %slice3A_352 = vector.extract_strided_slice %get3A_17 {offsets = [13], sizes = [1], strides = [1]} : vector<16xi32> to vector<1xi32>
      %squeeze3A_353 = vector.extract %slice3A_352[0] : i32 from vector<1xi32>
      %shift_right_arithmetic3A_354 = arith.constant 3 : i32
      %shift_right_arithmetic3A_355 = arith.shrsi %squeeze3A_353, %shift_right_arithmetic3A_354 : i32
      %and3A_356 = arith.constant 7 : i32
      %and3A_357 = arith.andi %squeeze3A_353, %and3A_356 : i32
      %mul3A_358 = arith.constant 16 : i32
      %mul3A_359 = arith.muli %and3A_357, %mul3A_358 : i32
      %mul3A_360 = arith.constant 2 : i32
      %mul3A_361 = arith.muli %mul3A_360, %scan3A_10 : i32
      %add3A_362 = arith.constant 1 : i32
      %add3A_363 = arith.addi %mul3A_361, %add3A_362 : i32
      %get3A_364 = arith.index_cast %add3A_363 : i32 to index
      %get3A_365 = arith.constant 80 : index
      %get3A_366 = tpu.vector_load %arg6[%get3A_364, %get3A_365] {strides = array<i32>} : memref<128x128xf32, #tpu.memory_space<vmem>>, vector<1x16xf32>,
      %get3A_367 = vector.shape_cast %get3A_366 : vector<1x16xf32> to vector<16xf32>
      %get3A_368 = arith.index_cast %shift_right_arithmetic3A_355 : i32 to index
      %get3A_369 = arith.index_cast %mul3A_359 : i32 to index
      %get3A_370 = tpu.vector_load %arg8[%get3A_368, %get3A_369] {strides = array<i32>} : memref<256x128xf32, #tpu.memory_space<vmem>>, vector<1x16xf32>,
      %get3A_371 = vector.shape_cast %get3A_370 : vector<1x16xf32> to vector<16xf32>
      %max3A_372 = arith.maximumf %get3A_371, %get3A_367 : vector<16xf32>
      %swap3A_373 = arith.index_cast %shift_right_arithmetic3A_355 : i32 to index
      %swap3A_374 = arith.index_cast %mul3A_359 : i32 to index
      %swap3A_375 = tpu.vector_load %arg8[%swap3A_373, %swap3A_374] {strides = array<i32>} : memref<256x128xf32, #tpu.memory_space<vmem>>, vector<1x16xf32>,
      %swap3A_376 = vector.shape_cast %swap3A_375 : vector<1x16xf32> to vector<16xf32>
      %swap3A_377 = vector.shape_cast %max3A_372 : vector<16xf32> to vector<1x16xf32>
      tpu.vector_store %arg8[%swap3A_373, %swap3A_374], %swap3A_377 {strides = array<i32>} : memref<256x128xf32, #tpu.memory_space<vmem>>, vector<1x16xf32>,
      %slice3A_378 = vector.extract_strided_slice %get3A_17 {offsets = [14], sizes = [1], strides = [1]} : vector<16xi32> to vector<1xi32>
      %squeeze3A_379 = vector.extract %slice3A_378[0] : i32 from vector<1xi32>
      %shift_right_arithmetic3A_380 = arith.constant 3 : i32
      %shift_right_arithmetic3A_381 = arith.shrsi %squeeze3A_379, %shift_right_arithmetic3A_380 : i32
      %and3A_382 = arith.constant 7 : i32
      %and3A_383 = arith.andi %squeeze3A_379, %and3A_382 : i32
      %mul3A_384 = arith.constant 16 : i32
      %mul3A_385 = arith.muli %and3A_383, %mul3A_384 : i32
      %mul3A_386 = arith.constant 2 : i32
      %mul3A_387 = arith.muli %mul3A_386, %scan3A_10 : i32
      %add3A_388 = arith.constant 1 : i32
      %add3A_389 = arith.addi %mul3A_387, %add3A_388 : i32
      %get3A_390 = arith.index_cast %add3A_389 : i32 to index
      %get3A_391 = arith.constant 96 : index
      %get3A_392 = tpu.vector_load %arg6[%get3A_390, %get3A_391] {strides = array<i32>} : memref<128x128xf32, #tpu.memory_space<vmem>>, vector<1x16xf32>,
      %get3A_393 = vector.shape_cast %get3A_392 : vector<1x16xf32> to vector<16xf32>
      %get3A_394 = arith.index_cast %shift_right_arithmetic3A_381 : i32 to index
      %get3A_395 = arith.index_cast %mul3A_385 : i32 to index
      %get3A_396 = tpu.vector_load %arg8[%get3A_394, %get3A_395] {strides = array<i32>} : memref<256x128xf32, #tpu.memory_space<vmem>>, vector<1x16xf32>,
      %get3A_397 = vector.shape_cast %get3A_396 : vector<1x16xf32> to vector<16xf32>
      %max3A_398 = arith.maximumf %get3A_397, %get3A_393 : vector<16xf32>
      %swap3A_399 = arith.index_cast %shift_right_arithmetic3A_381 : i32 to index
      %swap3A_400 = arith.index_cast %mul3A_385 : i32 to index
      %swap3A_401 = tpu.vector_load %arg8[%swap3A_399, %swap3A_400] {strides = array<i32>} : memref<256x128xf32, #tpu.memory_space<vmem>>, vector<1x16xf32>,
      %swap3A_402 = vector.shape_cast %swap3A_401 : vector<1x16xf32> to vector<16xf32>
      %swap3A_403 = vector.shape_cast %max3A_398 : vector<16xf32> to vector<1x16xf32>
      tpu.vector_store %arg8[%swap3A_399, %swap3A_400], %swap3A_403 {strides = array<i32>} : memref<256x128xf32, #tpu.memory_space<vmem>>, vector<1x16xf32>,
      %slice3A_404 = vector.extract_strided_slice %get3A_17 {offsets = [15], sizes = [1], strides = [1]} : vector<16xi32> to vector<1xi32>
      %squeeze3A_405 = vector.extract %slice3A_404[0] : i32 from vector<1xi32>
      %shift_right_arithmetic3A_406 = arith.constant 3 : i32
      %shift_right_arithmetic3A_407 = arith.shrsi %squeeze3A_405, %shift_right_arithmetic3A_406 : i32
      %and3A_408 = arith.constant 7 : i32
      %and3A_409 = arith.andi %squeeze3A_405, %and3A_408 : i32
      %mul3A_410 = arith.constant 16 : i32
      %mul3A_411 = arith.muli %and3A_409, %mul3A_410 : i32
      %mul3A_412 = arith.constant 2 : i32
      %mul3A_413 = arith.muli %mul3A_412, %scan3A_10 : i32
      %add3A_414 = arith.constant 1 : i32
      %add3A_415 = arith.addi %mul3A_413, %add3A_414 : i32
      %get3A_416 = arith.index_cast %add3A_415 : i32 to index
      %get3A_417 = arith.constant 112 : index
      %get3A_418 = tpu.vector_load %arg6[%get3A_416, %get3A_417] {strides = array<i32>} : memref<128x128xf32, #tpu.memory_space<vmem>>, vector<1x16xf32>,
      %get3A_419 = vector.shape_cast %get3A_418 : vector<1x16xf32> to vector<16xf32>
      %get3A_420 = arith.index_cast %shift_right_arithmetic3A_407 : i32 to index
      %get3A_421 = arith.index_cast %mul3A_411 : i32 to index
      %get3A_422 = tpu.vector_load %arg8[%get3A_420, %get3A_421] {strides = array<i32>} : memref<256x128xf32, #tpu.memory_space<vmem>>, vector<1x16xf32>,
      %get3A_423 = vector.shape_cast %get3A_422 : vector<1x16xf32> to vector<16xf32>
      %max3A_424 = arith.maximumf %get3A_423, %get3A_419 : vector<16xf32>
      %swap3A_425 = arith.index_cast %shift_right_arithmetic3A_407 : i32 to index
      %swap3A_426 = arith.index_cast %mul3A_411 : i32 to index
      %swap3A_427 = tpu.vector_load %arg8[%swap3A_425, %swap3A_426] {strides = array<i32>} : memref<256x128xf32, #tpu.memory_space<vmem>>, vector<1x16xf32>,
      %swap3A_428 = vector.shape_cast %swap3A_427 : vector<1x16xf32> to vector<16xf32>
      %swap3A_429 = vector.shape_cast %max3A_424 : vector<16xf32> to vector<1x16xf32>
      tpu.vector_store %arg8[%swap3A_425, %swap3A_426], %swap3A_429 {strides = array<i32>} : memref<256x128xf32, #tpu.memory_space<vmem>>, vector<1x16xf32>,
    }
    %scan3A_9 = arith.constant 64 : i32
    "tpu.region"() ({
      %run_scoped3A = tpu.sem_alloc : memref<!tpu.dma_semaphore, #tpu.memory_space<semaphore_mem>>
      %dma_start3A = arith.constant 0 : i32
      %dma_start3A_10 = arith.constant 0 : i32
      %dma_start3A_11 = tpu.memref_slice %arg5[%add3A, %dma_start3A, %dma_start3A_10] : memref<32x256x128xf32, #tpu.memory_space<hbm>> -> memref<1x256x128xf32, #tpu.memory_space<hbm>>
      %dma_start3A_12 = tpu.memref_squeeze %dma_start3A_11 : memref<1x256x128xf32, #tpu.memory_space<hbm>> -> memref<256x128xf32, #tpu.memory_space<hbm>>
      %dma_start3A_13 = arith.constant 0 : i32
      %dma_start3A_14 = arith.constant 0 : i32
      %dma_start3A_15 = tpu.memref_slice %arg5[%add3A, %dma_start3A_13, %dma_start3A_14] : memref<32x256x128xf32, #tpu.memory_space<hbm>> -> memref<1x256x128xf32, #tpu.memory_space<hbm>>
      %dma_start3A_16 = tpu.memref_squeeze %dma_start3A_15 : memref<1x256x128xf32, #tpu.memory_space<hbm>> -> memref<256x128xf32, #tpu.memory_space<hbm>>
      tpu.enqueue_dma source(%arg8 : memref<256x128xf32, #tpu.memory_space<vmem>>) target(%dma_start3A_16 : memref<256x128xf32, #tpu.memory_space<hbm>>) target_semaphore(%run_scoped3A : memref<!tpu.dma_semaphore, #tpu.memory_space<semaphore_mem>>)
      %dma_wait3A = arith.constant 0 : i32
      %dma_wait3A_17 = arith.constant 0 : i32
      %dma_wait3A_18 = tpu.memref_slice %arg5[%add3A, %dma_wait3A, %dma_wait3A_17] : memref<32x256x128xf32, #tpu.memory_space<hbm>> -> memref<1x256x128xf32, #tpu.memory_space<hbm>>
      %dma_wait3A_19 = tpu.memref_squeeze %dma_wait3A_18 : memref<1x256x128xf32, #tpu.memory_space<hbm>> -> memref<256x128xf32, #tpu.memory_space<hbm>>
      %dma_wait3A_20 = arith.constant 0 : i32
      %dma_wait3A_21 = arith.constant 0 : i32
      %dma_wait3A_22 = tpu.memref_slice %arg5[%add3A, %dma_wait3A_20, %dma_wait3A_21] : memref<32x256x128xf32, #tpu.memory_space<hbm>> -> memref<1x256x128xf32, #tpu.memory_space<hbm>>
      %dma_wait3A_23 = tpu.memref_squeeze %dma_wait3A_22 : memref<1x256x128xf32, #tpu.memory_space<hbm>> -> memref<256x128xf32, #tpu.memory_space<hbm>>
      tpu.wait_dma2 semaphore(%run_scoped3A : memref<!tpu.dma_semaphore, #tpu.memory_space<semaphore_mem>>) src(%arg8 : memref<256x128xf32, #tpu.memory_space<vmem>>) dst(%dma_wait3A_23 : memref<256x128xf32, #tpu.memory_space<hbm>>)
      tpu.yield
    }) : () -> ()
    return
  }
}

module attributes {stable_mosaic.version = 14 : i64} {
  func.func @_tables_body(%arg0: i32, %arg1: memref<256x2048xf32, #tpu.memory_space<vmem>>, %arg2: memref<4096x64xf32, #tpu.memory_space<vmem>>, %arg3: memref<256x128xf32, #tpu.memory_space<vmem>>) attributes {dimension_semantics = [#tpu.dimension_semantics<arbitrary>], iteration_bounds = array<i64: 8>, scalar_prefetch = 0 : i64, scratch_operands = 0 : i64, tpu.core_type = #tpu.core_type<tc>, window_params = [{transform_indices = @transform_0, window_bounds = array<i64: 256, 2048>}, {pipeline_mode = #tpu.pipeline_mode<synchronous>, transform_indices = @transform_1, window_bounds = array<i64: 4096, 64>}, {transform_indices = @transform_2, window_bounds = array<i64: 256, 128>}]} {
    %get3A = arith.constant 0 : index
    %get3A_0 = arith.constant 0 : index
    %get3A_1 = vector.load %arg1[%get3A, %get3A_0] : memref<256x2048xf32, #tpu.memory_space<vmem>>, vector<256x2048xf32>
    %get3A_2 = arith.constant 0 : index
    %get3A_3 = arith.constant 0 : index
    %get3A_4 = vector.load %arg2[%get3A_2, %get3A_3] : memref<4096x64xf32, #tpu.memory_space<vmem>>, vector<2048x64xf32>
    %get3A_5 = arith.constant 2048 : index
    %get3A_6 = arith.constant 0 : index
    %get3A_7 = vector.load %arg2[%get3A_5, %get3A_6] : memref<4096x64xf32, #tpu.memory_space<vmem>>, vector<2048x64xf32>
    %sub3A = arith.subf %get3A_4, %get3A_7 : vector<2048x64xf32>
    %dot_general3A = arith.constant dense<0.000000e+00> : vector<256x64xf32>
    %dot_general3A_8 = tpu.matmul %get3A_1, %sub3A, %dot_general3A {dimension_numbers = #tpu.dot_dimension_numbers<[1], [0], [0], [1], [0, 0, 1, 1], [], []>, precision = #tpu.contract_precision<fp32>, transpose_lhs_hint = false} : vector<256x2048xf32>, vector<2048x64xf32>, vector<256x64xf32> -> vector<256x64xf32>
    %swap3A = arith.constant 0 : index
    %swap3A_9 = arith.constant 0 : index
    %swap3A_10 = vector.load %arg3[%swap3A, %swap3A_9] : memref<256x128xf32, #tpu.memory_space<vmem>>, vector<256x64xf32>
    tpu.vector_store %arg3[%swap3A, %swap3A_9], %dot_general3A_8 {strides = array<i32>} : memref<256x128xf32, #tpu.memory_space<vmem>>, vector<256x64xf32>,
    %dot_general3A_11 = arith.constant dense<0.000000e+00> : vector<256x64xf32>
    %dot_general3A_12 = tpu.matmul %get3A_1, %get3A_7, %dot_general3A_11 {dimension_numbers = #tpu.dot_dimension_numbers<[1], [0], [0], [1], [0, 0, 1, 1], [], []>, precision = #tpu.contract_precision<fp32>, transpose_lhs_hint = false} : vector<256x2048xf32>, vector<2048x64xf32>, vector<256x64xf32> -> vector<256x64xf32>
    %swap3A_13 = arith.constant 0 : index
    %swap3A_14 = arith.constant 64 : index
    %swap3A_15 = vector.load %arg3[%swap3A_13, %swap3A_14] : memref<256x128xf32, #tpu.memory_space<vmem>>, vector<256x64xf32>
    tpu.vector_store %arg3[%swap3A_13, %swap3A_14], %dot_general3A_12 {strides = array<i32>} : memref<256x128xf32, #tpu.memory_space<vmem>>, vector<256x64xf32>,
    return
  }
  func.func @transform_0(%arg0: i32) -> (i32, i32) {
    %c0_i32 = arith.constant 0 : i32
    %c0_i32_0 = arith.constant 0 : i32
    return %arg0, %c0_i32 : i32, i32
  }
  func.func @transform_1(%arg0: i32) -> (i32, i32) {
    %c0_i32 = arith.constant 0 : i32
    %c0_i32_0 = arith.constant 0 : i32
    %c0_i32_1 = arith.constant 0 : i32
    return %c0_i32, %c0_i32_0 : i32, i32
  }
  func.func @transform_2(%arg0: i32) -> (i32, i32) {
    %c0_i32 = arith.constant 0 : i32
    %c0_i32_0 = arith.constant 0 : i32
    return %arg0, %c0_i32 : i32, i32
  }
}

module attributes {stable_mosaic.version = 14 : i64} {
  func.func @_mlp_body(%arg0: i32, %arg1: memref<512x512xf32, #tpu.memory_space<vmem>>, %arg2: memref<1x512xf32, #tpu.memory_space<vmem>>, %arg3: memref<512x128xf32, #tpu.memory_space<vmem>>, %arg4: memref<1x128xf32, #tpu.memory_space<vmem>>, %arg5: memref<128x128xf32, #tpu.memory_space<vmem>>, %arg6: memref<1x128xf32, #tpu.memory_space<vmem>>, %arg7: memref<512x128xf32, #tpu.memory_space<vmem>>) attributes {dimension_semantics = [#tpu.dimension_semantics<arbitrary>], iteration_bounds = array<i64: 8>, scalar_prefetch = 0 : i64, scratch_operands = 0 : i64, tpu.core_type = #tpu.core_type<tc>, window_params = [{transform_indices = @transform_0, window_bounds = array<i64: 512, 512>}, {pipeline_mode = #tpu.pipeline_mode<synchronous>, transform_indices = @transform_1, window_bounds = array<i64: 1, 512>}, {pipeline_mode = #tpu.pipeline_mode<synchronous>, transform_indices = @transform_2, window_bounds = array<i64: 512, 128>}, {pipeline_mode = #tpu.pipeline_mode<synchronous>, transform_indices = @transform_3, window_bounds = array<i64: 1, 128>}, {pipeline_mode = #tpu.pipeline_mode<synchronous>, transform_indices = @transform_4, window_bounds = array<i64: 128, 128>}, {pipeline_mode = #tpu.pipeline_mode<synchronous>, transform_indices = @transform_5, window_bounds = array<i64: 1, 128>}, {transform_indices = @transform_6, window_bounds = array<i64: 512, 128>}]} {
    %get3A = arith.constant 0 : index
    %get3A_0 = arith.constant 0 : index
    %get3A_1 = vector.load %arg1[%get3A, %get3A_0] : memref<512x512xf32, #tpu.memory_space<vmem>>, vector<512x512xf32>
    %get3A_2 = arith.constant 0 : index
    %get3A_3 = arith.constant 0 : index
    %get3A_4 = vector.load %arg2[%get3A_2, %get3A_3] : memref<1x512xf32, #tpu.memory_space<vmem>>, vector<1x512xf32>
    %add3A = vector.broadcast %get3A_4 : vector<1x512xf32> to vector<512x512xf32>
    %add3A_5 = arith.addf %get3A_1, %add3A : vector<512x512xf32>
    %logistic3A = arith.negf %add3A_5 : vector<512x512xf32>
    %logistic3A_6 = math.exp %logistic3A : vector<512x512xf32>
    %logistic3A_7 = arith.constant 1.000000e+00 : f32
    %logistic3A_8 = vector.broadcast %logistic3A_7 : f32 to vector<512x512xf32>
    %logistic3A_9 = arith.addf %logistic3A_8, %logistic3A_6 : vector<512x512xf32>
    %logistic3A_10 = arith.divf %logistic3A_8, %logistic3A_9 : vector<512x512xf32>
    %mul3A = arith.mulf %add3A_5, %logistic3A_10 : vector<512x512xf32>
    %get3A_11 = arith.constant 0 : index
    %get3A_12 = arith.constant 0 : index
    %get3A_13 = vector.load %arg3[%get3A_11, %get3A_12] : memref<512x128xf32, #tpu.memory_space<vmem>>, vector<512x128xf32>
    %dot_general3A = arith.constant dense<0.000000e+00> : vector<512x128xf32>
    %dot_general3A_14 = tpu.matmul %mul3A, %get3A_13, %dot_general3A {dimension_numbers = #tpu.dot_dimension_numbers<[1], [0], [0], [1], [0, 0, 1, 1], [], []>, precision = #tpu.contract_precision<fp32>, transpose_lhs_hint = false} : vector<512x512xf32>, vector<512x128xf32>, vector<512x128xf32> -> vector<512x128xf32>
    %get3A_15 = arith.constant 0 : index
    %get3A_16 = arith.constant 0 : index
    %get3A_17 = vector.load %arg4[%get3A_15, %get3A_16] : memref<1x128xf32, #tpu.memory_space<vmem>>, vector<1x128xf32>
    %add3A_18 = vector.broadcast %get3A_17 : vector<1x128xf32> to vector<512x128xf32>
    %add3A_19 = arith.addf %dot_general3A_14, %add3A_18 : vector<512x128xf32>
    %logistic3A_20 = arith.negf %add3A_19 : vector<512x128xf32>
    %logistic3A_21 = math.exp %logistic3A_20 : vector<512x128xf32>
    %logistic3A_22 = arith.constant 1.000000e+00 : f32
    %logistic3A_23 = vector.broadcast %logistic3A_22 : f32 to vector<512x128xf32>
    %logistic3A_24 = arith.addf %logistic3A_23, %logistic3A_21 : vector<512x128xf32>
    %logistic3A_25 = arith.divf %logistic3A_23, %logistic3A_24 : vector<512x128xf32>
    %mul3A_26 = arith.mulf %add3A_19, %logistic3A_25 : vector<512x128xf32>
    %get3A_27 = arith.constant 0 : index
    %get3A_28 = arith.constant 0 : index
    %get3A_29 = vector.load %arg5[%get3A_27, %get3A_28] : memref<128x128xf32, #tpu.memory_space<vmem>>, vector<128x128xf32>
    %dot_general3A_30 = arith.constant dense<0.000000e+00> : vector<512x128xf32>
    %dot_general3A_31 = tpu.matmul %mul3A_26, %get3A_29, %dot_general3A_30 {dimension_numbers = #tpu.dot_dimension_numbers<[1], [0], [0], [1], [0, 0, 1, 1], [], []>, precision = #tpu.contract_precision<fp32>, transpose_lhs_hint = false} : vector<512x128xf32>, vector<128x128xf32>, vector<512x128xf32> -> vector<512x128xf32>
    %get3A_32 = arith.constant 0 : index
    %get3A_33 = arith.constant 0 : index
    %get3A_34 = vector.load %arg6[%get3A_32, %get3A_33] : memref<1x128xf32, #tpu.memory_space<vmem>>, vector<1x128xf32>
    %add3A_35 = vector.broadcast %get3A_34 : vector<1x128xf32> to vector<512x128xf32>
    %add3A_36 = arith.addf %dot_general3A_31, %add3A_35 : vector<512x128xf32>
    %logistic3A_37 = arith.negf %add3A_36 : vector<512x128xf32>
    %logistic3A_38 = math.exp %logistic3A_37 : vector<512x128xf32>
    %logistic3A_39 = arith.constant 1.000000e+00 : f32
    %logistic3A_40 = vector.broadcast %logistic3A_39 : f32 to vector<512x128xf32>
    %logistic3A_41 = arith.addf %logistic3A_40, %logistic3A_38 : vector<512x128xf32>
    %logistic3A_42 = arith.divf %logistic3A_40, %logistic3A_41 : vector<512x128xf32>
    %mul3A_43 = arith.mulf %add3A_36, %logistic3A_42 : vector<512x128xf32>
    %swap3A = arith.constant 0 : index
    %swap3A_44 = arith.constant 0 : index
    %swap3A_45 = vector.load %arg7[%swap3A, %swap3A_44] : memref<512x128xf32, #tpu.memory_space<vmem>>, vector<512x128xf32>
    tpu.vector_store %arg7[%swap3A, %swap3A_44], %mul3A_43 {strides = array<i32>} : memref<512x128xf32, #tpu.memory_space<vmem>>, vector<512x128xf32>,
    return
  }
  func.func @transform_0(%arg0: i32) -> (i32, i32) {
    %c0_i32 = arith.constant 0 : i32
    %c0_i32_0 = arith.constant 0 : i32
    return %arg0, %c0_i32 : i32, i32
  }
  func.func @transform_1(%arg0: i32) -> (i32, i32) {
    %c0_i32 = arith.constant 0 : i32
    %c0_i32_0 = arith.constant 0 : i32
    %c0_i32_1 = arith.constant 0 : i32
    return %c0_i32, %c0_i32_0 : i32, i32
  }
  func.func @transform_2(%arg0: i32) -> (i32, i32) {
    %c0_i32 = arith.constant 0 : i32
    %c0_i32_0 = arith.constant 0 : i32
    %c0_i32_1 = arith.constant 0 : i32
    return %c0_i32, %c0_i32_0 : i32, i32
  }
  func.func @transform_3(%arg0: i32) -> (i32, i32) {
    %c0_i32 = arith.constant 0 : i32
    %c0_i32_0 = arith.constant 0 : i32
    %c0_i32_1 = arith.constant 0 : i32
    return %c0_i32, %c0_i32_0 : i32, i32
  }
  func.func @transform_4(%arg0: i32) -> (i32, i32) {
    %c0_i32 = arith.constant 0 : i32
    %c0_i32_0 = arith.constant 0 : i32
    %c0_i32_1 = arith.constant 0 : i32
    return %c0_i32, %c0_i32_0 : i32, i32
  }
  func.func @transform_5(%arg0: i32) -> (i32, i32) {
    %c0_i32 = arith.constant 0 : i32
    %c0_i32_0 = arith.constant 0 : i32
    %c0_i32_1 = arith.constant 0 : i32
    return %c0_i32, %c0_i32_0 : i32, i32
  }
  func.func @transform_6(%arg0: i32) -> (i32, i32) {
    %c0_i32 = arith.constant 0 : i32
    %c0_i32_0 = arith.constant 0 : i32
    return %arg0, %c0_i32 : i32, i32
  }
}

module attributes {stable_mosaic.version = 14 : i64} {
  func.func @_maxred_body(%arg0: memref<32x256x128xf32, #tpu.memory_space<vmem>>, %arg1: memref<256x32xf32, #tpu.memory_space<vmem>>) attributes {dimension_semantics = [], scalar_prefetch = 0 : i64, scratch_operands = 0 : i64, tpu.core_type = #tpu.core_type<tc>} {
    %get3A = arith.constant 0 : index
    %get3A_0 = arith.constant 0 : index
    %get3A_1 = arith.constant 0 : index
    %get3A_2 = vector.load %arg0[%get3A, %get3A_0, %get3A_1] : memref<32x256x128xf32, #tpu.memory_space<vmem>>, vector<1x256x128xf32>
    %get3A_3 = vector.shape_cast %get3A_2 : vector<1x256x128xf32> to vector<256x128xf32>
    %get3A_4 = arith.constant 1 : index
    %get3A_5 = arith.constant 0 : index
    %get3A_6 = arith.constant 0 : index
    %get3A_7 = vector.load %arg0[%get3A_4, %get3A_5, %get3A_6] : memref<32x256x128xf32, #tpu.memory_space<vmem>>, vector<1x256x128xf32>
    %get3A_8 = vector.shape_cast %get3A_7 : vector<1x256x128xf32> to vector<256x128xf32>
    %max3A = arith.maximumf %get3A_3, %get3A_8 : vector<256x128xf32>
    %get3A_9 = arith.constant 2 : index
    %get3A_10 = arith.constant 0 : index
    %get3A_11 = arith.constant 0 : index
    %get3A_12 = vector.load %arg0[%get3A_9, %get3A_10, %get3A_11] : memref<32x256x128xf32, #tpu.memory_space<vmem>>, vector<1x256x128xf32>
    %get3A_13 = vector.shape_cast %get3A_12 : vector<1x256x128xf32> to vector<256x128xf32>
    %max3A_14 = arith.maximumf %max3A, %get3A_13 : vector<256x128xf32>
    %get3A_15 = arith.constant 3 : index
    %get3A_16 = arith.constant 0 : index
    %get3A_17 = arith.constant 0 : index
    %get3A_18 = vector.load %arg0[%get3A_15, %get3A_16, %get3A_17] : memref<32x256x128xf32, #tpu.memory_space<vmem>>, vector<1x256x128xf32>
    %get3A_19 = vector.shape_cast %get3A_18 : vector<1x256x128xf32> to vector<256x128xf32>
    %max3A_20 = arith.maximumf %max3A_14, %get3A_19 : vector<256x128xf32>
    %get3A_21 = arith.constant 4 : index
    %get3A_22 = arith.constant 0 : index
    %get3A_23 = arith.constant 0 : index
    %get3A_24 = vector.load %arg0[%get3A_21, %get3A_22, %get3A_23] : memref<32x256x128xf32, #tpu.memory_space<vmem>>, vector<1x256x128xf32>
    %get3A_25 = vector.shape_cast %get3A_24 : vector<1x256x128xf32> to vector<256x128xf32>
    %max3A_26 = arith.maximumf %max3A_20, %get3A_25 : vector<256x128xf32>
    %get3A_27 = arith.constant 5 : index
    %get3A_28 = arith.constant 0 : index
    %get3A_29 = arith.constant 0 : index
    %get3A_30 = vector.load %arg0[%get3A_27, %get3A_28, %get3A_29] : memref<32x256x128xf32, #tpu.memory_space<vmem>>, vector<1x256x128xf32>
    %get3A_31 = vector.shape_cast %get3A_30 : vector<1x256x128xf32> to vector<256x128xf32>
    %max3A_32 = arith.maximumf %max3A_26, %get3A_31 : vector<256x128xf32>
    %get3A_33 = arith.constant 6 : index
    %get3A_34 = arith.constant 0 : index
    %get3A_35 = arith.constant 0 : index
    %get3A_36 = vector.load %arg0[%get3A_33, %get3A_34, %get3A_35] : memref<32x256x128xf32, #tpu.memory_space<vmem>>, vector<1x256x128xf32>
    %get3A_37 = vector.shape_cast %get3A_36 : vector<1x256x128xf32> to vector<256x128xf32>
    %max3A_38 = arith.maximumf %max3A_32, %get3A_37 : vector<256x128xf32>
    %get3A_39 = arith.constant 7 : index
    %get3A_40 = arith.constant 0 : index
    %get3A_41 = arith.constant 0 : index
    %get3A_42 = vector.load %arg0[%get3A_39, %get3A_40, %get3A_41] : memref<32x256x128xf32, #tpu.memory_space<vmem>>, vector<1x256x128xf32>
    %get3A_43 = vector.shape_cast %get3A_42 : vector<1x256x128xf32> to vector<256x128xf32>
    %max3A_44 = arith.maximumf %max3A_38, %get3A_43 : vector<256x128xf32>
    %get3A_45 = arith.constant 8 : index
    %get3A_46 = arith.constant 0 : index
    %get3A_47 = arith.constant 0 : index
    %get3A_48 = vector.load %arg0[%get3A_45, %get3A_46, %get3A_47] : memref<32x256x128xf32, #tpu.memory_space<vmem>>, vector<1x256x128xf32>
    %get3A_49 = vector.shape_cast %get3A_48 : vector<1x256x128xf32> to vector<256x128xf32>
    %max3A_50 = arith.maximumf %max3A_44, %get3A_49 : vector<256x128xf32>
    %get3A_51 = arith.constant 9 : index
    %get3A_52 = arith.constant 0 : index
    %get3A_53 = arith.constant 0 : index
    %get3A_54 = vector.load %arg0[%get3A_51, %get3A_52, %get3A_53] : memref<32x256x128xf32, #tpu.memory_space<vmem>>, vector<1x256x128xf32>
    %get3A_55 = vector.shape_cast %get3A_54 : vector<1x256x128xf32> to vector<256x128xf32>
    %max3A_56 = arith.maximumf %max3A_50, %get3A_55 : vector<256x128xf32>
    %get3A_57 = arith.constant 10 : index
    %get3A_58 = arith.constant 0 : index
    %get3A_59 = arith.constant 0 : index
    %get3A_60 = vector.load %arg0[%get3A_57, %get3A_58, %get3A_59] : memref<32x256x128xf32, #tpu.memory_space<vmem>>, vector<1x256x128xf32>
    %get3A_61 = vector.shape_cast %get3A_60 : vector<1x256x128xf32> to vector<256x128xf32>
    %max3A_62 = arith.maximumf %max3A_56, %get3A_61 : vector<256x128xf32>
    %get3A_63 = arith.constant 11 : index
    %get3A_64 = arith.constant 0 : index
    %get3A_65 = arith.constant 0 : index
    %get3A_66 = vector.load %arg0[%get3A_63, %get3A_64, %get3A_65] : memref<32x256x128xf32, #tpu.memory_space<vmem>>, vector<1x256x128xf32>
    %get3A_67 = vector.shape_cast %get3A_66 : vector<1x256x128xf32> to vector<256x128xf32>
    %max3A_68 = arith.maximumf %max3A_62, %get3A_67 : vector<256x128xf32>
    %get3A_69 = arith.constant 12 : index
    %get3A_70 = arith.constant 0 : index
    %get3A_71 = arith.constant 0 : index
    %get3A_72 = vector.load %arg0[%get3A_69, %get3A_70, %get3A_71] : memref<32x256x128xf32, #tpu.memory_space<vmem>>, vector<1x256x128xf32>
    %get3A_73 = vector.shape_cast %get3A_72 : vector<1x256x128xf32> to vector<256x128xf32>
    %max3A_74 = arith.maximumf %max3A_68, %get3A_73 : vector<256x128xf32>
    %get3A_75 = arith.constant 13 : index
    %get3A_76 = arith.constant 0 : index
    %get3A_77 = arith.constant 0 : index
    %get3A_78 = vector.load %arg0[%get3A_75, %get3A_76, %get3A_77] : memref<32x256x128xf32, #tpu.memory_space<vmem>>, vector<1x256x128xf32>
    %get3A_79 = vector.shape_cast %get3A_78 : vector<1x256x128xf32> to vector<256x128xf32>
    %max3A_80 = arith.maximumf %max3A_74, %get3A_79 : vector<256x128xf32>
    %get3A_81 = arith.constant 14 : index
    %get3A_82 = arith.constant 0 : index
    %get3A_83 = arith.constant 0 : index
    %get3A_84 = vector.load %arg0[%get3A_81, %get3A_82, %get3A_83] : memref<32x256x128xf32, #tpu.memory_space<vmem>>, vector<1x256x128xf32>
    %get3A_85 = vector.shape_cast %get3A_84 : vector<1x256x128xf32> to vector<256x128xf32>
    %max3A_86 = arith.maximumf %max3A_80, %get3A_85 : vector<256x128xf32>
    %get3A_87 = arith.constant 15 : index
    %get3A_88 = arith.constant 0 : index
    %get3A_89 = arith.constant 0 : index
    %get3A_90 = vector.load %arg0[%get3A_87, %get3A_88, %get3A_89] : memref<32x256x128xf32, #tpu.memory_space<vmem>>, vector<1x256x128xf32>
    %get3A_91 = vector.shape_cast %get3A_90 : vector<1x256x128xf32> to vector<256x128xf32>
    %max3A_92 = arith.maximumf %max3A_86, %get3A_91 : vector<256x128xf32>
    %get3A_93 = arith.constant 16 : index
    %get3A_94 = arith.constant 0 : index
    %get3A_95 = arith.constant 0 : index
    %get3A_96 = vector.load %arg0[%get3A_93, %get3A_94, %get3A_95] : memref<32x256x128xf32, #tpu.memory_space<vmem>>, vector<1x256x128xf32>
    %get3A_97 = vector.shape_cast %get3A_96 : vector<1x256x128xf32> to vector<256x128xf32>
    %max3A_98 = arith.maximumf %max3A_92, %get3A_97 : vector<256x128xf32>
    %get3A_99 = arith.constant 17 : index
    %get3A_100 = arith.constant 0 : index
    %get3A_101 = arith.constant 0 : index
    %get3A_102 = vector.load %arg0[%get3A_99, %get3A_100, %get3A_101] : memref<32x256x128xf32, #tpu.memory_space<vmem>>, vector<1x256x128xf32>
    %get3A_103 = vector.shape_cast %get3A_102 : vector<1x256x128xf32> to vector<256x128xf32>
    %max3A_104 = arith.maximumf %max3A_98, %get3A_103 : vector<256x128xf32>
    %get3A_105 = arith.constant 18 : index
    %get3A_106 = arith.constant 0 : index
    %get3A_107 = arith.constant 0 : index
    %get3A_108 = vector.load %arg0[%get3A_105, %get3A_106, %get3A_107] : memref<32x256x128xf32, #tpu.memory_space<vmem>>, vector<1x256x128xf32>
    %get3A_109 = vector.shape_cast %get3A_108 : vector<1x256x128xf32> to vector<256x128xf32>
    %max3A_110 = arith.maximumf %max3A_104, %get3A_109 : vector<256x128xf32>
    %get3A_111 = arith.constant 19 : index
    %get3A_112 = arith.constant 0 : index
    %get3A_113 = arith.constant 0 : index
    %get3A_114 = vector.load %arg0[%get3A_111, %get3A_112, %get3A_113] : memref<32x256x128xf32, #tpu.memory_space<vmem>>, vector<1x256x128xf32>
    %get3A_115 = vector.shape_cast %get3A_114 : vector<1x256x128xf32> to vector<256x128xf32>
    %max3A_116 = arith.maximumf %max3A_110, %get3A_115 : vector<256x128xf32>
    %get3A_117 = arith.constant 20 : index
    %get3A_118 = arith.constant 0 : index
    %get3A_119 = arith.constant 0 : index
    %get3A_120 = vector.load %arg0[%get3A_117, %get3A_118, %get3A_119] : memref<32x256x128xf32, #tpu.memory_space<vmem>>, vector<1x256x128xf32>
    %get3A_121 = vector.shape_cast %get3A_120 : vector<1x256x128xf32> to vector<256x128xf32>
    %max3A_122 = arith.maximumf %max3A_116, %get3A_121 : vector<256x128xf32>
    %get3A_123 = arith.constant 21 : index
    %get3A_124 = arith.constant 0 : index
    %get3A_125 = arith.constant 0 : index
    %get3A_126 = vector.load %arg0[%get3A_123, %get3A_124, %get3A_125] : memref<32x256x128xf32, #tpu.memory_space<vmem>>, vector<1x256x128xf32>
    %get3A_127 = vector.shape_cast %get3A_126 : vector<1x256x128xf32> to vector<256x128xf32>
    %max3A_128 = arith.maximumf %max3A_122, %get3A_127 : vector<256x128xf32>
    %get3A_129 = arith.constant 22 : index
    %get3A_130 = arith.constant 0 : index
    %get3A_131 = arith.constant 0 : index
    %get3A_132 = vector.load %arg0[%get3A_129, %get3A_130, %get3A_131] : memref<32x256x128xf32, #tpu.memory_space<vmem>>, vector<1x256x128xf32>
    %get3A_133 = vector.shape_cast %get3A_132 : vector<1x256x128xf32> to vector<256x128xf32>
    %max3A_134 = arith.maximumf %max3A_128, %get3A_133 : vector<256x128xf32>
    %get3A_135 = arith.constant 23 : index
    %get3A_136 = arith.constant 0 : index
    %get3A_137 = arith.constant 0 : index
    %get3A_138 = vector.load %arg0[%get3A_135, %get3A_136, %get3A_137] : memref<32x256x128xf32, #tpu.memory_space<vmem>>, vector<1x256x128xf32>
    %get3A_139 = vector.shape_cast %get3A_138 : vector<1x256x128xf32> to vector<256x128xf32>
    %max3A_140 = arith.maximumf %max3A_134, %get3A_139 : vector<256x128xf32>
    %get3A_141 = arith.constant 24 : index
    %get3A_142 = arith.constant 0 : index
    %get3A_143 = arith.constant 0 : index
    %get3A_144 = vector.load %arg0[%get3A_141, %get3A_142, %get3A_143] : memref<32x256x128xf32, #tpu.memory_space<vmem>>, vector<1x256x128xf32>
    %get3A_145 = vector.shape_cast %get3A_144 : vector<1x256x128xf32> to vector<256x128xf32>
    %max3A_146 = arith.maximumf %max3A_140, %get3A_145 : vector<256x128xf32>
    %get3A_147 = arith.constant 25 : index
    %get3A_148 = arith.constant 0 : index
    %get3A_149 = arith.constant 0 : index
    %get3A_150 = vector.load %arg0[%get3A_147, %get3A_148, %get3A_149] : memref<32x256x128xf32, #tpu.memory_space<vmem>>, vector<1x256x128xf32>
    %get3A_151 = vector.shape_cast %get3A_150 : vector<1x256x128xf32> to vector<256x128xf32>
    %max3A_152 = arith.maximumf %max3A_146, %get3A_151 : vector<256x128xf32>
    %get3A_153 = arith.constant 26 : index
    %get3A_154 = arith.constant 0 : index
    %get3A_155 = arith.constant 0 : index
    %get3A_156 = vector.load %arg0[%get3A_153, %get3A_154, %get3A_155] : memref<32x256x128xf32, #tpu.memory_space<vmem>>, vector<1x256x128xf32>
    %get3A_157 = vector.shape_cast %get3A_156 : vector<1x256x128xf32> to vector<256x128xf32>
    %max3A_158 = arith.maximumf %max3A_152, %get3A_157 : vector<256x128xf32>
    %get3A_159 = arith.constant 27 : index
    %get3A_160 = arith.constant 0 : index
    %get3A_161 = arith.constant 0 : index
    %get3A_162 = vector.load %arg0[%get3A_159, %get3A_160, %get3A_161] : memref<32x256x128xf32, #tpu.memory_space<vmem>>, vector<1x256x128xf32>
    %get3A_163 = vector.shape_cast %get3A_162 : vector<1x256x128xf32> to vector<256x128xf32>
    %max3A_164 = arith.maximumf %max3A_158, %get3A_163 : vector<256x128xf32>
    %get3A_165 = arith.constant 28 : index
    %get3A_166 = arith.constant 0 : index
    %get3A_167 = arith.constant 0 : index
    %get3A_168 = vector.load %arg0[%get3A_165, %get3A_166, %get3A_167] : memref<32x256x128xf32, #tpu.memory_space<vmem>>, vector<1x256x128xf32>
    %get3A_169 = vector.shape_cast %get3A_168 : vector<1x256x128xf32> to vector<256x128xf32>
    %max3A_170 = arith.maximumf %max3A_164, %get3A_169 : vector<256x128xf32>
    %get3A_171 = arith.constant 29 : index
    %get3A_172 = arith.constant 0 : index
    %get3A_173 = arith.constant 0 : index
    %get3A_174 = vector.load %arg0[%get3A_171, %get3A_172, %get3A_173] : memref<32x256x128xf32, #tpu.memory_space<vmem>>, vector<1x256x128xf32>
    %get3A_175 = vector.shape_cast %get3A_174 : vector<1x256x128xf32> to vector<256x128xf32>
    %max3A_176 = arith.maximumf %max3A_170, %get3A_175 : vector<256x128xf32>
    %get3A_177 = arith.constant 30 : index
    %get3A_178 = arith.constant 0 : index
    %get3A_179 = arith.constant 0 : index
    %get3A_180 = vector.load %arg0[%get3A_177, %get3A_178, %get3A_179] : memref<32x256x128xf32, #tpu.memory_space<vmem>>, vector<1x256x128xf32>
    %get3A_181 = vector.shape_cast %get3A_180 : vector<1x256x128xf32> to vector<256x128xf32>
    %max3A_182 = arith.maximumf %max3A_176, %get3A_181 : vector<256x128xf32>
    %get3A_183 = arith.constant 31 : index
    %get3A_184 = arith.constant 0 : index
    %get3A_185 = arith.constant 0 : index
    %get3A_186 = vector.load %arg0[%get3A_183, %get3A_184, %get3A_185] : memref<32x256x128xf32, #tpu.memory_space<vmem>>, vector<1x256x128xf32>
    %get3A_187 = vector.shape_cast %get3A_186 : vector<1x256x128xf32> to vector<256x128xf32>
    %max3A_188 = arith.maximumf %max3A_182, %get3A_187 : vector<256x128xf32>
    %is_finite3A = tpu.weird %max3A_188 : vector<256x128xf32> -> vector<256x128xi1>
    %is_finite3A_189 = arith.constant dense<true> : vector<256x128xi1>
    %is_finite3A_190 = arith.xori %is_finite3A, %is_finite3A_189 : vector<256x128xi1>
    %jit3A = arith.constant 0.000000e+00 : f32
    %broadcast_in_dim3A = vector.broadcast %jit3A : f32 to vector<256x128xf32>
    %select_n3A = arith.select %is_finite3A_190, %max3A_188, %broadcast_in_dim3A : vector<256x128xi1>, vector<256x128xf32>
    %slice3A = vector.extract_strided_slice %select_n3A {offsets = [0, 0], sizes = [256, 4], strides = [1, 1]} : vector<256x128xf32> to vector<256x4xf32>
    %slice3A_191 = vector.extract_strided_slice %select_n3A {offsets = [0, 16], sizes = [256, 4], strides = [1, 1]} : vector<256x128xf32> to vector<256x4xf32>
    %slice3A_192 = vector.extract_strided_slice %select_n3A {offsets = [0, 32], sizes = [256, 4], strides = [1, 1]} : vector<256x128xf32> to vector<256x4xf32>
    %slice3A_193 = vector.extract_strided_slice %select_n3A {offsets = [0, 48], sizes = [256, 4], strides = [1, 1]} : vector<256x128xf32> to vector<256x4xf32>
    %slice3A_194 = vector.extract_strided_slice %select_n3A {offsets = [0, 64], sizes = [256, 4], strides = [1, 1]} : vector<256x128xf32> to vector<256x4xf32>
    %slice3A_195 = vector.extract_strided_slice %select_n3A {offsets = [0, 80], sizes = [256, 4], strides = [1, 1]} : vector<256x128xf32> to vector<256x4xf32>
    %slice3A_196 = vector.extract_strided_slice %select_n3A {offsets = [0, 96], sizes = [256, 4], strides = [1, 1]} : vector<256x128xf32> to vector<256x4xf32>
    %slice3A_197 = vector.extract_strided_slice %select_n3A {offsets = [0, 112], sizes = [256, 4], strides = [1, 1]} : vector<256x128xf32> to vector<256x4xf32>
    %concatenate3A = tpu.concatenate %slice3A, %slice3A_191, %slice3A_192, %slice3A_193, %slice3A_194, %slice3A_195, %slice3A_196, %slice3A_197 in 1 : vector<256x4xf32>, vector<256x4xf32>, vector<256x4xf32>, vector<256x4xf32>, vector<256x4xf32>, vector<256x4xf32>, vector<256x4xf32>, vector<256x4xf32> -> vector<256x32xf32>
    %swap3A = arith.constant 0 : index
    %swap3A_198 = arith.constant 0 : index
    %swap3A_199 = vector.load %arg1[%swap3A, %swap3A_198] : memref<256x32xf32, #tpu.memory_space<vmem>>, vector<256x32xf32>
    tpu.vector_store %arg1[%swap3A, %swap3A_198], %concatenate3A {strides = array<i32>} : memref<256x32xf32, #tpu.memory_space<vmem>>, vector<256x32xf32>,
    return
  }
}

module attributes {stable_mosaic.version = 14 : i64} {
  func.func @_heads_body(%arg0: i32, %arg1: memref<1x2048xf32, #tpu.memory_space<vmem>>, %arg2: memref<2048x1000xf32, #tpu.memory_space<vmem>>, %arg3: memref<1x1000xf32, #tpu.memory_space<vmem>>, %arg4: memref<1x1000xf32, #tpu.memory_space<vmem>>, %arg5: memref<1x1000xf32, #tpu.memory_space<vmem>>) attributes {dimension_semantics = [#tpu.dimension_semantics<arbitrary>], iteration_bounds = array<i64: 21>, scalar_prefetch = 0 : i64, scratch_operands = 1 : i64, tpu.core_type = #tpu.core_type<tc>, window_params = [{transform_indices = @transform_0, window_bounds = array<i64: 1, 2048>}, {transform_indices = @transform_1, window_bounds = array<i64: 2048, 1000>}, {pipeline_mode = #tpu.pipeline_mode<synchronous>, transform_indices = @transform_2, window_bounds = array<i64: 1, 1000>}, {pipeline_mode = #tpu.pipeline_mode<synchronous>, transform_indices = @transform_3, window_bounds = array<i64: 1, 1000>}]} {
    %get3A = arith.constant 0 : index
    %get3A_0 = arith.constant 0 : index
    %get3A_1 = vector.load %arg1[%get3A, %get3A_0] : memref<1x2048xf32, #tpu.memory_space<vmem>>, vector<1x2048xf32>
    %get3A_2 = arith.constant 0 : index
    %get3A_3 = arith.constant 0 : index
    %get3A_4 = vector.load %arg2[%get3A_2, %get3A_3] : memref<2048x1000xf32, #tpu.memory_space<vmem>>, vector<2048x1000xf32>
    %dot_general3A = arith.constant dense<0.000000e+00> : vector<1x1000xf32>
    %dot_general3A_5 = tpu.matmul %get3A_1, %get3A_4, %dot_general3A {dimension_numbers = #tpu.dot_dimension_numbers<[1], [0], [0], [1], [0, 0, 1, 1], [], []>, transpose_lhs_hint = false} : vector<1x2048xf32>, vector<2048x1000xf32>, vector<1x1000xf32> -> vector<1x1000xf32>
    %eq3A = arith.constant 0 : i32
    %eq3A_6 = arith.cmpi eq, %arg0, %eq3A : i32
    %convert_element_type3A = arith.extui %eq3A_6 : i1 to i32
    %cond3A = arith.constant 0 : i32
    %cond3A_7 = arith.cmpi ne, %convert_element_type3A, %cond3A : i32
    scf.if %cond3A_7 {
      %swap3A = arith.constant 0 : index
      %swap3A_17 = arith.constant 0 : index
      %swap3A_18 = vector.load %arg5[%swap3A, %swap3A_17] : memref<1x1000xf32, #tpu.memory_space<vmem>>, vector<1x1000xf32>
      tpu.vector_store %arg5[%swap3A, %swap3A_17], %dot_general3A_5 {strides = array<i32>} : memref<1x1000xf32, #tpu.memory_space<vmem>>, vector<1x1000xf32>,
    } else {
    }
    %gt3A = arith.constant 0 : i32
    %gt3A_8 = arith.cmpi sgt, %arg0, %gt3A : i32
    %convert_element_type3A_9 = arith.extui %gt3A_8 : i1 to i32
    %cond3A_10 = arith.constant 0 : i32
    %cond3A_11 = arith.cmpi ne, %convert_element_type3A_9, %cond3A_10 : i32
    scf.if %cond3A_11 {
      %get3A_17 = arith.constant 0 : index
      %get3A_18 = arith.constant 0 : index
      %get3A_19 = vector.load %arg5[%get3A_17, %get3A_18] : memref<1x1000xf32, #tpu.memory_space<vmem>>, vector<1x1000xf32>
      %add3A = arith.addf %get3A_19, %dot_general3A_5 : vector<1x1000xf32>
      %swap3A = arith.constant 0 : index
      %swap3A_20 = arith.constant 0 : index
      %swap3A_21 = vector.load %arg5[%swap3A, %swap3A_20] : memref<1x1000xf32, #tpu.memory_space<vmem>>, vector<1x1000xf32>
      tpu.vector_store %arg5[%swap3A, %swap3A_20], %add3A {strides = array<i32>} : memref<1x1000xf32, #tpu.memory_space<vmem>>, vector<1x1000xf32>,
    } else {
    }
    %eq3A_12 = arith.constant 20 : i32
    %eq3A_13 = arith.cmpi eq, %arg0, %eq3A_12 : i32
    %convert_element_type3A_14 = arith.extui %eq3A_13 : i1 to i32
    %cond3A_15 = arith.constant 0 : i32
    %cond3A_16 = arith.cmpi ne, %convert_element_type3A_14, %cond3A_15 : i32
    scf.if %cond3A_16 {
      %get3A_17 = arith.constant 0 : index
      %get3A_18 = arith.constant 0 : index
      %get3A_19 = vector.load %arg5[%get3A_17, %get3A_18] : memref<1x1000xf32, #tpu.memory_space<vmem>>, vector<1x1000xf32>
      %get3A_20 = arith.constant 0 : index
      %get3A_21 = arith.constant 0 : index
      %get3A_22 = vector.load %arg3[%get3A_20, %get3A_21] : memref<1x1000xf32, #tpu.memory_space<vmem>>, vector<1x1000xf32>
      %add3A = arith.addf %get3A_19, %get3A_22 : vector<1x1000xf32>
      %reduce_max3A = arith.constant dense<0xFF800000> : vector<1xf32>
      %reduce_max3A_23 = vector.multi_reduction <maximumf>, %add3A, %reduce_max3A [1] : vector<1x1000xf32> to vector<1xf32>
      %broadcast_in_dim3A = vector.shape_cast %reduce_max3A_23 : vector<1xf32> to vector<1x1xf32>
      %sub3A = vector.broadcast %broadcast_in_dim3A : vector<1x1xf32> to vector<1x1000xf32>
      %sub3A_24 = arith.subf %add3A, %sub3A : vector<1x1000xf32>
      %exp3A = math.exp %sub3A_24 : vector<1x1000xf32>
      %reduce_sum3A = arith.constant dense<0.000000e+00> : vector<1xf32>
      %reduce_sum3A_25 = vector.multi_reduction <add>, %exp3A, %reduce_sum3A [1] : vector<1x1000xf32> to vector<1xf32>
      %broadcast_in_dim3A_26 = vector.shape_cast %reduce_sum3A_25 : vector<1xf32> to vector<1x1xf32>
      %div3A = vector.broadcast %broadcast_in_dim3A_26 : vector<1x1xf32> to vector<1x1000xf32>
      %div3A_27 = arith.divf %exp3A, %div3A : vector<1x1000xf32>
      %swap3A = arith.constant 0 : index
      %swap3A_28 = arith.constant 0 : index
      %swap3A_29 = vector.load %arg4[%swap3A, %swap3A_28] : memref<1x1000xf32, #tpu.memory_space<vmem>>, vector<1x1000xf32>
      tpu.vector_store %arg4[%swap3A, %swap3A_28], %div3A_27 {strides = array<i32>} : memref<1x1000xf32, #tpu.memory_space<vmem>>, vector<1x1000xf32>,
    } else {
    }
    return
  }
  func.func @transform_0(%arg0: i32) -> (i32, i32) {
    %c0_i32 = arith.constant 0 : i32
    %c0_i32_0 = arith.constant 0 : i32
    return %c0_i32, %arg0 : i32, i32
  }
  func.func @transform_1(%arg0: i32) -> (i32, i32) {
    %c0_i32 = arith.constant 0 : i32
    %c0_i32_0 = arith.constant 0 : i32
    return %arg0, %c0_i32 : i32, i32
  }
  func.func @transform_2(%arg0: i32) -> (i32, i32) {
    %c0_i32 = arith.constant 0 : i32
    %c0_i32_0 = arith.constant 0 : i32
    %c0_i32_1 = arith.constant 0 : i32
    return %c0_i32, %c0_i32_0 : i32, i32
  }
  func.func @transform_3(%arg0: i32) -> (i32, i32) {
    %c0_i32 = arith.constant 0 : i32
    %c0_i32_0 = arith.constant 0 : i32
    %c0_i32_1 = arith.constant 0 : i32
    return %c0_i32, %c0_i32_0 : i32, i32
  }
}

</mosaic_0001>

<sc_bundles>
// kernel: kernel.11.cloned.1.call-start
scs
__scs_entry_jumppad:
0x0: {  	(pc) =	sbr.rel $0x88, $3  }
0x1: {  	(tag) =	ssettag $0x0;
	lr =	simm.s32 $0x1  }
0x2: {  	[smem:$0x3F90] =	sst lr;
	_ =	strace $0xD0000000  }
0x3: {  	_ = 	snop  }
0x4: {  	_ = 	snop  }
0x5: {  	_ = 	snop  }
0x6: {  	_ = 	snop  }
0x7: {  	_ = 	snop  }
__scs_overlays_trampoline_lowered:
0x8: {  	[smem:$0x3F9F] =	sst s0  }
0x9: {  	[smem:$0x3FA0] =	sst s1  }
0xa: {  	[smem:$0x3FA1] =	sst s2  }
0xb: {  	[smem:$0x3FA2] =	sst s3  }
0xc: {  	[smem:$0x3FA3] =	sst s4  }
0xd: {  	[smem:$0x3FA4] =	sst s5  }
0xe: {  	[smem:$0x3FA5] =	sst s6  }
0xf: {  	[smem:$0x3FA6] =	sst s7  }
0x10: {  	[smem:$0x3FA7] =	sst s8  }
0x11: {  	[smem:$0x3FA8] =	sst s9;
	s0 =	simm.s32 @!p0 $0x0  }
0x12: {  	s1 =	sld [smem:$0x3F8E];
	s0 =	simm.s32 @p0 $0x1  }
0x13: {  	[smem:$0x3FA9] =	sst s0;
	s0 =	simm.s32 @!p1 $0x0  }
0x14: {  	s2 =	sld [smem:$0x3F8D];
	s0 =	simm.s32 @p1 $0x1  }
0x15: {  	[smem:$0x3FAA] =	sst s0;
	s0 =	simm.s32 @!p2 $0x0  }
0x16: {  	s3 =	sld [smem:$0x3FDB];
	s0 =	simm.s32 @p2 $0x1  }
0x17: {  	s4 =	simm.s32 $0x1BF5;
	[smem:$0x3FAC] =	sst s0  }
0x18: {  	s0 =	sld [smem:$0x3F8F];
	_ =	swait.ge [sflag:s4], $0x0  }
0x19: {  	s7 =	sld [smem:$0x3F90]  }
0x1a: {  	s8 =	sadd.s32 $0xFFFFE003, lr  }
0x1b: {  	s9 =	sadd.s32 $0xFFFFFEF7, lr;
	s5 =	simm.s32 $0xFFFFFFFF;
	p2 =	slt.u32 s8, $0xFFFFF086  }
0x1c: {  	p1 =	slt.u32 s9, $0xF7A;
	s5 =	simm.s32 @!p2 $0x0  }
0x1d: {  	s5 =	simm.s32 @p1 $0x1;
	p0 =	seq.s32 s7, s2  }
0x1e: {  	s7 =	smul.u32 @!p0 $0xF7A, s2;
	p2 =	seq.s32 @!p0 s5, $0x0  }
0x1f: {  	s9 =	smul.u32 $0xF7A, s1;
	s8 =	simm.s32 @!p0 $0x1BF5;
	p2 =	por !p2, p0  }
0x20: {  	[sflag:s8] =	ssyncset.s32 @!p0 $0xFFFFF086;
	s6 =	sadd.s32 @!p0 s3, s7;
	s7 =	simm.s32 @!p0 $0x108  }
0x21: {  	s3 =	sadd.s32 s3, s9;
	s6 =	sadd.s32 @!p0 $0x88, s6;
	s7 =	simm.s32 @p2 $0x1082  }
0x22: {  	[simem:s7], [sflag:s8] =	dma.local @!p0 [hbm:s6], $0xF7A  }
0x23: {  	s9 =	sor.u32 $0xD0000000, s2;
	s6 =	simm.s32 $0x108;
	_ =	swait.ge @!p0 [sflag:s8], $0x0  }
0x24: {  	s3 =	sadd.s32 $0x88, s3;
	s6 =	simm.s32 @!p1 $0x1082;
	[sflag:s4] =	ssyncset.s32 $0xFFFFF086  }
0x25: {  	[simem:s6], [sflag:s4] =	dma.local [hbm:s3], $0xF7A  }
0x26: {  	[smem:$0x3F90] =	sst s1;
	(tag) =	ssettag s2;
	_ =	strace s9  }
0x27: {  	s1 =	sld [smem:$0x3FA0]  }
0x28: {  	s2 =	sld [smem:$0x3FA1]  }
0x29: {  	s4 =	sld [smem:$0x3FA3]  }
0x2a: {  	p0 =	seq.s32 s5, $0x0;
	s5 =	sld [smem:$0x3FA4]  }
0x2b: {  	s6 =	sld [smem:$0x3FA5]  }
0x2c: {  	s7 =	sld [smem:$0x3FA6]  }
0x2d: {  	s3 =	simm.s32 $0x108;
	s8 =	sld [smem:$0x3FA7]  }
0x2e: {  	s3 =	simm.s32 @!p0 $0x1082;
	s9 =	sld [smem:$0x3FA8]  }
0x2f: {  	lr =	sadd.s32 s0, s3;
	s0 =	sld [smem:$0x3F9F]  }
0x30: {  	s3 =	sld [smem:$0x3FA2]  }
0x31: {  	[smem:$0x3FAB] =	sst s10  }
0x32: {  	s10 =	sld [smem:$0x3FA9];
	_ =	sdelay $0x3  }
0x33: {  	p0 =	seq.s32 s10, $0x1;
	s10 =	sld [smem:$0x3FAB];
	_ =	sdelay $0x3  }
0x34: {  	[smem:$0x3FAB] =	sst s10  }
0x35: {  	s10 =	sld [smem:$0x3FAA];
	_ =	sdelay $0x3  }
0x36: {  	p1 =	seq.s32 s10, $0x1;
	s10 =	sld [smem:$0x3FAB];
	_ =	sdelay $0x3  }
0x37: {  	[smem:$0x3FAB] =	sst s10  }
0x38: {  	s10 =	sld [smem:$0x3FAC]  }
0x39: {  	_ = 	snop;
	(pc) =	sbr.ind lr, $3  }
0x3a: {  	_ = 	snop  }
0x3b: {  	_ = 	snop  }
0x3c: {  	p2 =	seq.s32 s10, $0x1;
	s10 =	sld [smem:$0x3FAB]  }
0x3d: {  	_ =	shalt  }
0x3e: {  	_ =	shalt  }
0x3f: {  	_ =	shalt  }
0x40: {  	_ =	shalt  }
0x41: {  	_ =	shalt  }
0x42: {  	_ =	shalt  }
0x43: {  	_ =	shalt  }
0x44: {  	_ =	shalt  }
0x45: {  	_ =	shalt  }
0x46: {  	_ =	shalt  }
0x47: {  	_ =	shalt  }
0x48: {  	_ =	shalt  }
0x49: {  	_ =	shalt  }
0x4a: {  	_ =	shalt  }
0x4b: {  	_ =	shalt  }
0x4c: {  	_ =	shalt  }
0x4d: {  	_ =	shalt  }
0x4e: {  	_ =	shalt  }
0x4f: {  	_ =	shalt  }
0x50: {  	_ =	shalt  }
0x51: {  	_ =	shalt  }
0x52: {  	_ =	shalt  }
0x53: {  	_ =	shalt  }
0x54: {  	_ =	shalt  }
0x55: {  	_ =	shalt  }
0x56: {  	_ =	shalt  }
0x57: {  	_ =	shalt  }
0x58: {  	_ =	shalt  }
0x59: {  	_ =	shalt  }
0x5a: {  	_ =	shalt  }
0x5b: {  	_ =	shalt  }
0x5c: {  	_ =	shalt  }
0x5d: {  	_ =	shalt  }
0x5e: {  	_ =	shalt  }
0x5f: {  	_ =	shalt  }
0x60: {  	_ =	shalt  }
0x61: {  	_ =	shalt  }
0x62: {  	_ =	shalt  }
0x63: {  	_ =	shalt  }
0x64: {  	_ =	shalt  }
0x65: {  	_ =	shalt  }
0x66: {  	_ =	shalt  }
0x67: {  	_ =	shalt  }
0x68: {  	_ =	shalt  }
0x69: {  	_ =	shalt  }
0x6a: {  	_ =	shalt  }
0x6b: {  	_ =	shalt  }
0x6c: {  	_ =	shalt  }
0x6d: {  	_ =	shalt  }
0x6e: {  	_ =	shalt  }
0x6f: {  	_ =	shalt  }
0x70: {  	_ =	shalt  }
0x71: {  	_ =	shalt  }
0x72: {  	_ =	shalt  }
0x73: {  	_ =	shalt  }
0x74: {  	_ =	shalt  }
0x75: {  	_ =	shalt  }
0x76: {  	_ =	shalt  }
0x77: {  	_ =	shalt  }
0x78: {  	_ =	shalt  }
0x79: {  	_ =	shalt  }
0x7a: {  	_ =	shalt  }
0x7b: {  	_ =	shalt  }
0x7c: {  	_ =	shalt  }
0x7d: {  	_ =	shalt  }
0x7e: {  	_ =	shalt  }
0x7f: {  	_ =	shalt  }
0x80: {  	_ =	shalt  }
0x81: {  	_ =	shalt  }
0x82: {  	_ =	shalt  }
0x83: {  	_ =	shalt  }
0x84: {  	_ =	shalt  }
0x85: {  	_ =	shalt  }
0x86: {  	_ =	shalt  }
0x87: {  	_ =	shalt  }
.Lfunc_end0:
.L_simem_size_0:
called_computation.1_lowered:
.L_overlay_start_0:
0x88: {  	s2 =	sld [smem:$0x3FD9]  }
0x89: {  	s3 =	sld [smem:$0x3FFE];
	_ =	sdelay $0x1  }
0x8a: {  	s1 =	srdreg.scid  }
0x8b: {  	s0 =	sand.u32 $0x1, s1  }
0x8c: {  	s16 =	sshll.u32 s0, $0xA;
	s2 =	sadd.s32 s3, s2  }
0x8d: {  	s2 =	sadd.s32 s2, s16  }
0x8e: {  	[smem:$0x3FB7] =	sst s2  }
0x8f: {  	_ = 	snop  }
0x90: {  	(tm) =	ssettm $0x1  }
0x91: {  	s17 =	sld [smem:$0x3FFB];
	_ =	sdelay $0x3  }
0x92: {  	_ =	strace s17  }
0x93: {  	s2 =	sld [smem:$0x3FFC];
	_ =	sdelay $0x3  }
0x94: {  	_ =	strace s2  }
0x95: {  	s2 =	sld [smem:$0x3FFD];
	_ =	sdelay $0x3  }
0x96: {  	_ =	strace s2  }
0x97: {  	_ =	strace $0x8FFFFFFF  }
0x98: {  	s18 =	sld [smem:$0x3FDB];
	_ =	sdelay $0x1  }
0x99: {  	s19 =	simm.s32 $_scs_section_size  }
0x9a: {  	s4 =	simm.s32 $_size__tile_overlayer_lowered;
	s5 =	simm.s32 $_tile_overlayer_lowered  }
0x9b: {  	s22 =	simm.s32 $0x1BFF;
	s21 =	sshll.u32 s5, $0x1;
	s2 =	sadd.s32 s19, s18  }
0x9c: {  	s6 =	simm.s32 $0x0;
	s20 =	sshll.u32 s4, $0x1;
	s4 =	sadd.s32 s21, s2  }
0x9d: {  	[timem:s6], [sflag:s22] =	dma.local [hbm:s4], s20  }
0x9e: {  	_ =	swait.ge [sflag:s22], s20  }
0x9f: {  	s3 =	ssub.s32 $0x0, s20;
	[sflag:s22] =	ssyncset.done $0x0  }
0xa0: {  	[sflag:s22] =	ssyncadd.s32 s3;
	_ =	sdelay $0x1  }
0xa1: {  	s23 =	simm.s32 $0x1B8B  }
0xa2: {  	_ =	swait.ge [sflag:s23], $0x1  }
0xa3: {  	[sflag:s23] =	ssyncset.done $0x0  }
0xa4: {  	s25 =	simm.s32 $0x1B8E;
	s24 =	sld [smem:$0x3FFE];
	[sflag:s23] =	ssyncadd.s32 $0xFFFFFFFF  }
0xa5: {  	s26 =	simm.s32 $execute0_lowered;
	[smem:$0x3FD2] =	sst s25  }
0xa6: {  	s4 =	sshll.u32 s26, $0x1;
	_ =	strace $0x80000049;
	[dreg:$0x1] =	wrdreg $0xFFFFFFFF  }
0xa7: {  	s28 =	simm.s32 $_size_execute0_lowered;
	s2 =	sadd.s32 s2, s4;
	[dreg:$0x0] =	wrdreg $0x0  }
0xa8: {  	s4 =	sshll.u32 s28, $0x1;
	[dreg:$0x2] =	wrdreg s2  }
0xa9: {  	[dreg:$0x3] =	wrdreg s4  }
0xaa: {  	[dreg:$0x4] =	wrdreg $0xC0  }
0xab: {  	_ =	task [dreg:s6], $0x5FFFF  }
0xac: {  	[dreg:$0x1] =	wrdreg $0xFFFFFFFF  }
0xad: {  	[dreg:$0x0] =	wrdreg $0x60  }
0xae: {  	[dreg:$0x2] =	wrdreg s24  }
0xaf: {  	[dreg:$0x3] =	wrdreg $0x9  }
0xb0: {  	_ =	task.clear_ibuf [dreg:s6], $0x4FFFF;
	_ =	strace $0x90000049  }
0xb1: {  	s29 =	simm.s32 $0x9;
	_ =	strace $0x8000004B  }
0xb2: {  	_ =	swait.ge [sflag:s29], $0x1  }
0xb3: {  	[sflag:s29] =	ssyncadd.s32 $0xFFFFFFFF  }
0xb4: {  	_ =	strace $0x9000004B  }
0xb5: {  	_ =	sfence  }
0xb6: {  	s30 =	sld [smem:$0x0];
	_ =	sdelay $0x2  }
0xb7: {  	s31 =	sshll.u32 s1, $0xD;
	s1 =	sshrl.u32 s1, $0x2  }
0xb8: {  	s3 =	sand.u32 $0x4000, s31;
	s1 =	sadd.s32 s1, s30  }
0xb9: {  	s0 =	sor.u32 s3, s0;
	s1 =	sshll.u32 s1, $0x11  }
0xba: {  	s0 =	sor.u32 s1, s0  }
0xbb: {  	s0 =	sadd.s32 $0x8F2B, s0  }
0xbc: {  	[sflag:s0] =	ssyncadd.remote.s32 $0x1  }
0xbd: {  	_ =	sfence.sel $0xFFFF  }
0xbe: {  	[dreg:$0x0] =	wrdreg $0xFFFFFFFF;
	(pc) =	sbr.abs _section_cstart, $3  }
0xbf: {  	[dreg:$0x1] =	wrdreg $0xFFFFFFFF  }
0xc0: {  	_ =	task.clear_ibuf [dreg:s6], $0x2FFFF;
	_ =	strace $0x9FFFFFFF  }
0xc1: {  	(tm) =	ssettm $0x7FFFFFFF  }
tec
execute0_lowered:
.L_overlay_start_1:
0x0: {  	(tag) =	ssettag $0x1  }
0x1: {  	s1 =	srdreg.scid  }
0x2: {  	s0 =	stileid.u32;
	s4 =	rddreg [dreg:$0x0];
	s2 =	simm.s32 $0x0  }
0x3: {  	s10 =	simm.s32 $0x4000;
	s3 =	sand.u32 $0x1, s1;
	s1 =	rddreg [dreg:$0x1]  }
0x4: {  	s11 =	simm.s32 $0x0;
	s5 =	sshll.u32 s0, $0x1;
	[smem:$0x7FF] =	sst s2  }
0x5: {  	s5 =	sor.u32 s3, s5;
	_ =	strace $0x8000004A;
	s8 =	ssub.s32 $0x2, s3  }
0x6: {  	s3 =	sadd.s32 $0x1600, s4;
	s6 =	sshll.u32 s5, $0xB;
	s7 =	sshll.u32 s5, $0x7  }
0x7: {  	s5 =	sshll.u32 s5, $0xC;
	s31 =	sshrl.u32 s8, $0x1;
	s6 =	sadd.s32 s6, s4  }
0x8: {  	s7 =	sadd.s32 s7, s4;
	s9 =	sadd.s32 s5, s4;
	s8 =	ssub.s32 s8, s31  }
0x9: {  	s4 =	sadd.s32 $0x3600, s6;
	s5 =	sadd.s32 $0x2600, s7;
	s6 =	sadd.s32 $0x13600, s9  }
0xa: {  	s7 =	smax.u32 s8, $0x1;
	s8 =	simm.s32 $0x4400;
	s9 =	simm.s32 $0x1  }
.LBB2_1:
0xb: {  	[tilespmem:s8], [sflag:$0x1] =	stream.linear.gather [hbm4b:s3+s2], $0x8000, $0x38;
	[tilespmem:$0xC400] =	vst v63  }
0xc: {  	_ =	swait.ge [sflag:s9], $0x8000  }
0xd: {  	[sflag:s9] =	ssyncset.done $0x0  }
0xe: {  	[sflag:s9] =	ssyncadd.s32 $0xFFFF8000  }
0xf: {  	[tilespmem:s2], [sflag:$0x1] =	stream.linear.gather [hbm4b:s4+s2], $0x4000, $0x38;
	[tilespmem:$0xC400] =	vst v63  }
0x10: {  	_ =	swait.ge [sflag:s9], $0x4000  }
0x11: {  	[sflag:s9] =	ssyncset.done $0x0  }
0x12: {  	[sflag:s9] =	ssyncadd.s32 $0xFFFFC000  }
0x13: {  	[tilespmem:s10], [sflag:$0x1] =	stream.linear.gather [hbm4b:s5+s2], $0x400, $0x38;
	[tilespmem:$0xC400] =	vst v63  }
0x14: {  	_ =	swait.ge [sflag:s9], $0x400  }
0x15: {  	[sflag:s9] =	ssyncset.done $0x0  }
0x16: {  	s12 =	sand.u32 $0x3F0, s2;
	[sflag:s9] =	ssyncadd.s32 $0xFFFFFC00  }
0x17: {  	v0 =	vld [tilespmem:s12+$0x4000];
	_ =	sdelay $0x4  }
0x18: {  	v0 =	vshll.u32 v0, $0x4  }
0x19: {  	v0 =	vadd.s32 $0x4400, v0  }
0x1a: {  	(v2sf) =	vpush v0, $0x0;
	_ =	sdelay $0x7  }
0x1b: {  	(v2sf) =	vpush v0, $0x1;
	_ =	sdelay $0x5  }
0x1c: {  	s12 =	simm.s32 $0x80  }
0x1d: {  	v1 =	vld [tilespmem:s12+$0xFFFFFF80];
	s13 =	spop (v2sf)  }
0x1e: {  	(v2sf) =	vpush v0, $0x2;
	v2 =	vld [tilespmem:s13+$0x0];
	_ =	sdelay $0x4  }
0x1f: {  	v1 =	vmax.f32 v2, v1  }
0x20: {  	[tilespmem:s13+$0x0] =	vst v1  }
0x21: {  	s19 =	spop (v2sf);
	v1 =	vld [tilespmem:s12+$0xFFFFFF90]  }
0x22: {  	(v2sf) =	vpush v0, $0x3;
	v51 =	vld [tilespmem:s19+$0x0];
	_ =	sdelay $0x4  }
0x23: {  	v1 =	vmax.f32 v51, v1  }
0x24: {  	[tilespmem:s19+$0x0] =	vst v1  }
0x25: {  	s20 =	spop (v2sf);
	v1 =	vld [tilespmem:s12+$0xFFFFFFA0]  }
0x26: {  	(v2sf) =	vpush v0, $0x4;
	v52 =	vld [tilespmem:s20+$0x0];
	_ =	sdelay $0x4  }
0x27: {  	v1 =	vmax.f32 v52, v1  }
0x28: {  	[tilespmem:s20+$0x0] =	vst v1  }
0x29: {  	s21 =	spop (v2sf);
	v1 =	vld [tilespmem:s12+$0xFFFFFFB0]  }
0x2a: {  	(v2sf) =	vpush v0, $0x5;
	v53 =	vld [tilespmem:s21+$0x0];
	_ =	sdelay $0x4  }
0x2b: {  	v1 =	vmax.f32 v53, v1  }
0x2c: {  	[tilespmem:s21+$0x0] =	vst v1  }
0x2d: {  	s22 =	spop (v2sf);
	v1 =	vld [tilespmem:s12+$0xFFFFFFC0]  }
0x2e: {  	(v2sf) =	vpush v0, $0x6;
	v54 =	vld [tilespmem:s22+$0x0];
	_ =	sdelay $0x4  }
0x2f: {  	v1 =	vmax.f32 v54, v1  }
0x30: {  	[tilespmem:s22+$0x0] =	vst v1  }
0x31: {  	s23 =	spop (v2sf);
	v1 =	vld [tilespmem:s12+$0xFFFFFFD0]  }
0x32: {  	(v2sf) =	vpush v0, $0x7;
	v55 =	vld [tilespmem:s23+$0x0];
	_ =	sdelay $0x4  }
0x33: {  	v1 =	vmax.f32 v55, v1  }
0x34: {  	[tilespmem:s23+$0x0] =	vst v1  }
0x35: {  	s24 =	spop (v2sf);
	v1 =	vld [tilespmem:s12+$0xFFFFFFE0]  }
0x36: {  	(v2sf) =	vpush v0, $0x8;
	v56 =	vld [tilespmem:s24+$0x0];
	_ =	sdelay $0x4  }
0x37: {  	v1 =	vmax.f32 v56, v1  }
0x38: {  	[tilespmem:s24+$0x0] =	vst v1  }
0x39: {  	s25 =	spop (v2sf);
	v1 =	vld [tilespmem:s12+$0xFFFFFFF0]  }
0x3a: {  	(v2sf) =	vpush v0, $0x9;
	v57 =	vld [tilespmem:s25+$0x0];
	_ =	sdelay $0x4  }
0x3b: {  	v1 =	vmax.f32 v57, v1  }
0x3c: {  	[tilespmem:s25+$0x0] =	vst v1  }
0x3d: {  	s26 =	spop (v2sf);
	v1 =	vld [tilespmem:s12+$0x0]  }
0x3e: {  	(v2sf) =	vpush v0, $0xA;
	v58 =	vld [tilespmem:s26+$0x0];
	_ =	sdelay $0x4  }
0x3f: {  	v1 =	vmax.f32 v58, v1  }
0x40: {  	[tilespmem:s26+$0x0] =	vst v1  }
0x41: {  	s28 =	spop (v2sf);
	v1 =	vld [tilespmem:s12+$0x10]  }
0x42: {  	(v2sf) =	vpush v0, $0xB;
	v59 =	vld [tilespmem:s28+$0x0];
	_ =	sdelay $0x4  }
0x43: {  	v1 =	vmax.f32 v59, v1  }
0x44: {  	[tilespmem:s28+$0x0] =	vst v1  }
0x45: {  	s29 =	spop (v2sf);
	v1 =	vld [tilespmem:s12+$0x20]  }
0x46: {  	(v2sf) =	vpush v0, $0xC;
	v60 =	vld [tilespmem:s29+$0x0];
	_ =	sdelay $0x4  }
0x47: {  	v1 =	vmax.f32 v60, v1  }
0x48: {  	[tilespmem:s29+$0x0] =	vst v1  }
0x49: {  	s30 =	spop (v2sf);
	v1 =	vld [tilespmem:s12+$0x30]  }
0x4a: {  	(v2sf) =	vpush v0, $0xD;
	v61 =	vld [tilespmem:s30+$0x0];
	_ =	sdelay $0x4  }
0x4b: {  	v1 =	vmax.f32 v61, v1  }
0x4c: {  	[tilespmem:s30+$0x0] =	vst v1  }
0x4d: {  	s31 =	spop (v2sf);
	(v2sf) =	vpush v0, $0xE;
	v1 =	vld [tilespmem:s12+$0x40]  }
0x4e: {  	v62 =	vld [tilespmem:s31+$0x0];
	_ =	sdelay $0x4  }
0x4f: {  	v1 =	vmax.f32 v62, v1  }
0x50: {  	[tilespmem:s31+$0x0] =	vst v1  }
0x51: {  	s14 =	spop (v2sf);
	v1 =	vld [tilespmem:s12+$0x50]  }
0x52: {  	(v2sf) =	vpush v0, $0xF;
	v63 =	vld [tilespmem:s14+$0x0];
	_ =	sdelay $0x4  }
0x53: {  	v1 =	vmax.f32 v63, v1  }
0x54: {  	s13 =	simm.s32 $0x10;
	s15 =	spop (v2sf);
	[tilespmem:s14+$0x0] =	vst v1;
	s14 =	simm.s32 $0x80  }
.LBB2_2:
0x55: {  	p0 =	sne.s32 s13, $0x3F0  }
0x56: {  	v0 =	vld [tilespmem:s12+$0x60];
	s14 =	sadd.s32 $0x100, s14;
	s16 =	smov.u32 s13;
	s13 =	sadd.s32 $0x10, s13  }
0x57: {  	v1 =	vld [tilespmem:s15+$0x0];
	_ =	sdelay $0x4  }
0x58: {  	v0 =	vmax.f32 v1, v0  }
0x59: {  	[tilespmem:s15+$0x0] =	vst v0;
	s15 =	spop (v2sf)  }
0x5a: {  	v0 =	vld [tilespmem:s12+$0x70];
	s12 =	smov.u32 s14  }
0x5b: {  	v1 =	vld [tilespmem:s15+$0x0];
	_ =	sdelay $0x4  }
0x5c: {  	v0 =	vmax.f32 v1, v0  }
0x5d: {  	s16 =	sand.u32 $0x3F0, s16;
	[tilespmem:s15+$0x0] =	vst v0  }
0x5e: {  	v0 =	vld [tilespmem:s16+$0x4000];
	_ =	sdelay $0x4  }
0x5f: {  	v0 =	vshll.u32 v0, $0x4  }
0x60: {  	v0 =	vadd.s32 $0x4400, v0  }
0x61: {  	(v2sf) =	vpush v0, $0x0;
	_ =	sdelay $0x6  }
0x62: {  	(v2sf) =	vpush v0, $0x1;
	_ =	sdelay $0x7  }
0x63: {  	v1 =	vld [tilespmem:s14+$0xFFFFFF80];
	s15 =	spop (v2sf);
	(v2sf) =	vpush v0, $0x2  }
0x64: {  	v2 =	vld [tilespmem:s15+$0x0];
	_ =	sdelay $0x4  }
0x65: {  	v1 =	vmax.f32 v2, v1  }
0x66: {  	[tilespmem:s15+$0x0] =	vst v1;
	s15 =	spop (v2sf)  }
0x67: {  	v1 =	vld [tilespmem:s14+$0xFFFFFF90];
	(v2sf) =	vpush v0, $0x3  }
0x68: {  	v2 =	vld [tilespmem:s15+$0x0];
	_ =	sdelay $0x4  }
0x69: {  	v1 =	vmax.f32 v2, v1  }
0x6a: {  	[tilespmem:s15+$0x0] =	vst v1;
	s15 =	spop (v2sf)  }
0x6b: {  	v1 =	vld [tilespmem:s14+$0xFFFFFFA0];
	(v2sf) =	vpush v0, $0x4  }
0x6c: {  	v2 =	vld [tilespmem:s15+$0x0];
	_ =	sdelay $0x4  }
0x6d: {  	v1 =	vmax.f32 v2, v1  }
0x6e: {  	[tilespmem:s15+$0x0] =	vst v1;
	s15 =	spop (v2sf)  }
0x6f: {  	v1 =	vld [tilespmem:s14+$0xFFFFFFB0];
	(v2sf) =	vpush v0, $0x5  }
0x70: {  	v2 =	vld [tilespmem:s15+$0x0];
	_ =	sdelay $0x4  }
0x71: {  	v1 =	vmax.f32 v2, v1  }
0x72: {  	[tilespmem:s15+$0x0] =	vst v1;
	s15 =	spop (v2sf)  }
0x73: {  	v1 =	vld [tilespmem:s14+$0xFFFFFFC0];
	(v2sf) =	vpush v0, $0x6  }
0x74: {  	v2 =	vld [tilespmem:s15+$0x0];
	_ =	sdelay $0x4  }
0x75: {  	v1 =	vmax.f32 v2, v1  }
0x76: {  	[tilespmem:s15+$0x0] =	vst v1;
	s15 =	spop (v2sf)  }
0x77: {  	v1 =	vld [tilespmem:s14+$0xFFFFFFD0];
	(v2sf) =	vpush v0, $0x7  }
0x78: {  	v2 =	vld [tilespmem:s15+$0x0];
	_ =	sdelay $0x4  }
0x79: {  	v1 =	vmax.f32 v2, v1  }
0x7a: {  	[tilespmem:s15+$0x0] =	vst v1;
	s15 =	spop (v2sf)  }
0x7b: {  	v1 =	vld [tilespmem:s14+$0xFFFFFFE0];
	(v2sf) =	vpush v0, $0x8  }
0x7c: {  	v2 =	vld [tilespmem:s15+$0x0];
	_ =	sdelay $0x4  }
0x7d: {  	v1 =	vmax.f32 v2, v1  }
0x7e: {  	[tilespmem:s15+$0x0] =	vst v1;
	s15 =	spop (v2sf)  }
0x7f: {  	v1 =	vld [tilespmem:s14+$0xFFFFFFF0];
	(v2sf) =	vpush v0, $0x9  }
0x80: {  	v2 =	vld [tilespmem:s15+$0x0];
	_ =	sdelay $0x4  }
0x81: {  	v1 =	vmax.f32 v2, v1  }
0x82: {  	[tilespmem:s15+$0x0] =	vst v1;
	s15 =	spop (v2sf)  }
0x83: {  	v1 =	vld [tilespmem:s14+$0x0];
	(v2sf) =	vpush v0, $0xA  }
0x84: {  	v2 =	vld [tilespmem:s15+$0x0];
	_ =	sdelay $0x4  }
0x85: {  	v1 =	vmax.f32 v2, v1  }
0x86: {  	[tilespmem:s15+$0x0] =	vst v1;
	s15 =	spop (v2sf)  }
0x87: {  	v1 =	vld [tilespmem:s14+$0x10];
	(v2sf) =	vpush v0, $0xB  }
0x88: {  	v2 =	vld [tilespmem:s15+$0x0];
	_ =	sdelay $0x4  }
0x89: {  	v1 =	vmax.f32 v2, v1  }
0x8a: {  	[tilespmem:s15+$0x0] =	vst v1;
	s15 =	spop (v2sf)  }
0x8b: {  	v1 =	vld [tilespmem:s14+$0x20];
	(v2sf) =	vpush v0, $0xC  }
0x8c: {  	v2 =	vld [tilespmem:s15+$0x0];
	_ =	sdelay $0x4  }
0x8d: {  	v1 =	vmax.f32 v2, v1  }
0x8e: {  	[tilespmem:s15+$0x0] =	vst v1;
	s15 =	spop (v2sf)  }
0x8f: {  	v1 =	vld [tilespmem:s14+$0x30];
	(v2sf) =	vpush v0, $0xD  }
0x90: {  	v2 =	vld [tilespmem:s15+$0x0];
	_ =	sdelay $0x4  }
0x91: {  	v1 =	vmax.f32 v2, v1  }
0x92: {  	[tilespmem:s15+$0x0] =	vst v1;
	s15 =	spop (v2sf)  }
0x93: {  	v1 =	vld [tilespmem:s14+$0x40];
	(v2sf) =	vpush v0, $0xE  }
0x94: {  	v2 =	vld [tilespmem:s15+$0x0];
	_ =	sdelay $0x4  }
0x95: {  	v1 =	vmax.f32 v2, v1  }
0x96: {  	[tilespmem:s15+$0x0] =	vst v1;
	s15 =	spop (v2sf)  }
0x97: {  	v1 =	vld [tilespmem:s14+$0x50];
	(v2sf) =	vpush v0, $0xF  }
0x98: {  	v0 =	vld [tilespmem:s15+$0x0];
	_ =	sdelay $0x1  }
.Ltmp0:
0x99: {  	(pc) =	sbr.rel @p0 .LBB2_2-.Ltmp0, $3  }
0x9a: {  	_ =	sdelay $0x1  }
0x9b: {  	v0 =	vmax.f32 v0, v1  }
0x9c: {  	[tilespmem:s15+$0x0] =	vst v0;
	s15 =	spop (v2sf)  }
0x9d: {  	v0 =	vld [tilespmem:s12+$0x60]  }
0x9e: {  	v1 =	vld [tilespmem:s15+$0x0];
	_ =	sdelay $0x4  }
0x9f: {  	v0 =	vmax.f32 v1, v0  }
0xa0: {  	[tilespmem:s15+$0x0] =	vst v0  }
0xa1: {  	s13 =	spop (v2sf);
	v0 =	vld [tilespmem:s12+$0x70]  }
0xa2: {  	v63 =	vld [tilespmem:s13+$0x0];
	_ =	sdelay $0x3  }
0xa3: {  	s11 =	sadd.s32 $0x1, s11  }
0xa4: {  	p0 =	sne.s32 s11, s7;
	v0 =	vmax.f32 v63, v0  }
.Ltmp1:
0xa5: {  	[tilespmem:s13+$0x0] =	vst v0;
	(pc) =	sbr.rel @p0 .LBB2_1-.Ltmp1, $4  }
0xa6: {  	[hbm4b:s6+s2] =	stream.linear.scatter [tilespmem:s8], [sflag:$0x1], $0x8000, $0x38;
	[tilespmem:$0xC400] =	vst v63  }
0xa7: {  	_ =	swait.ge [sflag:s9], $0x8000  }
0xa8: {  	[sflag:s9] =	ssyncset.done $0x0  }
0xa9: {  	[sflag:s9] =	ssyncadd.s32 $0xFFFF8000  }
0xaa: {  	_ =	sfence.sel $0x180000  }
0xab: {  	[bflag:$0x0] =	sbarrier.arrive $0xFFFF  }
0xac: {  	p0 =	sne.s32 s0, $0x0;
	_ =	strace $0x9000004A  }
0xad: {  	s0 =	sadd.s32 @!p0 $0x100000, s1;
	[bflag:$0x2] =	sbarrier.arrive $0xFFFF  }
0xae: {  	[sflag:s0] =	ssyncadd.tile.s32 @!p0 $0x1;
	_ =	shalt  }
.Lfunc_end2:
_tile_overlayer_lowered:
.L_overlay_start_2:
0xaf: {  	(tag) =	ssettag $0x2  }
0xb0: {  	s0 =	rddreg [dreg:$0x0];
	s2 =	stileid.u32  }
0xb1: {  	s1 =	rddreg [dreg:$0x1];
	p0 =	sne.s32 s2, $0x0  }
0xb2: {  	s3 =	rddreg [dreg:$0x2];
	[bflag:$0x3] =	sbarrier.arrive $0xFFFF;
	s2 =	simm.s32 @!p0 $0x1C01  }
0xb3: {  	[timem:s3], [sflag:s2] =	dma.local @!p0 [hbm:s0], s1  }
0xb4: {  	s0 =	simm.s32 @!p0 $0x1  }
0xb5: {  	_ =	swait.ge @!p0 [sflag:s0], s1  }
0xb6: {  	s1 =	ssub.s32 @!p0 $0x0, s1;
	[sflag:s0] =	ssyncset.done @!p0 $0x0  }
0xb7: {  	[sflag:s0] =	ssyncadd.s32 @!p0 s1  }
0xb8: {  	[bflag:$0x3] =	sbarrier.arrive $0xFFFF  }
0xb9: {  	_ =	shalt  }

// kernel: kernel.8.cloned.1.call-start
scs
__scs_entry_jumppad:
0x0: {  	(pc) =	sbr.rel $0x88, $3  }
0x1: {  	(tag) =	ssettag $0x0;
	lr =	simm.s32 $0x1  }
0x2: {  	[smem:$0x3F90] =	sst lr;
	_ =	strace $0xD0000000  }
0x3: {  	_ = 	snop  }
0x4: {  	_ = 	snop  }
0x5: {  	_ = 	snop  }
0x6: {  	_ = 	snop  }
0x7: {  	_ = 	snop  }
__scs_overlays_trampoline_lowered:
0x8: {  	[smem:$0x3F9F] =	sst s0  }
0x9: {  	[smem:$0x3FA0] =	sst s1  }
0xa: {  	[smem:$0x3FA1] =	sst s2  }
0xb: {  	[smem:$0x3FA2] =	sst s3  }
0xc: {  	[smem:$0x3FA3] =	sst s4  }
0xd: {  	[smem:$0x3FA4] =	sst s5  }
0xe: {  	[smem:$0x3FA5] =	sst s6  }
0xf: {  	[smem:$0x3FA6] =	sst s7  }
0x10: {  	[smem:$0x3FA7] =	sst s8  }
0x11: {  	[smem:$0x3FA8] =	sst s9;
	s0 =	simm.s32 @!p0 $0x0  }
0x12: {  	s1 =	sld [smem:$0x3F8E];
	s0 =	simm.s32 @p0 $0x1  }
0x13: {  	[smem:$0x3FA9] =	sst s0;
	s0 =	simm.s32 @!p1 $0x0  }
0x14: {  	s2 =	sld [smem:$0x3F8D];
	s0 =	simm.s32 @p1 $0x1  }
0x15: {  	[smem:$0x3FAA] =	sst s0;
	s0 =	simm.s32 @!p2 $0x0  }
0x16: {  	s3 =	sld [smem:$0x3FDB];
	s0 =	simm.s32 @p2 $0x1  }
0x17: {  	s4 =	simm.s32 $0x1BF5;
	[smem:$0x3FAC] =	sst s0  }
0x18: {  	s0 =	sld [smem:$0x3F8F];
	_ =	swait.ge [sflag:s4], $0x0  }
0x19: {  	s7 =	sld [smem:$0x3F90]  }
0x1a: {  	s8 =	sadd.s32 $0xFFFFE003, lr  }
0x1b: {  	s9 =	sadd.s32 $0xFFFFFEF7, lr;
	s5 =	simm.s32 $0xFFFFFFFF;
	p2 =	slt.u32 s8, $0xFFFFF086  }
0x1c: {  	p1 =	slt.u32 s9, $0xF7A;
	s5 =	simm.s32 @!p2 $0x0  }
0x1d: {  	s5 =	simm.s32 @p1 $0x1;
	p0 =	seq.s32 s7, s2  }
0x1e: {  	s7 =	smul.u32 @!p0 $0xF7A, s2;
	p2 =	seq.s32 @!p0 s5, $0x0  }
0x1f: {  	s9 =	smul.u32 $0xF7A, s1;
	s8 =	simm.s32 @!p0 $0x1BF5;
	p2 =	por !p2, p0  }
0x20: {  	[sflag:s8] =	ssyncset.s32 @!p0 $0xFFFFF086;
	s6 =	sadd.s32 @!p0 s3, s7;
	s7 =	simm.s32 @!p0 $0x108  }
0x21: {  	s3 =	sadd.s32 s3, s9;
	s6 =	sadd.s32 @!p0 $0x88, s6;
	s7 =	simm.s32 @p2 $0x1082  }
0x22: {  	[simem:s7], [sflag:s8] =	dma.local @!p0 [hbm:s6], $0xF7A  }
0x23: {  	s9 =	sor.u32 $0xD0000000, s2;
	s6 =	simm.s32 $0x108;
	_ =	swait.ge @!p0 [sflag:s8], $0x0  }
0x24: {  	s3 =	sadd.s32 $0x88, s3;
	s6 =	simm.s32 @!p1 $0x1082;
	[sflag:s4] =	ssyncset.s32 $0xFFFFF086  }
0x25: {  	[simem:s6], [sflag:s4] =	dma.local [hbm:s3], $0xF7A  }
0x26: {  	[smem:$0x3F90] =	sst s1;
	(tag) =	ssettag s2;
	_ =	strace s9  }
0x27: {  	s1 =	sld [smem:$0x3FA0]  }
0x28: {  	s2 =	sld [smem:$0x3FA1]  }
0x29: {  	s4 =	sld [smem:$0x3FA3]  }
0x2a: {  	p0 =	seq.s32 s5, $0x0;
	s5 =	sld [smem:$0x3FA4]  }
0x2b: {  	s6 =	sld [smem:$0x3FA5]  }
0x2c: {  	s7 =	sld [smem:$0x3FA6]  }
0x2d: {  	s3 =	simm.s32 $0x108;
	s8 =	sld [smem:$0x3FA7]  }
0x2e: {  	s3 =	simm.s32 @!p0 $0x1082;
	s9 =	sld [smem:$0x3FA8]  }
0x2f: {  	lr =	sadd.s32 s0, s3;
	s0 =	sld [smem:$0x3F9F]  }
0x30: {  	s3 =	sld [smem:$0x3FA2]  }
0x31: {  	[smem:$0x3FAB] =	sst s10  }
0x32: {  	s10 =	sld [smem:$0x3FA9];
	_ =	sdelay $0x3  }
0x33: {  	p0 =	seq.s32 s10, $0x1;
	s10 =	sld [smem:$0x3FAB];
	_ =	sdelay $0x3  }
0x34: {  	[smem:$0x3FAB] =	sst s10  }
0x35: {  	s10 =	sld [smem:$0x3FAA];
	_ =	sdelay $0x3  }
0x36: {  	p1 =	seq.s32 s10, $0x1;
	s10 =	sld [smem:$0x3FAB];
	_ =	sdelay $0x3  }
0x37: {  	[smem:$0x3FAB] =	sst s10  }
0x38: {  	s10 =	sld [smem:$0x3FAC]  }
0x39: {  	_ = 	snop;
	(pc) =	sbr.ind lr, $3  }
0x3a: {  	_ = 	snop  }
0x3b: {  	_ = 	snop  }
0x3c: {  	p2 =	seq.s32 s10, $0x1;
	s10 =	sld [smem:$0x3FAB]  }
0x3d: {  	_ =	shalt  }
0x3e: {  	_ =	shalt  }
0x3f: {  	_ =	shalt  }
0x40: {  	_ =	shalt  }
0x41: {  	_ =	shalt  }
0x42: {  	_ =	shalt  }
0x43: {  	_ =	shalt  }
0x44: {  	_ =	shalt  }
0x45: {  	_ =	shalt  }
0x46: {  	_ =	shalt  }
0x47: {  	_ =	shalt  }
0x48: {  	_ =	shalt  }
0x49: {  	_ =	shalt  }
0x4a: {  	_ =	shalt  }
0x4b: {  	_ =	shalt  }
0x4c: {  	_ =	shalt  }
0x4d: {  	_ =	shalt  }
0x4e: {  	_ =	shalt  }
0x4f: {  	_ =	shalt  }
0x50: {  	_ =	shalt  }
0x51: {  	_ =	shalt  }
0x52: {  	_ =	shalt  }
0x53: {  	_ =	shalt  }
0x54: {  	_ =	shalt  }
0x55: {  	_ =	shalt  }
0x56: {  	_ =	shalt  }
0x57: {  	_ =	shalt  }
0x58: {  	_ =	shalt  }
0x59: {  	_ =	shalt  }
0x5a: {  	_ =	shalt  }
0x5b: {  	_ =	shalt  }
0x5c: {  	_ =	shalt  }
0x5d: {  	_ =	shalt  }
0x5e: {  	_ =	shalt  }
0x5f: {  	_ =	shalt  }
0x60: {  	_ =	shalt  }
0x61: {  	_ =	shalt  }
0x62: {  	_ =	shalt  }
0x63: {  	_ =	shalt  }
0x64: {  	_ =	shalt  }
0x65: {  	_ =	shalt  }
0x66: {  	_ =	shalt  }
0x67: {  	_ =	shalt  }
0x68: {  	_ =	shalt  }
0x69: {  	_ =	shalt  }
0x6a: {  	_ =	shalt  }
0x6b: {  	_ =	shalt  }
0x6c: {  	_ =	shalt  }
0x6d: {  	_ =	shalt  }
0x6e: {  	_ =	shalt  }
0x6f: {  	_ =	shalt  }
0x70: {  	_ =	shalt  }
0x71: {  	_ =	shalt  }
0x72: {  	_ =	shalt  }
0x73: {  	_ =	shalt  }
0x74: {  	_ =	shalt  }
0x75: {  	_ =	shalt  }
0x76: {  	_ =	shalt  }
0x77: {  	_ =	shalt  }
0x78: {  	_ =	shalt  }
0x79: {  	_ =	shalt  }
0x7a: {  	_ =	shalt  }
0x7b: {  	_ =	shalt  }
0x7c: {  	_ =	shalt  }
0x7d: {  	_ =	shalt  }
0x7e: {  	_ =	shalt  }
0x7f: {  	_ =	shalt  }
0x80: {  	_ =	shalt  }
0x81: {  	_ =	shalt  }
0x82: {  	_ =	shalt  }
0x83: {  	_ =	shalt  }
0x84: {  	_ =	shalt  }
0x85: {  	_ =	shalt  }
0x86: {  	_ =	shalt  }
0x87: {  	_ =	shalt  }
.Lfunc_end0:
.L_simem_size_0:
called_computation_lowered:
.L_overlay_start_0:
0x88: {  	s2 =	sld [smem:$0x3FD9]  }
0x89: {  	s3 =	sld [smem:$0x3FFE];
	_ =	sdelay $0x1  }
0x8a: {  	s1 =	srdreg.scid  }
0x8b: {  	s0 =	sand.u32 $0x1, s1  }
0x8c: {  	s16 =	sshll.u32 s0, $0xA;
	s2 =	sadd.s32 s3, s2  }
0x8d: {  	s2 =	sadd.s32 s2, s16  }
0x8e: {  	[smem:$0x3FB7] =	sst s2  }
0x8f: {  	_ = 	snop  }
0x90: {  	(tm) =	ssettm $0x1  }
0x91: {  	s17 =	sld [smem:$0x3FFB];
	_ =	sdelay $0x3  }
0x92: {  	_ =	strace s17  }
0x93: {  	s2 =	sld [smem:$0x3FFC];
	_ =	sdelay $0x3  }
0x94: {  	_ =	strace s2  }
0x95: {  	s2 =	sld [smem:$0x3FFD];
	_ =	sdelay $0x3  }
0x96: {  	_ =	strace s2  }
0x97: {  	_ =	strace $0x8FFFFFFF  }
0x98: {  	s18 =	sld [smem:$0x3FDB];
	_ =	sdelay $0x1  }
0x99: {  	s19 =	simm.s32 $_scs_section_size  }
0x9a: {  	s4 =	simm.s32 $_size__tile_overlayer_lowered;
	s5 =	simm.s32 $_tile_overlayer_lowered  }
0x9b: {  	s22 =	simm.s32 $0x1BFF;
	s21 =	sshll.u32 s5, $0x1;
	s2 =	sadd.s32 s19, s18  }
0x9c: {  	s6 =	simm.s32 $0x0;
	s20 =	sshll.u32 s4, $0x1;
	s4 =	sadd.s32 s21, s2  }
0x9d: {  	[timem:s6], [sflag:s22] =	dma.local [hbm:s4], s20  }
0x9e: {  	_ =	swait.ge [sflag:s22], s20  }
0x9f: {  	s3 =	ssub.s32 $0x0, s20;
	[sflag:s22] =	ssyncset.done $0x0  }
0xa0: {  	[sflag:s22] =	ssyncadd.s32 s3;
	_ =	sdelay $0x1  }
0xa1: {  	s23 =	simm.s32 $0x1B8B  }
0xa2: {  	_ =	swait.ge [sflag:s23], $0x1  }
0xa3: {  	[sflag:s23] =	ssyncset.done $0x0  }
0xa4: {  	s25 =	simm.s32 $0x1B8E;
	s24 =	sld [smem:$0x3FFE];
	[sflag:s23] =	ssyncadd.s32 $0xFFFFFFFF  }
0xa5: {  	s26 =	simm.s32 $execute0_lowered;
	[smem:$0x3FD2] =	sst s25  }
0xa6: {  	s4 =	sshll.u32 s26, $0x1;
	_ =	strace $0x80000046;
	[dreg:$0x1] =	wrdreg $0xFFFFFFFF  }
0xa7: {  	s28 =	simm.s32 $_size_execute0_lowered;
	s2 =	sadd.s32 s2, s4;
	[dreg:$0x0] =	wrdreg $0x0  }
0xa8: {  	s4 =	sshll.u32 s28, $0x1;
	[dreg:$0x2] =	wrdreg s2  }
0xa9: {  	[dreg:$0x3] =	wrdreg s4  }
0xaa: {  	[dreg:$0x4] =	wrdreg $0xC0  }
0xab: {  	_ =	task [dreg:s6], $0x5FFFF  }
0xac: {  	[dreg:$0x1] =	wrdreg $0xFFFFFFFF  }
0xad: {  	[dreg:$0x0] =	wrdreg $0x60  }
0xae: {  	[dreg:$0x2] =	wrdreg s24  }
0xaf: {  	[dreg:$0x3] =	wrdreg $0x0  }
0xb0: {  	[dreg:$0x4] =	wrdreg $0x9  }
0xb1: {  	_ =	task.clear_ibuf [dreg:s6], $0x5FFFF;
	_ =	strace $0x90000046  }
0xb2: {  	s29 =	simm.s32 $0x9;
	_ =	strace $0x80000048  }
0xb3: {  	_ =	swait.ge [sflag:s29], $0x1  }
0xb4: {  	[sflag:s29] =	ssyncadd.s32 $0xFFFFFFFF  }
0xb5: {  	_ =	strace $0x90000048  }
0xb6: {  	_ =	sfence  }
0xb7: {  	s30 =	sld [smem:$0x0];
	_ =	sdelay $0x2  }
0xb8: {  	s31 =	sshll.u32 s1, $0xD;
	s1 =	sshrl.u32 s1, $0x2  }
0xb9: {  	s3 =	sand.u32 $0x4000, s31;
	s1 =	sadd.s32 s1, s30  }
0xba: {  	s0 =	sor.u32 s3, s0;
	s1 =	sshll.u32 s1, $0x11  }
0xbb: {  	s0 =	sor.u32 s1, s0  }
0xbc: {  	s0 =	sadd.s32 $0x8F2B, s0  }
0xbd: {  	[sflag:s0] =	ssyncadd.remote.s32 $0x1  }
0xbe: {  	_ =	sfence.sel $0xFFFF  }
0xbf: {  	[dreg:$0x0] =	wrdreg $0xFFFFFFFF;
	(pc) =	sbr.abs _section_cstart, $3  }
0xc0: {  	[dreg:$0x1] =	wrdreg $0xFFFFFFFF  }
0xc1: {  	_ =	task.clear_ibuf [dreg:s6], $0x2FFFF;
	_ =	strace $0x9FFFFFFF  }
0xc2: {  	(tm) =	ssettm $0x7FFFFFFF  }
0xc3: {  	_ =	shalt  }
tec
execute0_lowered:
.L_overlay_start_1:
0x0: {  	(tag) =	ssettag $0x1  }
0x1: {  	s0 =	rddreg [dreg:$0x0]  }
0x2: {  	s1 =	rddreg [dreg:$0x1];
	s2 =	simm.s32 $0x0;
	s3 =	srdreg.scid  }
0x3: {  	s15 =	stileid.u32;
	s17 =	simm.s32 $0x3;
	s19 =	simm.s32 $0x80  }
0x4: {  	s20 =	simm.s32 $0x4800;
	s21 =	simm.s32 $0xC800;
	s22 =	simm.s32 $0x1  }
0x5: {  	s23 =	simm.s32 $0x2;
	s25 =	simm.s32 $0x8800;
	s28 =	simm.s32 $0x10800  }
0x6: {  	s29 =	simm.s32 $0x14800;
	[smem:$0x7FF] =	sst s2;
	s4 =	sand.u32 $0x1, s3  }
0x7: {  	s5 =	sshll.u32 s15, $0x1;
	s30 =	sadd.s32 $0x3600, s0;
	p0 =	sne.s32 s15, $0x0  }
0x8: {  	_ =	strace $0x80000047;
	[dreg:$0x3] =	wrdreg s30;
	s5 =	sor.u32 s4, s5  }
0x9: {  	s4 =	ssub.s32 $0x2, s4;
	s15 =	sshrl.u32 @!p0 s1, $0x3;
	s6 =	sshll.u32 s5, $0x7  }
0xa: {  	s5 =	sshll.u32 s5, $0xD;
	s7 =	sshrl.u32 s4, $0x1;
	s6 =	sadd.s32 s6, s0  }
0xb: {  	s0 =	sadd.s32 s5, s0;
	s14 =	ssub.s32 s4, s7;
	s31 =	sadd.s32 $0x2600, s6  }
0xc: {  	s5 =	sadd.s32 $0x1600, s6;
	s6 =	sadd.s32 $0xB600, s0;
	s7 =	sadd.s32 $0xBA00, s0  }
0xd: {  	s8 =	sadd.s32 $0xBE00, s0;
	s9 =	sadd.s32 $0xC200, s0;
	s10 =	sadd.s32 $0xC600, s0  }
0xe: {  	s11 =	sadd.s32 $0xCA00, s0;
	s12 =	sadd.s32 $0xCE00, s0;
	s13 =	sadd.s32 $0xD200, s0  }
0xf: {  	s14 =	smax.u32 s14, $0x1;
	s0 =	simm.s32 $0x0;
	[dreg:$0x4] =	wrdreg s31  }
.LBB2_1:
0x10: {  	s24 =	simm.s32 @!p0 $0x1C03;
	s3 =	rddreg [dreg:$0x3]  }
0x11: {  	[spmem:s15], [sflag:s24] =	dma.local @!p0 [hbm:s3], $0x8000  }
0x12: {  	s24 =	simm.s32 @!p0 $0x3  }
0x13: {  	_ =	swait.ge @!p0 [sflag:s24], $0x8000  }
0x14: {  	[sflag:s24] =	ssyncset.done @!p0 $0x0  }
0x15: {  	s4 =	simm.s32 $0x4000;
	s18 =	rddreg [dreg:$0x4];
	[sflag:s24] =	ssyncadd.s32 @!p0 $0xFFFF8000  }
0x16: {  	[tilespmem:s4], [sflag:$0x3] =	stream.linear.gather [hbm4b:s18+s2], $0x400, $0x38;
	[tilespmem:$0x16800] =	vst v63  }
0x17: {  	_ =	swait.ge [sflag:s17], $0x400  }
0x18: {  	[sflag:s17] =	ssyncset.done $0x0  }
0x19: {  	s24 =	simm.s32 $0x4400;
	[sflag:s17] =	ssyncadd.s32 $0xFFFFFC00  }
0x1a: {  	[tilespmem:s24], [sflag:$0x3] =	stream.linear.gather [hbm4b:s5+s2], $0x400, $0x38;
	[tilespmem:$0x16800] =	vst v63  }
0x1b: {  	_ =	swait.ge [sflag:s17], $0x400  }
0x1c: {  	[sflag:s17] =	ssyncset.done $0x0  }
0x1d: {  	[sflag:s17] =	ssyncadd.s32 $0xFFFFFC00  }
0x1e: {  	[bflag:$0x0] =	sbarrier.arrive $0xFFFF  }
0x1f: {  	[tilespmem:s20], [sflag:$0x1] =	stream.indirect.gather [spmem:s1], $0x80, s4, s19, $0xb8;
	[tilespmem:$0x16800] =	vst v63  }
0x20: {  	_ = 	snop  }
0x21: {  	[tilespmem:s21], [sflag:$0x2] =	stream.indirect.gather [spmem:s1], $0x80, s24, s19, $0xb8;
	[tilespmem:$0x16800] =	vst v63  }
0x22: {  	_ =	swait.ge [sflag:s22], $0x4000  }
0x23: {  	[sflag:s22] =	ssyncset.done $0x0  }
0x24: {  	[sflag:s22] =	ssyncadd.s32 $0xFFFFC000  }
0x25: {  	_ =	swait.ge [sflag:s23], $0x4000  }
0x26: {  	[sflag:s23] =	ssyncset.done $0x0  }
0x27: {  	s26 =	simm.s32 $0x4080;
	[sflag:s23] =	ssyncadd.s32 $0xFFFFC000  }
0x28: {  	[tilespmem:s25], [sflag:$0x1] =	stream.indirect.gather [spmem:s1], $0x80, s26, s19, $0xb8;
	[tilespmem:$0x16800] =	vst v63  }
0x29: {  	s4 =	simm.s32 $0x4480;
	s26 =	simm.s32 $0x0  }
0x2a: {  	[tilespmem:s28], [sflag:$0x2] =	stream.indirect.gather [spmem:s1], $0x80, s4, s19, $0xb8;
	[tilespmem:$0x16800] =	vst v63  }
0x2b: {  	v0 =	vld [tilespmem:s26+$0x4800]  }
0x2c: {  	v1 =	vld [tilespmem:s26+$0xC840];
	_ =	sdelay $0x2  }
0x2d: {  	s16 =	sand.u32 $0x40, s2;
	s30 =	simm.s32 $0x0;
	s31 =	sand.u32 $0xC00, s2  }
0x2e: {  	s30 =	sand.u32 $0x1000, s30;
	s18 =	simm.s32 $0x0;
	s24 =	sor.u32 s16, s31  }
0x2f: {  	s3 =	sand.u32 $0x380, s18;
	s24 =	sor.u32 s30, s24;
	v0 =	vadd.f32 v1, v0  }
0x30: {  	s3 =	sor.u32 s3, s24  }
0x31: {  	[tilespmem:s3+$0x14800] =	vst v0  }
0x32: {  	v0 =	vld [tilespmem:s26+$0x4810]  }
0x33: {  	v1 =	vld [tilespmem:s26+$0xC850];
	_ =	sdelay $0x4  }
0x34: {  	v0 =	vadd.f32 v1, v0  }
0x35: {  	s31 =	sadd.s32 $0x14800, s3  }
0x36: {  	[tilespmem:s31+$0x10] =	vst v0  }
0x37: {  	v0 =	vld [tilespmem:s26+$0x4820]  }
0x38: {  	v1 =	vld [tilespmem:s26+$0xC860];
	_ =	sdelay $0x4  }
0x39: {  	v0 =	vadd.f32 v1, v0;
	_ =	sdelay $0x1  }
0x3a: {  	[tilespmem:s31+$0x20] =	vst v0  }
0x3b: {  	v0 =	vld [tilespmem:s26+$0x4830]  }
0x3c: {  	s30 =	simm.s32 $0x0;
	s24 =	simm.s32 $0x1;
	v1 =	vld [tilespmem:s26+$0xC870];
	s26 =	simm.s32 $0x0  }
.LBB2_2:
0x3d: {  	_ =	sdelay $0x1  }
0x3e: {  	p1 =	sne.s32 s24, $0x7F;
	s26 =	sadd.s32 $0x200, s26;
	s30 =	sadd.s32 $0x40, s30  }
0x3f: {  	s3 =	smov.u32 s24;
	s24 =	sadd.s32 $0x1, s24  }
0x40: {  	v0 =	vadd.f32 v1, v0;
	_ =	sdelay $0x1  }
0x41: {  	s16 =	sshra.s32 s26, $0x2;
	[tilespmem:s31+$0x30] =	vst v0  }
0x42: {  	v0 =	vld [tilespmem:s16+$0x4800]  }
0x43: {  	v1 =	vld [tilespmem:s16+$0xC840];
	_ =	sdelay $0x1  }
0x44: {  	s4 =	sshll.u32 s3, $0x6;
	s18 =	sand.u32 $0xC00, s26;
	s31 =	sand.u32 $0x40, s30  }
0x45: {  	s3 =	sshll.u32 s3, $0x4;
	s4 =	sand.u32 $0x1000, s4;
	s18 =	sor.u32 s31, s18  }
0x46: {  	s3 =	sand.u32 $0x380, s3;
	s4 =	sor.u32 s4, s18  }
0x47: {  	s3 =	sor.u32 s3, s4;
	v0 =	vadd.f32 v1, v0;
	_ =	sdelay $0x1  }
0x48: {  	[tilespmem:s3+$0x14800] =	vst v0  }
0x49: {  	v0 =	vld [tilespmem:s16+$0x4810]  }
0x4a: {  	v1 =	vld [tilespmem:s16+$0xC850];
	_ =	sdelay $0x3  }
0x4b: {  	s31 =	sadd.s32 $0x14800, s3  }
0x4c: {  	v0 =	vadd.f32 v1, v0;
	_ =	sdelay $0x1  }
0x4d: {  	[tilespmem:s31+$0x10] =	vst v0  }
0x4e: {  	v0 =	vld [tilespmem:s16+$0x4820]  }
0x4f: {  	v1 =	vld [tilespmem:s16+$0xC860];
	_ =	sdelay $0x4  }
.Ltmp0:
0x50: {  	v0 =	vadd.f32 v1, v0;
	(pc) =	sbr.rel @p1 .LBB2_2-.Ltmp0, $4  }
0x51: {  	_ = 	snop  }
0x52: {  	[tilespmem:s31+$0x20] =	vst v0  }
0x53: {  	v0 =	vld [tilespmem:s16+$0x4830]  }
0x54: {  	v1 =	vld [tilespmem:s16+$0xC870]  }
0x55: {  	_ =	sdelay $0x3  }
0x56: {  	v0 =	vadd.f32 v1, v0;
	_ =	sdelay $0x1  }
0x57: {  	s24 =	simm.s32 $0x0;
	[tilespmem:s31+$0x30] =	vst v0  }
0x58: {  	[hbm4b:s6+s24] =	stream.linear.scatter [tilespmem:s29], [sflag:$0x3], $0x2000, $0x38;
	[tilespmem:$0x16800] =	vst v63  }
0x59: {  	_ =	swait.ge [sflag:s17], $0x2000  }
0x5a: {  	[sflag:s17] =	ssyncset.done $0x0  }
0x5b: {  	[sflag:s17] =	ssyncadd.s32 $0xFFFFE000  }
0x5c: {  	_ =	swait.ge [sflag:s22], $0x4000  }
0x5d: {  	[sflag:s22] =	ssyncset.done $0x0  }
0x5e: {  	[sflag:s22] =	ssyncadd.s32 $0xFFFFC000  }
0x5f: {  	_ =	swait.ge [sflag:s23], $0x4000  }
0x60: {  	[sflag:s23] =	ssyncset.done $0x0  }
0x61: {  	s3 =	simm.s32 $0x4100;
	[sflag:s23] =	ssyncadd.s32 $0xFFFFC000  }
0x62: {  	[tilespmem:s20], [sflag:$0x1] =	stream.indirect.gather [spmem:s1], $0x80, s3, s19, $0xb8;
	[tilespmem:$0x16800] =	vst v63  }
0x63: {  	s18 =	simm.s32 $0x4500;
	s3 =	simm.s32 $0x0  }
0x64: {  	[tilespmem:s21], [sflag:$0x2] =	stream.indirect.gather [spmem:s1], $0x80, s18, s19, $0xb8;
	[tilespmem:$0x16800] =	vst v63  }
0x65: {  	v0 =	vld [tilespmem:s3+$0x8800]  }
0x66: {  	v1 =	vld [tilespmem:s3+$0x10840];
	_ =	sdelay $0x2  }
0x67: {  	s16 =	simm.s32 $0x0;
	s4 =	sand.u32 $0x40, s24;
	s18 =	sand.u32 $0xC00, s24  }
0x68: {  	s26 =	simm.s32 $0x0;
	s16 =	sand.u32 $0x1000, s16;
	s4 =	sor.u32 s4, s18  }
0x69: {  	s26 =	sand.u32 $0x380, s26;
	s4 =	sor.u32 s16, s4;
	v0 =	vadd.f32 v1, v0  }
0x6a: {  	s4 =	sor.u32 s26, s4  }
0x6b: {  	[tilespmem:s4+$0x14800] =	vst v0  }
0x6c: {  	v0 =	vld [tilespmem:s3+$0x8810]  }
0x6d: {  	v1 =	vld [tilespmem:s3+$0x10850];
	_ =	sdelay $0x4  }
0x6e: {  	v0 =	vadd.f32 v1, v0  }
0x6f: {  	s31 =	sadd.s32 $0x14800, s4  }
0x70: {  	[tilespmem:s31+$0x10] =	vst v0  }
0x71: {  	v0 =	vld [tilespmem:s3+$0x8820]  }
0x72: {  	v1 =	vld [tilespmem:s3+$0x10860];
	_ =	sdelay $0x4  }
0x73: {  	v0 =	vadd.f32 v1, v0;
	_ =	sdelay $0x1  }
0x74: {  	[tilespmem:s31+$0x20] =	vst v0  }
0x75: {  	v0 =	vld [tilespmem:s3+$0x8830]  }
0x76: {  	s30 =	simm.s32 $0x0;
	s26 =	simm.s32 $0x200;
	v1 =	vld [tilespmem:s3+$0x10870]  }
.LBB2_4:
0x77: {  	_ =	sdelay $0x1  }
0x78: {  	p1 =	sne.s32 s26, $0xFE00;
	s24 =	sadd.s32 $0x1, s24;
	s30 =	sadd.s32 $0x40, s30  }
0x79: {  	s3 =	smov.u32 s26;
	s26 =	sadd.s32 $0x200, s26  }
0x7a: {  	v0 =	vadd.f32 v1, v0;
	_ =	sdelay $0x1  }
0x7b: {  	s4 =	sshra.s32 s3, $0x2;
	[tilespmem:s31+$0x30] =	vst v0  }
0x7c: {  	v0 =	vld [tilespmem:s4+$0x8800]  }
0x7d: {  	v1 =	vld [tilespmem:s4+$0x10840];
	_ =	sdelay $0x1  }
0x7e: {  	s16 =	sand.u32 $0x40, s30;
	s18 =	sshll.u32 s24, $0x6;
	s3 =	sand.u32 $0xC00, s3  }
0x7f: {  	s18 =	sand.u32 $0x1000, s18;
	s3 =	sor.u32 s16, s3;
	s31 =	sshll.u32 s24, $0x4  }
0x80: {  	s3 =	sor.u32 s18, s3;
	s16 =	sand.u32 $0x380, s31  }
0x81: {  	s3 =	sor.u32 s16, s3;
	v0 =	vadd.f32 v1, v0;
	_ =	sdelay $0x1  }
0x82: {  	[tilespmem:s3+$0x14800] =	vst v0  }
0x83: {  	v0 =	vld [tilespmem:s4+$0x8810]  }
0x84: {  	v1 =	vld [tilespmem:s4+$0x10850];
	_ =	sdelay $0x3  }
0x85: {  	s31 =	sadd.s32 $0x14800, s3  }
0x86: {  	v0 =	vadd.f32 v1, v0;
	_ =	sdelay $0x1  }
0x87: {  	[tilespmem:s31+$0x10] =	vst v0  }
0x88: {  	v0 =	vld [tilespmem:s4+$0x8820]  }
0x89: {  	v1 =	vld [tilespmem:s4+$0x10860];
	_ =	sdelay $0x4  }
.Ltmp1:
0x8a: {  	v0 =	vadd.f32 v1, v0;
	(pc) =	sbr.rel @p1 .LBB2_4-.Ltmp1, $4  }
0x8b: {  	_ = 	snop  }
0x8c: {  	[tilespmem:s31+$0x20] =	vst v0  }
0x8d: {  	v0 =	vld [tilespmem:s4+$0x8830]  }
0x8e: {  	v1 =	vld [tilespmem:s4+$0x10870]  }
0x8f: {  	_ =	sdelay $0x3  }
0x90: {  	v0 =	vadd.f32 v1, v0;
	_ =	sdelay $0x1  }
0x91: {  	s24 =	simm.s32 $0x0;
	[tilespmem:s31+$0x30] =	vst v0  }
0x92: {  	[hbm4b:s7+s24] =	stream.linear.scatter [tilespmem:s29], [sflag:$0x3], $0x2000, $0x38;
	[tilespmem:$0x16800] =	vst v63  }
0x93: {  	_ =	swait.ge [sflag:s17], $0x2000  }
0x94: {  	[sflag:s17] =	ssyncset.done $0x0  }
0x95: {  	[sflag:s17] =	ssyncadd.s32 $0xFFFFE000  }
0x96: {  	_ =	swait.ge [sflag:s22], $0x4000  }
0x97: {  	[sflag:s22] =	ssyncset.done $0x0  }
0x98: {  	[sflag:s22] =	ssyncadd.s32 $0xFFFFC000  }
0x99: {  	_ =	swait.ge [sflag:s23], $0x4000  }
0x9a: {  	[sflag:s23] =	ssyncset.done $0x0  }
0x9b: {  	s3 =	simm.s32 $0x4180;
	[sflag:s23] =	ssyncadd.s32 $0xFFFFC000  }
0x9c: {  	[tilespmem:s25], [sflag:$0x1] =	stream.indirect.gather [spmem:s1], $0x80, s3, s19, $0xb8;
	[tilespmem:$0x16800] =	vst v63  }
0x9d: {  	s18 =	simm.s32 $0x4580;
	s3 =	simm.s32 $0x0  }
0x9e: {  	[tilespmem:s28], [sflag:$0x2] =	stream.indirect.gather [spmem:s1], $0x80, s18, s19, $0xb8;
	[tilespmem:$0x16800] =	vst v63  }
0x9f: {  	v0 =	vld [tilespmem:s3+$0x4800]  }
0xa0: {  	v1 =	vld [tilespmem:s3+$0xC840];
	_ =	sdelay $0x2  }
0xa1: {  	s16 =	simm.s32 $0x0;
	s4 =	sand.u32 $0x40, s24;
	s18 =	sand.u32 $0xC00, s24  }
0xa2: {  	s26 =	simm.s32 $0x0;
	s16 =	sand.u32 $0x1000, s16;
	s4 =	sor.u32 s4, s18  }
0xa3: {  	s26 =	sand.u32 $0x380, s26;
	s4 =	sor.u32 s16, s4;
	v0 =	vadd.f32 v1, v0  }
0xa4: {  	s4 =	sor.u32 s26, s4  }
0xa5: {  	[tilespmem:s4+$0x14800] =	vst v0  }
0xa6: {  	v0 =	vld [tilespmem:s3+$0x4810]  }
0xa7: {  	v1 =	vld [tilespmem:s3+$0xC850];
	_ =	sdelay $0x4  }
0xa8: {  	v0 =	vadd.f32 v1, v0  }
0xa9: {  	s31 =	sadd.s32 $0x14800, s4  }
0xaa: {  	[tilespmem:s31+$0x10] =	vst v0  }
0xab: {  	v0 =	vld [tilespmem:s3+$0x4820]  }
0xac: {  	v1 =	vld [tilespmem:s3+$0xC860];
	_ =	sdelay $0x4  }
0xad: {  	v0 =	vadd.f32 v1, v0;
	_ =	sdelay $0x1  }
0xae: {  	[tilespmem:s31+$0x20] =	vst v0  }
0xaf: {  	v0 =	vld [tilespmem:s3+$0x4830]  }
0xb0: {  	s30 =	simm.s32 $0x0;
	s26 =	simm.s32 $0x1;
	v1 =	vld [tilespmem:s3+$0xC870]  }
.LBB2_6:
0xb1: {  	_ =	sdelay $0x1  }
0xb2: {  	p1 =	sne.s32 s26, $0x7F;
	s24 =	sadd.s32 $0x200, s24;
	s30 =	sadd.s32 $0x40, s30  }
0xb3: {  	s3 =	smov.u32 s26;
	s26 =	sadd.s32 $0x1, s26  }
0xb4: {  	v0 =	vadd.f32 v1, v0;
	_ =	sdelay $0x1  }
0xb5: {  	s4 =	sshra.s32 s24, $0x2;
	[tilespmem:s31+$0x30] =	vst v0  }
0xb6: {  	v0 =	vld [tilespmem:s4+$0x4800]  }
0xb7: {  	v1 =	vld [tilespmem:s4+$0xC840];
	_ =	sdelay $0x1  }
0xb8: {  	s16 =	sand.u32 $0x40, s30;
	s18 =	sshll.u32 s3, $0x6;
	s31 =	sand.u32 $0xC00, s24  }
0xb9: {  	s3 =	sshll.u32 s3, $0x4;
	s18 =	sand.u32 $0x1000, s18;
	s16 =	sor.u32 s16, s31  }
0xba: {  	s3 =	sand.u32 $0x380, s3;
	s16 =	sor.u32 s18, s16  }
0xbb: {  	s3 =	sor.u32 s3, s16;
	v0 =	vadd.f32 v1, v0;
	_ =	sdelay $0x1  }
0xbc: {  	[tilespmem:s3+$0x14800] =	vst v0  }
0xbd: {  	v0 =	vld [tilespmem:s4+$0x4810]  }
0xbe: {  	v1 =	vld [tilespmem:s4+$0xC850];
	_ =	sdelay $0x3  }
0xbf: {  	s31 =	sadd.s32 $0x14800, s3  }
0xc0: {  	v0 =	vadd.f32 v1, v0;
	_ =	sdelay $0x1  }
0xc1: {  	[tilespmem:s31+$0x10] =	vst v0  }
0xc2: {  	v0 =	vld [tilespmem:s4+$0x4820]  }
0xc3: {  	v1 =	vld [tilespmem:s4+$0xC860];
	_ =	sdelay $0x4  }
.Ltmp2:
0xc4: {  	v0 =	vadd.f32 v1, v0;
	(pc) =	sbr.rel @p1 .LBB2_6-.Ltmp2, $4  }
0xc5: {  	_ = 	snop  }
0xc6: {  	[tilespmem:s31+$0x20] =	vst v0  }
0xc7: {  	v0 =	vld [tilespmem:s4+$0x4830]  }
0xc8: {  	v1 =	vld [tilespmem:s4+$0xC870]  }
0xc9: {  	_ =	sdelay $0x3  }
0xca: {  	v0 =	vadd.f32 v1, v0;
	_ =	sdelay $0x1  }
0xcb: {  	s24 =	simm.s32 $0x0;
	[tilespmem:s31+$0x30] =	vst v0  }
0xcc: {  	[hbm4b:s8+s24] =	stream.linear.scatter [tilespmem:s29], [sflag:$0x3], $0x2000, $0x38;
	[tilespmem:$0x16800] =	vst v63  }
0xcd: {  	_ =	swait.ge [sflag:s17], $0x2000  }
0xce: {  	[sflag:s17] =	ssyncset.done $0x0  }
0xcf: {  	[sflag:s17] =	ssyncadd.s32 $0xFFFFE000  }
0xd0: {  	_ =	swait.ge [sflag:s22], $0x4000  }
0xd1: {  	[sflag:s22] =	ssyncset.done $0x0  }
0xd2: {  	[sflag:s22] =	ssyncadd.s32 $0xFFFFC000  }
0xd3: {  	_ =	swait.ge [sflag:s23], $0x4000  }
0xd4: {  	[sflag:s23] =	ssyncset.done $0x0  }
0xd5: {  	s3 =	simm.s32 $0x4200;
	[sflag:s23] =	ssyncadd.s32 $0xFFFFC000  }
0xd6: {  	[tilespmem:s20], [sflag:$0x1] =	stream.indirect.gather [spmem:s1], $0x80, s3, s19, $0xb8;
	[tilespmem:$0x16800] =	vst v63  }
0xd7: {  	s18 =	simm.s32 $0x4600;
	s3 =	simm.s32 $0x0  }
0xd8: {  	[tilespmem:s21], [sflag:$0x2] =	stream.indirect.gather [spmem:s1], $0x80, s18, s19, $0xb8;
	[tilespmem:$0x16800] =	vst v63  }
0xd9: {  	v0 =	vld [tilespmem:s3+$0x8800]  }
0xda: {  	v1 =	vld [tilespmem:s3+$0x10840];
	_ =	sdelay $0x2  }
0xdb: {  	s16 =	simm.s32 $0x0;
	s4 =	sand.u32 $0x40, s24;
	s18 =	sand.u32 $0xC00, s24  }
0xdc: {  	s26 =	simm.s32 $0x0;
	s16 =	sand.u32 $0x1000, s16;
	s4 =	sor.u32 s4, s18  }
0xdd: {  	s26 =	sand.u32 $0x380, s26;
	s4 =	sor.u32 s16, s4;
	v0 =	vadd.f32 v1, v0  }
0xde: {  	s4 =	sor.u32 s26, s4  }
0xdf: {  	[tilespmem:s4+$0x14800] =	vst v0  }
0xe0: {  	v0 =	vld [tilespmem:s3+$0x8810]  }
0xe1: {  	v1 =	vld [tilespmem:s3+$0x10850];
	_ =	sdelay $0x4  }
0xe2: {  	v0 =	vadd.f32 v1, v0  }
0xe3: {  	s31 =	sadd.s32 $0x14800, s4  }
0xe4: {  	[tilespmem:s31+$0x10] =	vst v0  }
0xe5: {  	v0 =	vld [tilespmem:s3+$0x8820]  }
0xe6: {  	v1 =	vld [tilespmem:s3+$0x10860];
	_ =	sdelay $0x4  }
0xe7: {  	v0 =	vadd.f32 v1, v0;
	_ =	sdelay $0x1  }
0xe8: {  	[tilespmem:s31+$0x20] =	vst v0  }
0xe9: {  	v0 =	vld [tilespmem:s3+$0x8830]  }
0xea: {  	s30 =	simm.s32 $0x0;
	s26 =	simm.s32 $0x200;
	v1 =	vld [tilespmem:s3+$0x10870]  }
.LBB2_8:
0xeb: {  	_ =	sdelay $0x1  }
0xec: {  	p1 =	sne.s32 s26, $0xFE00;
	s24 =	sadd.s32 $0x1, s24;
	s30 =	sadd.s32 $0x40, s30  }
0xed: {  	s3 =	smov.u32 s26;
	s26 =	sadd.s32 $0x200, s26  }
0xee: {  	v0 =	vadd.f32 v1, v0;
	_ =	sdelay $0x1  }
0xef: {  	s4 =	sshra.s32 s3, $0x2;
	[tilespmem:s31+$0x30] =	vst v0  }
0xf0: {  	v0 =	vld [tilespmem:s4+$0x8800]  }
0xf1: {  	v1 =	vld [tilespmem:s4+$0x10840];
	_ =	sdelay $0x1  }
0xf2: {  	s16 =	sand.u32 $0x40, s30;
	s18 =	sshll.u32 s24, $0x6;
	s3 =	sand.u32 $0xC00, s3  }
0xf3: {  	s18 =	sand.u32 $0x1000, s18;
	s3 =	sor.u32 s16, s3;
	s31 =	sshll.u32 s24, $0x4  }
0xf4: {  	s3 =	sor.u32 s18, s3;
	s16 =	sand.u32 $0x380, s31  }
0xf5: {  	s3 =	sor.u32 s16, s3;
	v0 =	vadd.f32 v1, v0;
	_ =	sdelay $0x1  }
0xf6: {  	[tilespmem:s3+$0x14800] =	vst v0  }
0xf7: {  	v0 =	vld [tilespmem:s4+$0x8810]  }
0xf8: {  	v1 =	vld [tilespmem:s4+$0x10850];
	_ =	sdelay $0x3  }
0xf9: {  	s31 =	sadd.s32 $0x14800, s3  }
0xfa: {  	v0 =	vadd.f32 v1, v0;
	_ =	sdelay $0x1  }
0xfb: {  	[tilespmem:s31+$0x10] =	vst v0  }
0xfc: {  	v0 =	vld [tilespmem:s4+$0x8820]  }
0xfd: {  	v1 =	vld [tilespmem:s4+$0x10860];
	_ =	sdelay $0x4  }
.Ltmp3:
0xfe: {  	v0 =	vadd.f32 v1, v0;
	(pc) =	sbr.rel @p1 .LBB2_8-.Ltmp3, $4  }
0xff: {  	_ = 	snop  }
0x100: {  	[tilespmem:s31+$0x20] =	vst v0  }
0x101: {  	v0 =	vld [tilespmem:s4+$0x8830]  }
0x102: {  	v1 =	vld [tilespmem:s4+$0x10870]  }
0x103: {  	_ =	sdelay $0x3  }
0x104: {  	v0 =	vadd.f32 v1, v0;
	_ =	sdelay $0x1  }
0x105: {  	s24 =	simm.s32 $0x0;
	[tilespmem:s31+$0x30] =	vst v0  }
0x106: {  	[hbm4b:s9+s24] =	stream.linear.scatter [tilespmem:s29], [sflag:$0x3], $0x2000, $0x38;
	[tilespmem:$0x16800] =	vst v63  }
0x107: {  	_ =	swait.ge [sflag:s17], $0x2000  }
0x108: {  	[sflag:s17] =	ssyncset.done $0x0  }
0x109: {  	[sflag:s17] =	ssyncadd.s32 $0xFFFFE000  }
0x10a: {  	_ =	swait.ge [sflag:s22], $0x4000  }
0x10b: {  	[sflag:s22] =	ssyncset.done $0x0  }
0x10c: {  	[sflag:s22] =	ssyncadd.s32 $0xFFFFC000  }
0x10d: {  	_ =	swait.ge [sflag:s23], $0x4000  }
0x10e: {  	[sflag:s23] =	ssyncset.done $0x0  }
0x10f: {  	s3 =	simm.s32 $0x4280;
	[sflag:s23] =	ssyncadd.s32 $0xFFFFC000  }
0x110: {  	[tilespmem:s25], [sflag:$0x1] =	stream.indirect.gather [spmem:s1], $0x80, s3, s19, $0xb8;
	[tilespmem:$0x16800] =	vst v63  }
0x111: {  	s18 =	simm.s32 $0x4680;
	s3 =	simm.s32 $0x0  }
0x112: {  	[tilespmem:s28], [sflag:$0x2] =	stream.indirect.gather [spmem:s1], $0x80, s18, s19, $0xb8;
	[tilespmem:$0x16800] =	vst v63  }
0x113: {  	v0 =	vld [tilespmem:s3+$0x4800]  }
0x114: {  	v1 =	vld [tilespmem:s3+$0xC840];
	_ =	sdelay $0x2  }
0x115: {  	s16 =	simm.s32 $0x0;
	s4 =	sand.u32 $0x40, s24;
	s18 =	sand.u32 $0xC00, s24  }
0x116: {  	s26 =	simm.s32 $0x0;
	s16 =	sand.u32 $0x1000, s16;
	s4 =	sor.u32 s4, s18  }
0x117: {  	s26 =	sand.u32 $0x380, s26;
	s4 =	sor.u32 s16, s4;
	v0 =	vadd.f32 v1, v0  }
0x118: {  	s4 =	sor.u32 s26, s4  }
0x119: {  	[tilespmem:s4+$0x14800] =	vst v0  }
0x11a: {  	v0 =	vld [tilespmem:s3+$0x4810]  }
0x11b: {  	v1 =	vld [tilespmem:s3+$0xC850];
	_ =	sdelay $0x4  }
0x11c: {  	v0 =	vadd.f32 v1, v0  }
0x11d: {  	s31 =	sadd.s32 $0x14800, s4  }
0x11e: {  	[tilespmem:s31+$0x10] =	vst v0  }
0x11f: {  	v0 =	vld [tilespmem:s3+$0x4820]  }
0x120: {  	v1 =	vld [tilespmem:s3+$0xC860];
	_ =	sdelay $0x4  }
0x121: {  	v0 =	vadd.f32 v1, v0;
	_ =	sdelay $0x1  }
0x122: {  	[tilespmem:s31+$0x20] =	vst v0  }
0x123: {  	v0 =	vld [tilespmem:s3+$0x4830]  }
0x124: {  	s30 =	simm.s32 $0x0;
	s26 =	simm.s32 $0x1;
	v1 =	vld [tilespmem:s3+$0xC870]  }
.LBB2_10:
0x125: {  	_ =	sdelay $0x1  }
0x126: {  	p1 =	sne.s32 s26, $0x7F;
	s24 =	sadd.s32 $0x200, s24;
	s30 =	sadd.s32 $0x40, s30  }
0x127: {  	s3 =	smov.u32 s26;
	s26 =	sadd.s32 $0x1, s26  }
0x128: {  	v0 =	vadd.f32 v1, v0;
	_ =	sdelay $0x1  }
0x129: {  	s4 =	sshra.s32 s24, $0x2;
	[tilespmem:s31+$0x30] =	vst v0  }
0x12a: {  	v0 =	vld [tilespmem:s4+$0x4800]  }
0x12b: {  	v1 =	vld [tilespmem:s4+$0xC840];
	_ =	sdelay $0x1  }
0x12c: {  	s16 =	sand.u32 $0x40, s30;
	s18 =	sshll.u32 s3, $0x6;
	s31 =	sand.u32 $0xC00, s24  }
0x12d: {  	s3 =	sshll.u32 s3, $0x4;
	s18 =	sand.u32 $0x1000, s18;
	s16 =	sor.u32 s16, s31  }
0x12e: {  	s3 =	sand.u32 $0x380, s3;
	s16 =	sor.u32 s18, s16  }
0x12f: {  	s3 =	sor.u32 s3, s16;
	v0 =	vadd.f32 v1, v0;
	_ =	sdelay $0x1  }
0x130: {  	[tilespmem:s3+$0x14800] =	vst v0  }
0x131: {  	v0 =	vld [tilespmem:s4+$0x4810]  }
0x132: {  	v1 =	vld [tilespmem:s4+$0xC850];
	_ =	sdelay $0x3  }
0x133: {  	s31 =	sadd.s32 $0x14800, s3  }
0x134: {  	v0 =	vadd.f32 v1, v0;
	_ =	sdelay $0x1  }
0x135: {  	[tilespmem:s31+$0x10] =	vst v0  }
0x136: {  	v0 =	vld [tilespmem:s4+$0x4820]  }
0x137: {  	v1 =	vld [tilespmem:s4+$0xC860];
	_ =	sdelay $0x4  }
.Ltmp4:
0x138: {  	v0 =	vadd.f32 v1, v0;
	(pc) =	sbr.rel @p1 .LBB2_10-.Ltmp4, $4  }
0x139: {  	_ = 	snop  }
0x13a: {  	[tilespmem:s31+$0x20] =	vst v0  }
0x13b: {  	v0 =	vld [tilespmem:s4+$0x4830]  }
0x13c: {  	v1 =	vld [tilespmem:s4+$0xC870]  }
0x13d: {  	_ =	sdelay $0x3  }
0x13e: {  	v0 =	vadd.f32 v1, v0;
	_ =	sdelay $0x1  }
0x13f: {  	s24 =	simm.s32 $0x0;
	[tilespmem:s31+$0x30] =	vst v0  }
0x140: {  	[hbm4b:s10+s24] =	stream.linear.scatter [tilespmem:s29], [sflag:$0x3], $0x2000, $0x38;
	[tilespmem:$0x16800] =	vst v63  }
0x141: {  	_ =	swait.ge [sflag:s17], $0x2000  }
0x142: {  	[sflag:s17] =	ssyncset.done $0x0  }
0x143: {  	[sflag:s17] =	ssyncadd.s32 $0xFFFFE000  }
0x144: {  	_ =	swait.ge [sflag:s22], $0x4000  }
0x145: {  	[sflag:s22] =	ssyncset.done $0x0  }
0x146: {  	[sflag:s22] =	ssyncadd.s32 $0xFFFFC000  }
0x147: {  	_ =	swait.ge [sflag:s23], $0x4000  }
0x148: {  	[sflag:s23] =	ssyncset.done $0x0  }
0x149: {  	s3 =	simm.s32 $0x4300;
	[sflag:s23] =	ssyncadd.s32 $0xFFFFC000  }
0x14a: {  	[tilespmem:s20], [sflag:$0x1] =	stream.indirect.gather [spmem:s1], $0x80, s3, s19, $0xb8;
	[tilespmem:$0x16800] =	vst v63  }
0x14b: {  	s18 =	simm.s32 $0x4700;
	s3 =	simm.s32 $0x0  }
0x14c: {  	[tilespmem:s21], [sflag:$0x2] =	stream.indirect.gather [spmem:s1], $0x80, s18, s19, $0xb8;
	[tilespmem:$0x16800] =	vst v63  }
0x14d: {  	v0 =	vld [tilespmem:s3+$0x8800]  }
0x14e: {  	v1 =	vld [tilespmem:s3+$0x10840];
	_ =	sdelay $0x2  }
0x14f: {  	s16 =	simm.s32 $0x0;
	s4 =	sand.u32 $0x40, s24;
	s18 =	sand.u32 $0xC00, s24  }
0x150: {  	s26 =	simm.s32 $0x0;
	s16 =	sand.u32 $0x1000, s16;
	s4 =	sor.u32 s4, s18  }
0x151: {  	s26 =	sand.u32 $0x380, s26;
	s4 =	sor.u32 s16, s4;
	v0 =	vadd.f32 v1, v0  }
0x152: {  	s4 =	sor.u32 s26, s4  }
0x153: {  	[tilespmem:s4+$0x14800] =	vst v0  }
0x154: {  	v0 =	vld [tilespmem:s3+$0x8810]  }
0x155: {  	v1 =	vld [tilespmem:s3+$0x10850];
	_ =	sdelay $0x4  }
0x156: {  	v0 =	vadd.f32 v1, v0  }
0x157: {  	s31 =	sadd.s32 $0x14800, s4  }
0x158: {  	[tilespmem:s31+$0x10] =	vst v0  }
0x159: {  	v0 =	vld [tilespmem:s3+$0x8820]  }
0x15a: {  	v1 =	vld [tilespmem:s3+$0x10860];
	_ =	sdelay $0x4  }
0x15b: {  	v0 =	vadd.f32 v1, v0;
	_ =	sdelay $0x1  }
0x15c: {  	[tilespmem:s31+$0x20] =	vst v0  }
0x15d: {  	v0 =	vld [tilespmem:s3+$0x8830]  }
0x15e: {  	s30 =	simm.s32 $0x0;
	s26 =	simm.s32 $0x200;
	v1 =	vld [tilespmem:s3+$0x10870]  }
.LBB2_12:
0x15f: {  	_ =	sdelay $0x1  }
0x160: {  	p1 =	sne.s32 s26, $0xFE00;
	s24 =	sadd.s32 $0x1, s24;
	s30 =	sadd.s32 $0x40, s30  }
0x161: {  	s3 =	smov.u32 s26;
	s26 =	sadd.s32 $0x200, s26  }
0x162: {  	v0 =	vadd.f32 v1, v0;
	_ =	sdelay $0x1  }
0x163: {  	s4 =	sshra.s32 s3, $0x2;
	[tilespmem:s31+$0x30] =	vst v0  }
0x164: {  	v0 =	vld [tilespmem:s4+$0x8800]  }
0x165: {  	v1 =	vld [tilespmem:s4+$0x10840];
	_ =	sdelay $0x1  }
0x166: {  	s16 =	sand.u32 $0x40, s30;
	s18 =	sshll.u32 s24, $0x6;
	s3 =	sand.u32 $0xC00, s3  }
0x167: {  	s18 =	sand.u32 $0x1000, s18;
	s3 =	sor.u32 s16, s3;
	s31 =	sshll.u32 s24, $0x4  }
0x168: {  	s3 =	sor.u32 s18, s3;
	s16 =	sand.u32 $0x380, s31  }
0x169: {  	s3 =	sor.u32 s16, s3;
	v0 =	vadd.f32 v1, v0;
	_ =	sdelay $0x1  }
0x16a: {  	[tilespmem:s3+$0x14800] =	vst v0  }
0x16b: {  	v0 =	vld [tilespmem:s4+$0x8810]  }
0x16c: {  	v1 =	vld [tilespmem:s4+$0x10850];
	_ =	sdelay $0x3  }
0x16d: {  	s31 =	sadd.s32 $0x14800, s3  }
0x16e: {  	v0 =	vadd.f32 v1, v0;
	_ =	sdelay $0x1  }
0x16f: {  	[tilespmem:s31+$0x10] =	vst v0  }
0x170: {  	v0 =	vld [tilespmem:s4+$0x8820]  }
0x171: {  	v1 =	vld [tilespmem:s4+$0x10860];
	_ =	sdelay $0x4  }
.Ltmp5:
0x172: {  	v0 =	vadd.f32 v1, v0;
	(pc) =	sbr.rel @p1 .LBB2_12-.Ltmp5, $4  }
0x173: {  	_ = 	snop  }
0x174: {  	[tilespmem:s31+$0x20] =	vst v0  }
0x175: {  	v0 =	vld [tilespmem:s4+$0x8830]  }
0x176: {  	v1 =	vld [tilespmem:s4+$0x10870]  }
0x177: {  	_ =	sdelay $0x3  }
0x178: {  	v0 =	vadd.f32 v1, v0;
	_ =	sdelay $0x1  }
0x179: {  	s24 =	simm.s32 $0x0;
	[tilespmem:s31+$0x30] =	vst v0  }
0x17a: {  	[hbm4b:s11+s24] =	stream.linear.scatter [tilespmem:s29], [sflag:$0x3], $0x2000, $0x38;
	[tilespmem:$0x16800] =	vst v63  }
0x17b: {  	_ =	swait.ge [sflag:s17], $0x2000  }
0x17c: {  	[sflag:s17] =	ssyncset.done $0x0  }
0x17d: {  	[sflag:s17] =	ssyncadd.s32 $0xFFFFE000  }
0x17e: {  	_ =	swait.ge [sflag:s22], $0x4000  }
0x17f: {  	[sflag:s22] =	ssyncset.done $0x0  }
0x180: {  	[sflag:s22] =	ssyncadd.s32 $0xFFFFC000  }
0x181: {  	_ =	swait.ge [sflag:s23], $0x4000  }
0x182: {  	[sflag:s23] =	ssyncset.done $0x0  }
0x183: {  	s3 =	simm.s32 $0x4380;
	[sflag:s23] =	ssyncadd.s32 $0xFFFFC000  }
0x184: {  	[tilespmem:s25], [sflag:$0x1] =	stream.indirect.gather [spmem:s1], $0x80, s3, s19, $0xb8;
	[tilespmem:$0x16800] =	vst v63  }
0x185: {  	s18 =	simm.s32 $0x4780;
	s3 =	simm.s32 $0x0  }
0x186: {  	[tilespmem:s28], [sflag:$0x2] =	stream.indirect.gather [spmem:s1], $0x80, s18, s19, $0xb8;
	[tilespmem:$0x16800] =	vst v63  }
0x187: {  	v0 =	vld [tilespmem:s3+$0x4800]  }
0x188: {  	v1 =	vld [tilespmem:s3+$0xC840];
	_ =	sdelay $0x2  }
0x189: {  	s16 =	simm.s32 $0x0;
	s4 =	sand.u32 $0x40, s24;
	s18 =	sand.u32 $0xC00, s24  }
0x18a: {  	s26 =	simm.s32 $0x0;
	s16 =	sand.u32 $0x1000, s16;
	s4 =	sor.u32 s4, s18  }
0x18b: {  	s26 =	sand.u32 $0x380, s26;
	s4 =	sor.u32 s16, s4;
	v0 =	vadd.f32 v1, v0  }
0x18c: {  	s4 =	sor.u32 s26, s4  }
0x18d: {  	[tilespmem:s4+$0x14800] =	vst v0  }
0x18e: {  	v0 =	vld [tilespmem:s3+$0x4810]  }
0x18f: {  	v1 =	vld [tilespmem:s3+$0xC850];
	_ =	sdelay $0x4  }
0x190: {  	v0 =	vadd.f32 v1, v0  }
0x191: {  	s31 =	sadd.s32 $0x14800, s4  }
0x192: {  	[tilespmem:s31+$0x10] =	vst v0  }
0x193: {  	v0 =	vld [tilespmem:s3+$0x4820]  }
0x194: {  	v1 =	vld [tilespmem:s3+$0xC860];
	_ =	sdelay $0x4  }
0x195: {  	v0 =	vadd.f32 v1, v0;
	_ =	sdelay $0x1  }
0x196: {  	[tilespmem:s31+$0x20] =	vst v0  }
0x197: {  	v0 =	vld [tilespmem:s3+$0x4830]  }
0x198: {  	s30 =	simm.s32 $0x0;
	s26 =	simm.s32 $0x1;
	v1 =	vld [tilespmem:s3+$0xC870]  }
.LBB2_14:
0x199: {  	_ =	sdelay $0x1  }
0x19a: {  	p1 =	sne.s32 s26, $0x7F;
	s24 =	sadd.s32 $0x200, s24;
	s30 =	sadd.s32 $0x40, s30  }
0x19b: {  	s3 =	smov.u32 s26;
	s26 =	sadd.s32 $0x1, s26  }
0x19c: {  	v0 =	vadd.f32 v1, v0;
	_ =	sdelay $0x1  }
0x19d: {  	s4 =	sshra.s32 s24, $0x2;
	[tilespmem:s31+$0x30] =	vst v0  }
0x19e: {  	v0 =	vld [tilespmem:s4+$0x4800]  }
0x19f: {  	v1 =	vld [tilespmem:s4+$0xC840];
	_ =	sdelay $0x1  }
0x1a0: {  	s16 =	sand.u32 $0x40, s30;
	s18 =	sshll.u32 s3, $0x6;
	s31 =	sand.u32 $0xC00, s24  }
0x1a1: {  	s3 =	sshll.u32 s3, $0x4;
	s18 =	sand.u32 $0x1000, s18;
	s16 =	sor.u32 s16, s31  }
0x1a2: {  	s3 =	sand.u32 $0x380, s3;
	s16 =	sor.u32 s18, s16  }
0x1a3: {  	s3 =	sor.u32 s3, s16;
	v0 =	vadd.f32 v1, v0;
	_ =	sdelay $0x1  }
0x1a4: {  	[tilespmem:s3+$0x14800] =	vst v0  }
0x1a5: {  	v0 =	vld [tilespmem:s4+$0x4810]  }
0x1a6: {  	v1 =	vld [tilespmem:s4+$0xC850];
	_ =	sdelay $0x3  }
0x1a7: {  	s31 =	sadd.s32 $0x14800, s3  }
0x1a8: {  	v0 =	vadd.f32 v1, v0;
	_ =	sdelay $0x1  }
0x1a9: {  	[tilespmem:s31+$0x10] =	vst v0  }
0x1aa: {  	v0 =	vld [tilespmem:s4+$0x4820]  }
0x1ab: {  	v1 =	vld [tilespmem:s4+$0xC860];
	_ =	sdelay $0x4  }
.Ltmp6:
0x1ac: {  	v0 =	vadd.f32 v1, v0;
	(pc) =	sbr.rel @p1 .LBB2_14-.Ltmp6, $4  }
0x1ad: {  	_ = 	snop  }
0x1ae: {  	[tilespmem:s31+$0x20] =	vst v0  }
0x1af: {  	v0 =	vld [tilespmem:s4+$0x4830]  }
0x1b0: {  	v1 =	vld [tilespmem:s4+$0xC870]  }
0x1b1: {  	_ =	sdelay $0x3  }
0x1b2: {  	v0 =	vadd.f32 v1, v0;
	_ =	sdelay $0x1  }
0x1b3: {  	s24 =	simm.s32 $0x0;
	[tilespmem:s31+$0x30] =	vst v0  }
0x1b4: {  	[hbm4b:s12+s24] =	stream.linear.scatter [tilespmem:s29], [sflag:$0x3], $0x2000, $0x38;
	[tilespmem:$0x16800] =	vst v63  }
0x1b5: {  	_ =	swait.ge [sflag:s17], $0x2000  }
0x1b6: {  	[sflag:s17] =	ssyncset.done $0x0  }
0x1b7: {  	[sflag:s17] =	ssyncadd.s32 $0xFFFFE000  }
0x1b8: {  	_ =	swait.ge [sflag:s22], $0x4000  }
0x1b9: {  	[sflag:s22] =	ssyncset.done $0x0  }
0x1ba: {  	[sflag:s22] =	ssyncadd.s32 $0xFFFFC000  }
0x1bb: {  	_ =	swait.ge [sflag:s23], $0x4000  }
0x1bc: {  	[sflag:s23] =	ssyncset.done $0x0  }
0x1bd: {  	s3 =	simm.s32 $0x0;
	[sflag:s23] =	ssyncadd.s32 $0xFFFFC000  }
0x1be: {  	v0 =	vld [tilespmem:s3+$0x8800]  }
0x1bf: {  	v1 =	vld [tilespmem:s3+$0x10840];
	_ =	sdelay $0x2  }
0x1c0: {  	s16 =	simm.s32 $0x0;
	s4 =	sand.u32 $0x40, s24;
	s18 =	sand.u32 $0xC00, s24  }
0x1c1: {  	s26 =	simm.s32 $0x0;
	s16 =	sand.u32 $0x1000, s16;
	s4 =	sor.u32 s4, s18  }
0x1c2: {  	s26 =	sand.u32 $0x380, s26;
	s4 =	sor.u32 s16, s4;
	v0 =	vadd.f32 v1, v0  }
0x1c3: {  	s4 =	sor.u32 s26, s4  }
0x1c4: {  	[tilespmem:s4+$0x14800] =	vst v0  }
0x1c5: {  	v0 =	vld [tilespmem:s3+$0x8810]  }
0x1c6: {  	v1 =	vld [tilespmem:s3+$0x10850];
	_ =	sdelay $0x4  }
0x1c7: {  	v0 =	vadd.f32 v1, v0  }
0x1c8: {  	s31 =	sadd.s32 $0x14800, s4  }
0x1c9: {  	[tilespmem:s31+$0x10] =	vst v0  }
0x1ca: {  	v0 =	vld [tilespmem:s3+$0x8820]  }
0x1cb: {  	v1 =	vld [tilespmem:s3+$0x10860];
	_ =	sdelay $0x4  }
0x1cc: {  	v0 =	vadd.f32 v1, v0;
	_ =	sdelay $0x1  }
0x1cd: {  	[tilespmem:s31+$0x20] =	vst v0  }
0x1ce: {  	v0 =	vld [tilespmem:s3+$0x8830]  }
0x1cf: {  	s30 =	simm.s32 $0x0;
	s26 =	simm.s32 $0x200;
	v1 =	vld [tilespmem:s3+$0x10870]  }
.LBB2_16:
0x1d0: {  	_ =	sdelay $0x1  }
0x1d1: {  	p1 =	sne.s32 s26, $0xFE00;
	s24 =	sadd.s32 $0x1, s24;
	s30 =	sadd.s32 $0x40, s30  }
0x1d2: {  	s3 =	smov.u32 s26;
	s26 =	sadd.s32 $0x200, s26  }
0x1d3: {  	v0 =	vadd.f32 v1, v0;
	_ =	sdelay $0x1  }
0x1d4: {  	s4 =	sshra.s32 s3, $0x2;
	[tilespmem:s31+$0x30] =	vst v0  }
0x1d5: {  	v0 =	vld [tilespmem:s4+$0x8800]  }
0x1d6: {  	v1 =	vld [tilespmem:s4+$0x10840];
	_ =	sdelay $0x1  }
0x1d7: {  	s16 =	sand.u32 $0x40, s30;
	s18 =	sshll.u32 s24, $0x6;
	s3 =	sand.u32 $0xC00, s3  }
0x1d8: {  	s18 =	sand.u32 $0x1000, s18;
	s3 =	sor.u32 s16, s3;
	s31 =	sshll.u32 s24, $0x4  }
0x1d9: {  	s3 =	sor.u32 s18, s3;
	s16 =	sand.u32 $0x380, s31  }
0x1da: {  	s3 =	sor.u32 s16, s3;
	v0 =	vadd.f32 v1, v0;
	_ =	sdelay $0x1  }
0x1db: {  	[tilespmem:s3+$0x14800] =	vst v0  }
0x1dc: {  	v0 =	vld [tilespmem:s4+$0x8810]  }
0x1dd: {  	v1 =	vld [tilespmem:s4+$0x10850];
	_ =	sdelay $0x3  }
0x1de: {  	s31 =	sadd.s32 $0x14800, s3  }
0x1df: {  	v0 =	vadd.f32 v1, v0;
	_ =	sdelay $0x1  }
0x1e0: {  	[tilespmem:s31+$0x10] =	vst v0  }
0x1e1: {  	v0 =	vld [tilespmem:s4+$0x8820]  }
0x1e2: {  	v1 =	vld [tilespmem:s4+$0x10860];
	_ =	sdelay $0x4  }
.Ltmp7:
0x1e3: {  	v0 =	vadd.f32 v1, v0;
	(pc) =	sbr.rel @p1 .LBB2_16-.Ltmp7, $4  }
0x1e4: {  	_ = 	snop  }
0x1e5: {  	[tilespmem:s31+$0x20] =	vst v0  }
0x1e6: {  	v0 =	vld [tilespmem:s4+$0x8830]  }
0x1e7: {  	v1 =	vld [tilespmem:s4+$0x10870]  }
0x1e8: {  	_ =	sdelay $0x3  }
0x1e9: {  	s0 =	sadd.s32 $0x1, s0;
	v0 =	vadd.f32 v1, v0  }
0x1ea: {  	p1 =	sne.s32 s0, s14  }
.Ltmp8:
0x1eb: {  	[tilespmem:s31+$0x30] =	vst v0;
	(pc) =	sbr.rel @p1 .LBB2_1-.Ltmp8, $4  }
0x1ec: {  	[hbm4b:s13+s2] =	stream.linear.scatter [tilespmem:s29], [sflag:$0x3], $0x2000, $0x38;
	[tilespmem:$0x16800] =	vst v63  }
0x1ed: {  	_ =	swait.ge [sflag:s17], $0x2000  }
0x1ee: {  	[sflag:s17] =	ssyncset.done $0x0  }
0x1ef: {  	[sflag:s17] =	ssyncadd.s32 $0xFFFFE000  }
0x1f0: {  	_ =	sfence.sel $0x180000  }
0x1f1: {  	[bflag:$0x0] =	sbarrier.arrive $0xFFFF  }
0x1f2: {  	_ =	strace $0x90000047  }
0x1f3: {  	[bflag:$0x2] =	sbarrier.arrive $0xFFFF  }
0x1f4: {  	s0 =	rddreg [dreg:$0x2]  }
0x1f5: {  	s0 =	sadd.s32 @!p0 $0x100000, s0  }
0x1f6: {  	[sflag:s0] =	ssyncadd.tile.s32 @!p0 $0x1;
	_ =	shalt  }
.Lfunc_end2:
_tile_overlayer_lowered:
.L_overlay_start_2:
0x1f7: {  	(tag) =	ssettag $0x2  }
0x1f8: {  	s0 =	rddreg [dreg:$0x0];
	s2 =	stileid.u32  }
0x1f9: {  	s1 =	rddreg [dreg:$0x1];
	p0 =	sne.s32 s2, $0x0  }
0x1fa: {  	s3 =	rddreg [dreg:$0x2];
	[bflag:$0x3] =	sbarrier.arrive $0xFFFF;
	s2 =	simm.s32 @!p0 $0x1C03  }
0x1fb: {  	[timem:s3], [sflag:s2] =	dma.local @!p0 [hbm:s0], s1  }
0x1fc: {  	s0 =	simm.s32 @!p0 $0x3  }
0x1fd: {  	_ =	swait.ge @!p0 [sflag:s0], s1  }
0x1fe: {  	s1 =	ssub.s32 @!p0 $0x0, s1;
	[sflag:s0] =	ssyncset.done @!p0 $0x0  }
0x1ff: {  	[sflag:s0] =	ssyncadd.s32 @!p0 s1  }
0x200: {  	[bflag:$0x3] =	sbarrier.arrive $0xFFFF  }
0x201: {  	_ =	shalt  }

</sc_bundles>
